<compile_context>
chip_gen: v7x
topology: tpu7x:2x2x1
jax: 0.10.2.dev20260603
libtpu: 0.0.44.dev20260713+nightly
codegen_flags: <defaults>
</compile_context>

<pallas_src>
import functools

import jax
import jax.numpy as jnp
from jax import lax
from jax.experimental import pallas as pl
from jax.experimental.pallas import tpu as pltpu
from jax.experimental.pallas import tpu_sc as plsc

B = 16384
F = 32
L = 16
NC = 2
NS = 16
NW = NC * NS
BPW = B // NW
G = 4
NWAVE = BPW // G
SLOTS = 3

_mesh = plsc.VectorSubcoreMesh(core_axis_name="c", subcore_axis_name="s")


@functools.partial(
    pl.kernel,
    mesh=_mesh,
    out_type=jax.ShapeDtypeStruct((B,), jnp.float32),
    scratch_types=[
        pltpu.VMEM((BPW,), jnp.int32),
        pltpu.VMEM((BPW,), jnp.int32),
        pltpu.VMEM((SLOTS, G, F, 128), jnp.float32),
        pltpu.VMEM((SLOTS, G, F, 128), jnp.float32),
        pltpu.VMEM((BPW,), jnp.float32),
        pltpu.SemaphoreType.DMA((SLOTS,)),
        pltpu.SemaphoreType.DMA((SLOTS,)),
    ],
    compiler_params=pltpu.CompilerParams(needs_layout_passes=False),
)
def _mf_score(users_hbm, items_hbm, uwt_hbm, iwt_hbm, out_hbm,
              uidx_v, iidx_v, ubuf_v, ibuf_v, out_v, usem, vsem):
    wid = lax.axis_index("s") * NC + lax.axis_index("c")
    base = wid * BPW

    pltpu.sync_copy(users_hbm.at[pl.ds(base, BPW)], uidx_v)
    pltpu.sync_copy(items_hbm.at[pl.ds(base, BPW)], iidx_v)

    lanes = lax.iota(jnp.int32, L)

    def scalar_at(vec, lane):
        return jnp.sum(jnp.where(lanes == lane, vec, 0))

    def wave_groups(w):
        uvec = uidx_v[pl.ds((w // G) * L, L)]
        ugs = []
        for jj in range(G):
            lane = (w % G) * G + jj
            ugs.append(lax.shift_right_logical(scalar_at(uvec, lane), 7))
        news = [None] + [ugs[jj] != ugs[jj - 1] for jj in range(1, G)]
        return ugs, news

    def fire_wave(w, slot):
        ivec = iidx_v[pl.ds((w // G) * L, L)]
        ugs, news = wave_groups(w)
        for jj in range(G):
            lane = (w % G) * G + jj
            ug = pl.multiple_of(ugs[jj] * 128, 128)
            ig = pl.multiple_of(
                lax.shift_right_logical(scalar_at(ivec, lane), 7) * 128, 128)

            def fire_u(ug=ug, jj=jj):
                pltpu.async_copy(uwt_hbm.at[:, pl.ds(ug, 128)],
                                 ubuf_v.at[slot, jj], usem.at[slot])

            if jj == 0:
                fire_u()
            else:
                pl.when(news[jj])(fire_u)
            pltpu.async_copy(iwt_hbm.at[:, pl.ds(ig, 128)],
                             ibuf_v.at[slot, jj], vsem.at[slot])

    def drain_wave(w, slot):
        _, news = wave_groups(w)

        def drain_u(slot=slot):
            pltpu.make_async_copy(
                uwt_hbm.at[:, pl.ds(0, 128)],
                ubuf_v.at[slot, 0], usem.at[slot]).wait()

        drain_u()
        for jj in range(1, G):
            pl.when(news[jj])(drain_u)
        pltpu.make_async_copy(
            iwt_hbm.at[:, pl.ds(0, G * 128)],
            ibuf_v.at[slot].reshape(G * F, 128), vsem.at[slot]).wait()

    fire_wave(0, 0)
    fire_wave(1, 1)

    def wave(w, acc):
        slot = lax.rem(w, SLOTS)

        @pl.when(w + 2 < NWAVE)
        def _():
            fire_wave(w + 2, lax.rem(w + 2, SLOTS))

        drain_wave(w, slot)

        uvec = uidx_v[pl.ds((w // G) * L, L)]
        ivec = iidx_v[pl.ds((w // G) * L, L)]
        _, news = wave_groups(w)
        src = jnp.int32(0)
        for jj in range(G):
            j = w * G + jj
            lane = (w % G) * G + jj
            if jj > 0:
                src = jnp.where(news[jj], jj, src)
            uc = scalar_at(uvec, lane) & 127
            ic = scalar_at(ivec, lane) & 127
            u0 = plsc.load_gather(ubuf_v.at[slot, src],
                                  [lanes, jnp.full((L,), uc, jnp.int32)])
            u1 = plsc.load_gather(ubuf_v.at[slot, src],
                                  [lanes + L, jnp.full((L,), uc, jnp.int32)])
            v0 = plsc.load_gather(ibuf_v.at[slot, jj],
                                  [lanes, jnp.full((L,), ic, jnp.int32)])
            v1 = plsc.load_gather(ibuf_v.at[slot, jj],
                                  [lanes + L, jnp.full((L,), ic, jnp.int32)])
            s = jnp.sum(u0 * v0 + u1 * v1)
            sel = lanes == (j % L)
            acc = jnp.where(sel, s, acc)

        @pl.when((w & (L // G - 1)) == (L // G - 1))
        def _():
            out_v[pl.ds((w // (L // G)) * L, L)] = acc

        return acc

    lax.fori_loop(0, NWAVE, wave, jnp.zeros((L,), jnp.float32))

    pltpu.sync_copy(out_v, out_hbm.at[pl.ds(base, BPW)])


def kernel(users, items, user_weight, item_weight):
    users = users.astype(jnp.int32)
    items = items.astype(jnp.int32)
    order = jnp.argsort(users)
    res = _mf_score(jnp.take(users, order), jnp.take(items, order),
                    user_weight.T, item_weight.T)
    inv = jnp.zeros_like(order).at[order].set(
        jnp.arange(B, dtype=order.dtype))
    return jnp.take(res, inv)

# --- scband reference (transcript-rebuilt; emitter-appended) ---
"""Pipeline reference for scband-mf-49469433316102 (READ-ONLY COPY).

The authoritative reference and input builder live on the scoring server;
editing this copy changes nothing except your own understanding.
"""

import jax, jax.numpy as jnp
import numpy as np

N_USERS = 1000000
N_ITEMS = 1000000
FACTORS = 32
BATCH = 16384


def setup_inputs(seed: int = 0) -> dict:
    key = jax.random.key(seed)
    k1, k2, k3, k4 = jax.random.split(key, 4)
    users = jax.random.randint(k1, (BATCH,), 0, N_USERS, dtype=jnp.int64 if jax.config.jax_enable_x64 else jnp.int32)
    items = jax.random.randint(k2, (BATCH,), 0, N_ITEMS, dtype=jnp.int64 if jax.config.jax_enable_x64 else jnp.int32)
    user_weight = jax.random.normal(k3, (N_USERS, FACTORS), dtype=jnp.float32) * 0.05
    item_weight = jax.random.normal(k4, (N_ITEMS, FACTORS), dtype=jnp.float32) * 0.05
    return {"users": users, "items": items, "user_weight": user_weight, "item_weight": item_weight}


def reference(users, items, user_weight, item_weight):
    # MF.score: (self.user(users) * self.item(items)).sum(dim=-1)
    u = jnp.take(user_weight, users, axis=0)  # [B, F] gather
    v = jnp.take(item_weight, items, axis=0)  # [B, F] gather
    return (u * v).sum(axis=-1)  # [B]

if __name__ == "__main__":
    import jax
    _d = setup_inputs()
    print(jax.jit(kernel)(*tuple(_d.values())))

</pallas_src>

<mosaic_0001>
#map = affine_map<(d0, d1) -> (0)>
#map1 = affine_map<(d0, d1) -> (0, 0)>
module attributes {stable_mosaic.version = 14 : i64} {
  func.func @_mf_score(%arg0: i32, %arg1: i32, %arg2: memref<16384xi32, #tpu.memory_space<hbm>>, %arg3: memref<16384xi32, #tpu.memory_space<hbm>>, %arg4: memref<32x1000000xf32, #tpu.memory_space<hbm>>, %arg5: memref<32x1000000xf32, #tpu.memory_space<hbm>>, %arg6: memref<16384xf32, #tpu.memory_space<hbm>>, %arg7: memref<512xi32, #tpu.memory_space<vmem>>, %arg8: memref<512xi32, #tpu.memory_space<vmem>>, %arg9: memref<3x4x32x128xf32, #tpu.memory_space<vmem>>, %arg10: memref<3x4x32x128xf32, #tpu.memory_space<vmem>>, %arg11: memref<512xf32, #tpu.memory_space<vmem>>, %arg12: memref<3x!tpu.dma_semaphore, #tpu.memory_space<semaphore_mem>>, %arg13: memref<3x!tpu.dma_semaphore, #tpu.memory_space<semaphore_mem>>) attributes {dimension_semantics = [#tpu.dimension_semantics<core_parallel>, #tpu.dimension_semantics<subcore_parallel>], iteration_bounds = array<i64: 2, 16>, scalar_prefetch = 0 : i64, scratch_operands = 7 : i64, tpu.core_type = #tpu.core_type<sc_vector_subcore>, window_params = [{transform_indices = #map}, {transform_indices = #map}, {transform_indices = #map1}, {transform_indices = #map1}, {transform_indices = #map}]} {
    %mul3A = arith.constant 2 : i32
    %mul3A_0 = arith.muli %arg1, %mul3A : i32
    %add3A = arith.addi %mul3A_0, %arg0 : i32
    %mul3A_1 = arith.constant 512 : i32
    %mul3A_2 = arith.muli %add3A, %mul3A_1 : i32
    "tpu.region"() ({
      %run_scoped3A = tpu.sem_alloc : memref<!tpu.dma_semaphore, #tpu.memory_space<semaphore_mem>>
      %dma_start3A_440 = tpu.memref_slice %arg2[%mul3A_2] : memref<16384xi32, #tpu.memory_space<hbm>> -> memref<512xi32, #tpu.memory_space<hbm>>
      %dma_start3A_441 = tpu.memref_slice %arg2[%mul3A_2] : memref<16384xi32, #tpu.memory_space<hbm>> -> memref<512xi32, #tpu.memory_space<hbm>>
      tpu.enqueue_dma source(%dma_start3A_441 : memref<512xi32, #tpu.memory_space<hbm>>) target(%arg7 : memref<512xi32, #tpu.memory_space<vmem>>) target_semaphore(%run_scoped3A : memref<!tpu.dma_semaphore, #tpu.memory_space<semaphore_mem>>)
      %dma_wait3A = tpu.memref_slice %arg2[%mul3A_2] : memref<16384xi32, #tpu.memory_space<hbm>> -> memref<512xi32, #tpu.memory_space<hbm>>
      %dma_wait3A_442 = tpu.memref_slice %arg2[%mul3A_2] : memref<16384xi32, #tpu.memory_space<hbm>> -> memref<512xi32, #tpu.memory_space<hbm>>
      tpu.wait_dma2 semaphore(%run_scoped3A : memref<!tpu.dma_semaphore, #tpu.memory_space<semaphore_mem>>) src(%dma_wait3A_442 : memref<512xi32, #tpu.memory_space<hbm>>) dst(%arg7 : memref<512xi32, #tpu.memory_space<vmem>>)
      tpu.yield
    }) : () -> ()
    "tpu.region"() ({
      %run_scoped3A = tpu.sem_alloc : memref<!tpu.dma_semaphore, #tpu.memory_space<semaphore_mem>>
      %dma_start3A_440 = tpu.memref_slice %arg3[%mul3A_2] : memref<16384xi32, #tpu.memory_space<hbm>> -> memref<512xi32, #tpu.memory_space<hbm>>
      %dma_start3A_441 = tpu.memref_slice %arg3[%mul3A_2] : memref<16384xi32, #tpu.memory_space<hbm>> -> memref<512xi32, #tpu.memory_space<hbm>>
      tpu.enqueue_dma source(%dma_start3A_441 : memref<512xi32, #tpu.memory_space<hbm>>) target(%arg8 : memref<512xi32, #tpu.memory_space<vmem>>) target_semaphore(%run_scoped3A : memref<!tpu.dma_semaphore, #tpu.memory_space<semaphore_mem>>)
      %dma_wait3A = tpu.memref_slice %arg3[%mul3A_2] : memref<16384xi32, #tpu.memory_space<hbm>> -> memref<512xi32, #tpu.memory_space<hbm>>
      %dma_wait3A_442 = tpu.memref_slice %arg3[%mul3A_2] : memref<16384xi32, #tpu.memory_space<hbm>> -> memref<512xi32, #tpu.memory_space<hbm>>
      tpu.wait_dma2 semaphore(%run_scoped3A : memref<!tpu.dma_semaphore, #tpu.memory_space<semaphore_mem>>) src(%dma_wait3A_442 : memref<512xi32, #tpu.memory_space<hbm>>) dst(%arg8 : memref<512xi32, #tpu.memory_space<vmem>>)
      tpu.yield
    }) : () -> ()
    %iota3A = tpu.iota {dimensions = array<i32: 0>} : vector<16xi32>
    %get3A = arith.constant 0 : index
    %get3A_3 = tpu.vector_load %arg8[%get3A] {strides = array<i32>} : memref<512xi32, #tpu.memory_space<vmem>>, vector<16xi32>,
    %get3A_4 = arith.constant 0 : index
    %get3A_5 = tpu.vector_load %arg7[%get3A_4] {strides = array<i32>} : memref<512xi32, #tpu.memory_space<vmem>>, vector<16xi32>,
    %eq3A = arith.constant 0 : i32
    %eq3A_6 = vector.broadcast %eq3A : i32 to vector<16xi32>
    %eq3A_7 = arith.cmpi eq, %iota3A, %eq3A_6 : vector<16xi32>
    %jit3A = arith.constant 0 : i32
    %broadcast_in_dim3A = vector.broadcast %jit3A : i32 to vector<16xi32>
    %select_n3A = arith.select %eq3A_7, %get3A_5, %broadcast_in_dim3A : vector<16xi1>, vector<16xi32>
    %reduce_sum3A = arith.constant true
    %reduce_sum3A_8 = vector.broadcast %reduce_sum3A : i1 to vector<16xi1>
    %reduce_sum3A_9 = tpu.scan <sum>, %select_n3A masked %reduce_sum3A_8 : vector<16xi32>, vector<16xi1> -> vector<16xi32>
    %reduce_sum3A_10 = vector.extract %reduce_sum3A_9[15] : i32 from vector<16xi32>
    %shift_right_logical3A = arith.constant 7 : i32
    %shift_right_logical3A_11 = arith.shrui %reduce_sum3A_10, %shift_right_logical3A : i32
    %eq3A_12 = arith.constant 1 : i32
    %eq3A_13 = vector.broadcast %eq3A_12 : i32 to vector<16xi32>
    %eq3A_14 = arith.cmpi eq, %iota3A, %eq3A_13 : vector<16xi32>
    %jit3A_15 = arith.constant 0 : i32
    %broadcast_in_dim3A_16 = vector.broadcast %jit3A_15 : i32 to vector<16xi32>
    %select_n3A_17 = arith.select %eq3A_14, %get3A_5, %broadcast_in_dim3A_16 : vector<16xi1>, vector<16xi32>
    %reduce_sum3A_18 = arith.constant true
    %reduce_sum3A_19 = vector.broadcast %reduce_sum3A_18 : i1 to vector<16xi1>
    %reduce_sum3A_20 = tpu.scan <sum>, %select_n3A_17 masked %reduce_sum3A_19 : vector<16xi32>, vector<16xi1> -> vector<16xi32>
    %reduce_sum3A_21 = vector.extract %reduce_sum3A_20[15] : i32 from vector<16xi32>
    %shift_right_logical3A_22 = arith.constant 7 : i32
    %shift_right_logical3A_23 = arith.shrui %reduce_sum3A_21, %shift_right_logical3A_22 : i32
    %eq3A_24 = arith.constant 2 : i32
    %eq3A_25 = vector.broadcast %eq3A_24 : i32 to vector<16xi32>
    %eq3A_26 = arith.cmpi eq, %iota3A, %eq3A_25 : vector<16xi32>
    %jit3A_27 = arith.constant 0 : i32
    %broadcast_in_dim3A_28 = vector.broadcast %jit3A_27 : i32 to vector<16xi32>
    %select_n3A_29 = arith.select %eq3A_26, %get3A_5, %broadcast_in_dim3A_28 : vector<16xi1>, vector<16xi32>
    %reduce_sum3A_30 = arith.constant true
    %reduce_sum3A_31 = vector.broadcast %reduce_sum3A_30 : i1 to vector<16xi1>
    %reduce_sum3A_32 = tpu.scan <sum>, %select_n3A_29 masked %reduce_sum3A_31 : vector<16xi32>, vector<16xi1> -> vector<16xi32>
    %reduce_sum3A_33 = vector.extract %reduce_sum3A_32[15] : i32 from vector<16xi32>
    %shift_right_logical3A_34 = arith.constant 7 : i32
    %shift_right_logical3A_35 = arith.shrui %reduce_sum3A_33, %shift_right_logical3A_34 : i32
    %eq3A_36 = arith.constant 3 : i32
    %eq3A_37 = vector.broadcast %eq3A_36 : i32 to vector<16xi32>
    %eq3A_38 = arith.cmpi eq, %iota3A, %eq3A_37 : vector<16xi32>
    %jit3A_39 = arith.constant 0 : i32
    %broadcast_in_dim3A_40 = vector.broadcast %jit3A_39 : i32 to vector<16xi32>
    %select_n3A_41 = arith.select %eq3A_38, %get3A_5, %broadcast_in_dim3A_40 : vector<16xi1>, vector<16xi32>
    %reduce_sum3A_42 = arith.constant true
    %reduce_sum3A_43 = vector.broadcast %reduce_sum3A_42 : i1 to vector<16xi1>
    %reduce_sum3A_44 = tpu.scan <sum>, %select_n3A_41 masked %reduce_sum3A_43 : vector<16xi32>, vector<16xi1> -> vector<16xi32>
    %reduce_sum3A_45 = vector.extract %reduce_sum3A_44[15] : i32 from vector<16xi32>
    %shift_right_logical3A_46 = arith.constant 7 : i32
    %shift_right_logical3A_47 = arith.shrui %reduce_sum3A_45, %shift_right_logical3A_46 : i32
    %ne3A = arith.cmpi ne, %shift_right_logical3A_23, %shift_right_logical3A_11 : i32
    %ne3A_48 = arith.cmpi ne, %shift_right_logical3A_35, %shift_right_logical3A_23 : i32
    %ne3A_49 = arith.cmpi ne, %shift_right_logical3A_47, %shift_right_logical3A_35 : i32
    %mul3A_50 = arith.constant 128 : i32
    %mul3A_51 = arith.muli %shift_right_logical3A_11, %mul3A_50 : i32
    %multiple_of3A = tpu.assume_multiple %mul3A_51, 128 : i32
    %eq3A_52 = arith.constant 0 : i32
    %eq3A_53 = vector.broadcast %eq3A_52 : i32 to vector<16xi32>
    %eq3A_54 = arith.cmpi eq, %iota3A, %eq3A_53 : vector<16xi32>
    %jit3A_55 = arith.constant 0 : i32
    %broadcast_in_dim3A_56 = vector.broadcast %jit3A_55 : i32 to vector<16xi32>
    %select_n3A_57 = arith.select %eq3A_54, %get3A_3, %broadcast_in_dim3A_56 : vector<16xi1>, vector<16xi32>
    %reduce_sum3A_58 = arith.constant true
    %reduce_sum3A_59 = vector.broadcast %reduce_sum3A_58 : i1 to vector<16xi1>
    %reduce_sum3A_60 = tpu.scan <sum>, %select_n3A_57 masked %reduce_sum3A_59 : vector<16xi32>, vector<16xi1> -> vector<16xi32>
    %reduce_sum3A_61 = vector.extract %reduce_sum3A_60[15] : i32 from vector<16xi32>
    %shift_right_logical3A_62 = arith.constant 7 : i32
    %shift_right_logical3A_63 = arith.shrui %reduce_sum3A_61, %shift_right_logical3A_62 : i32
    %mul3A_64 = arith.constant 128 : i32
    %mul3A_65 = arith.muli %shift_right_logical3A_63, %mul3A_64 : i32
    %multiple_of3A_66 = tpu.assume_multiple %mul3A_65, 128 : i32
    %dma_start3A = arith.constant 0 : i32
    %dma_start3A_67 = arith.constant 0 : i32
    %dma_start3A_68 = arith.constant 0 : i32
    %dma_start3A_69 = arith.constant 0 : i32
    %dma_start3A_70 = arith.constant 0 : i32
    %dma_start3A_71 = tpu.memref_slice %arg9[%dma_start3A, %dma_start3A_67, %dma_start3A_69, %dma_start3A_70] : memref<3x4x32x128xf32, #tpu.memory_space<vmem>> -> memref<1x1x32x128xf32, #tpu.memory_space<vmem>>
    %dma_start3A_72 = tpu.memref_squeeze %dma_start3A_71 : memref<1x1x32x128xf32, #tpu.memory_space<vmem>> -> memref<32x128xf32, #tpu.memory_space<vmem>>
    %dma_start3A_73 = arith.constant 0 : i32
    %dma_start3A_74 = tpu.memref_slice %arg4[%dma_start3A_73, %multiple_of3A] : memref<32x1000000xf32, #tpu.memory_space<hbm>> -> memref<32x128xf32, #tpu.memory_space<hbm>>
    %dma_start3A_75 = tpu.memref_slice %arg12[%dma_start3A_68] : memref<3x!tpu.dma_semaphore, #tpu.memory_space<semaphore_mem>> -> memref<1x!tpu.dma_semaphore, #tpu.memory_space<semaphore_mem>>
    %dma_start3A_76 = tpu.memref_squeeze %dma_start3A_75 : memref<1x!tpu.dma_semaphore, #tpu.memory_space<semaphore_mem>> -> memref<!tpu.dma_semaphore, #tpu.memory_space<semaphore_mem>>
    %dma_start3A_77 = arith.constant 0 : i32
    %dma_start3A_78 = arith.constant 0 : i32
    %dma_start3A_79 = tpu.memref_slice %arg9[%dma_start3A, %dma_start3A_67, %dma_start3A_77, %dma_start3A_78] : memref<3x4x32x128xf32, #tpu.memory_space<vmem>> -> memref<1x1x32x128xf32, #tpu.memory_space<vmem>>
    %dma_start3A_80 = tpu.memref_squeeze %dma_start3A_79 : memref<1x1x32x128xf32, #tpu.memory_space<vmem>> -> memref<32x128xf32, #tpu.memory_space<vmem>>
    %dma_start3A_81 = arith.constant 0 : i32
    %dma_start3A_82 = tpu.memref_slice %arg4[%dma_start3A_81, %multiple_of3A] : memref<32x1000000xf32, #tpu.memory_space<hbm>> -> memref<32x128xf32, #tpu.memory_space<hbm>>
    tpu.enqueue_dma source(%dma_start3A_82 : memref<32x128xf32, #tpu.memory_space<hbm>>) target(%dma_start3A_80 : memref<32x128xf32, #tpu.memory_space<vmem>>) target_semaphore(%dma_start3A_76 : memref<!tpu.dma_semaphore, #tpu.memory_space<semaphore_mem>>)
    %dma_start3A_83 = arith.constant 0 : i32
    %dma_start3A_84 = arith.constant 0 : i32
    %dma_start3A_85 = arith.constant 0 : i32
    %dma_start3A_86 = arith.constant 0 : i32
    %dma_start3A_87 = arith.constant 0 : i32
    %dma_start3A_88 = tpu.memref_slice %arg10[%dma_start3A_83, %dma_start3A_84, %dma_start3A_86, %dma_start3A_87] : memref<3x4x32x128xf32, #tpu.memory_space<vmem>> -> memref<1x1x32x128xf32, #tpu.memory_space<vmem>>
    %dma_start3A_89 = tpu.memref_squeeze %dma_start3A_88 : memref<1x1x32x128xf32, #tpu.memory_space<vmem>> -> memref<32x128xf32, #tpu.memory_space<vmem>>
    %dma_start3A_90 = arith.constant 0 : i32
    %dma_start3A_91 = tpu.memref_slice %arg5[%dma_start3A_90, %multiple_of3A_66] : memref<32x1000000xf32, #tpu.memory_space<hbm>> -> memref<32x128xf32, #tpu.memory_space<hbm>>
    %dma_start3A_92 = tpu.memref_slice %arg13[%dma_start3A_85] : memref<3x!tpu.dma_semaphore, #tpu.memory_space<semaphore_mem>> -> memref<1x!tpu.dma_semaphore, #tpu.memory_space<semaphore_mem>>
    %dma_start3A_93 = tpu.memref_squeeze %dma_start3A_92 : memref<1x!tpu.dma_semaphore, #tpu.memory_space<semaphore_mem>> -> memref<!tpu.dma_semaphore, #tpu.memory_space<semaphore_mem>>
    %dma_start3A_94 = arith.constant 0 : i32
    %dma_start3A_95 = arith.constant 0 : i32
    %dma_start3A_96 = tpu.memref_slice %arg10[%dma_start3A_83, %dma_start3A_84, %dma_start3A_94, %dma_start3A_95] : memref<3x4x32x128xf32, #tpu.memory_space<vmem>> -> memref<1x1x32x128xf32, #tpu.memory_space<vmem>>
    %dma_start3A_97 = tpu.memref_squeeze %dma_start3A_96 : memref<1x1x32x128xf32, #tpu.memory_space<vmem>> -> memref<32x128xf32, #tpu.memory_space<vmem>>
    %dma_start3A_98 = arith.constant 0 : i32
    %dma_start3A_99 = tpu.memref_slice %arg5[%dma_start3A_98, %multiple_of3A_66] : memref<32x1000000xf32, #tpu.memory_space<hbm>> -> memref<32x128xf32, #tpu.memory_space<hbm>>
    tpu.enqueue_dma source(%dma_start3A_99 : memref<32x128xf32, #tpu.memory_space<hbm>>) target(%dma_start3A_97 : memref<32x128xf32, #tpu.memory_space<vmem>>) target_semaphore(%dma_start3A_93 : memref<!tpu.dma_semaphore, #tpu.memory_space<semaphore_mem>>)
    %mul3A_100 = arith.constant 128 : i32
    %mul3A_101 = arith.muli %shift_right_logical3A_23, %mul3A_100 : i32
    %multiple_of3A_102 = tpu.assume_multiple %mul3A_101, 128 : i32
    %eq3A_103 = arith.constant 1 : i32
    %eq3A_104 = vector.broadcast %eq3A_103 : i32 to vector<16xi32>
    %eq3A_105 = arith.cmpi eq, %iota3A, %eq3A_104 : vector<16xi32>
    %jit3A_106 = arith.constant 0 : i32
    %broadcast_in_dim3A_107 = vector.broadcast %jit3A_106 : i32 to vector<16xi32>
    %select_n3A_108 = arith.select %eq3A_105, %get3A_3, %broadcast_in_dim3A_107 : vector<16xi1>, vector<16xi32>
    %reduce_sum3A_109 = arith.constant true
    %reduce_sum3A_110 = vector.broadcast %reduce_sum3A_109 : i1 to vector<16xi1>
    %reduce_sum3A_111 = tpu.scan <sum>, %select_n3A_108 masked %reduce_sum3A_110 : vector<16xi32>, vector<16xi1> -> vector<16xi32>
    %reduce_sum3A_112 = vector.extract %reduce_sum3A_111[15] : i32 from vector<16xi32>
    %shift_right_logical3A_113 = arith.constant 7 : i32
    %shift_right_logical3A_114 = arith.shrui %reduce_sum3A_112, %shift_right_logical3A_113 : i32
    %mul3A_115 = arith.constant 128 : i32
    %mul3A_116 = arith.muli %shift_right_logical3A_114, %mul3A_115 : i32
    %multiple_of3A_117 = tpu.assume_multiple %mul3A_116, 128 : i32
    %convert_element_type3A = arith.extui %ne3A : i1 to i32
    %cond3A = arith.constant 0 : i32
    %cond3A_118 = arith.cmpi ne, %convert_element_type3A, %cond3A : i32
    scf.if %cond3A_118 {
      %dma_start3A_440 = arith.constant 0 : i32
      %dma_start3A_441 = arith.constant 1 : i32
      %dma_start3A_442 = arith.constant 0 : i32
      %dma_start3A_443 = arith.constant 0 : i32
      %dma_start3A_444 = arith.constant 0 : i32
      %dma_start3A_445 = tpu.memref_slice %arg9[%dma_start3A_440, %dma_start3A_441, %dma_start3A_443, %dma_start3A_444] : memref<3x4x32x128xf32, #tpu.memory_space<vmem>> -> memref<1x1x32x128xf32, #tpu.memory_space<vmem>>
      %dma_start3A_446 = tpu.memref_squeeze %dma_start3A_445 : memref<1x1x32x128xf32, #tpu.memory_space<vmem>> -> memref<32x128xf32, #tpu.memory_space<vmem>>
      %dma_start3A_447 = arith.constant 0 : i32
      %dma_start3A_448 = tpu.memref_slice %arg4[%dma_start3A_447, %multiple_of3A_102] : memref<32x1000000xf32, #tpu.memory_space<hbm>> -> memref<32x128xf32, #tpu.memory_space<hbm>>
      %dma_start3A_449 = tpu.memref_slice %arg12[%dma_start3A_442] : memref<3x!tpu.dma_semaphore, #tpu.memory_space<semaphore_mem>> -> memref<1x!tpu.dma_semaphore, #tpu.memory_space<semaphore_mem>>
      %dma_start3A_450 = tpu.memref_squeeze %dma_start3A_449 : memref<1x!tpu.dma_semaphore, #tpu.memory_space<semaphore_mem>> -> memref<!tpu.dma_semaphore, #tpu.memory_space<semaphore_mem>>
      %dma_start3A_451 = arith.constant 0 : i32
      %dma_start3A_452 = arith.constant 0 : i32
      %dma_start3A_453 = tpu.memref_slice %arg9[%dma_start3A_440, %dma_start3A_441, %dma_start3A_451, %dma_start3A_452] : memref<3x4x32x128xf32, #tpu.memory_space<vmem>> -> memref<1x1x32x128xf32, #tpu.memory_space<vmem>>
      %dma_start3A_454 = tpu.memref_squeeze %dma_start3A_453 : memref<1x1x32x128xf32, #tpu.memory_space<vmem>> -> memref<32x128xf32, #tpu.memory_space<vmem>>
      %dma_start3A_455 = arith.constant 0 : i32
      %dma_start3A_456 = tpu.memref_slice %arg4[%dma_start3A_455, %multiple_of3A_102] : memref<32x1000000xf32, #tpu.memory_space<hbm>> -> memref<32x128xf32, #tpu.memory_space<hbm>>
      tpu.enqueue_dma source(%dma_start3A_456 : memref<32x128xf32, #tpu.memory_space<hbm>>) target(%dma_start3A_454 : memref<32x128xf32, #tpu.memory_space<vmem>>) target_semaphore(%dma_start3A_450 : memref<!tpu.dma_semaphore, #tpu.memory_space<semaphore_mem>>)
    } else {
    }
    %dma_start3A_119 = arith.constant 0 : i32
    %dma_start3A_120 = arith.constant 1 : i32
    %dma_start3A_121 = arith.constant 0 : i32
    %dma_start3A_122 = arith.constant 0 : i32
    %dma_start3A_123 = arith.constant 0 : i32
    %dma_start3A_124 = tpu.memref_slice %arg10[%dma_start3A_119, %dma_start3A_120, %dma_start3A_122, %dma_start3A_123] : memref<3x4x32x128xf32, #tpu.memory_space<vmem>> -> memref<1x1x32x128xf32, #tpu.memory_space<vmem>>
    %dma_start3A_125 = tpu.memref_squeeze %dma_start3A_124 : memref<1x1x32x128xf32, #tpu.memory_space<vmem>> -> memref<32x128xf32, #tpu.memory_space<vmem>>
    %dma_start3A_126 = arith.constant 0 : i32
    %dma_start3A_127 = tpu.memref_slice %arg5[%dma_start3A_126, %multiple_of3A_117] : memref<32x1000000xf32, #tpu.memory_space<hbm>> -> memref<32x128xf32, #tpu.memory_space<hbm>>
    %dma_start3A_128 = tpu.memref_slice %arg13[%dma_start3A_121] : memref<3x!tpu.dma_semaphore, #tpu.memory_space<semaphore_mem>> -> memref<1x!tpu.dma_semaphore, #tpu.memory_space<semaphore_mem>>
    %dma_start3A_129 = tpu.memref_squeeze %dma_start3A_128 : memref<1x!tpu.dma_semaphore, #tpu.memory_space<semaphore_mem>> -> memref<!tpu.dma_semaphore, #tpu.memory_space<semaphore_mem>>
    %dma_start3A_130 = arith.constant 0 : i32
    %dma_start3A_131 = arith.constant 0 : i32
    %dma_start3A_132 = tpu.memref_slice %arg10[%dma_start3A_119, %dma_start3A_120, %dma_start3A_130, %dma_start3A_131] : memref<3x4x32x128xf32, #tpu.memory_space<vmem>> -> memref<1x1x32x128xf32, #tpu.memory_space<vmem>>
    %dma_start3A_133 = tpu.memref_squeeze %dma_start3A_132 : memref<1x1x32x128xf32, #tpu.memory_space<vmem>> -> memref<32x128xf32, #tpu.memory_space<vmem>>
    %dma_start3A_134 = arith.constant 0 : i32
    %dma_start3A_135 = tpu.memref_slice %arg5[%dma_start3A_134, %multiple_of3A_117] : memref<32x1000000xf32, #tpu.memory_space<hbm>> -> memref<32x128xf32, #tpu.memory_space<hbm>>
    tpu.enqueue_dma source(%dma_start3A_135 : memref<32x128xf32, #tpu.memory_space<hbm>>) target(%dma_start3A_133 : memref<32x128xf32, #tpu.memory_space<vmem>>) target_semaphore(%dma_start3A_129 : memref<!tpu.dma_semaphore, #tpu.memory_space<semaphore_mem>>)
    %mul3A_136 = arith.constant 128 : i32
    %mul3A_137 = arith.muli %shift_right_logical3A_35, %mul3A_136 : i32
    %multiple_of3A_138 = tpu.assume_multiple %mul3A_137, 128 : i32
    %eq3A_139 = arith.constant 2 : i32
    %eq3A_140 = vector.broadcast %eq3A_139 : i32 to vector<16xi32>
    %eq3A_141 = arith.cmpi eq, %iota3A, %eq3A_140 : vector<16xi32>
    %jit3A_142 = arith.constant 0 : i32
    %broadcast_in_dim3A_143 = vector.broadcast %jit3A_142 : i32 to vector<16xi32>
    %select_n3A_144 = arith.select %eq3A_141, %get3A_3, %broadcast_in_dim3A_143 : vector<16xi1>, vector<16xi32>
    %reduce_sum3A_145 = arith.constant true
    %reduce_sum3A_146 = vector.broadcast %reduce_sum3A_145 : i1 to vector<16xi1>
    %reduce_sum3A_147 = tpu.scan <sum>, %select_n3A_144 masked %reduce_sum3A_146 : vector<16xi32>, vector<16xi1> -> vector<16xi32>
    %reduce_sum3A_148 = vector.extract %reduce_sum3A_147[15] : i32 from vector<16xi32>
    %shift_right_logical3A_149 = arith.constant 7 : i32
    %shift_right_logical3A_150 = arith.shrui %reduce_sum3A_148, %shift_right_logical3A_149 : i32
    %mul3A_151 = arith.constant 128 : i32
    %mul3A_152 = arith.muli %shift_right_logical3A_150, %mul3A_151 : i32
    %multiple_of3A_153 = tpu.assume_multiple %mul3A_152, 128 : i32
    %convert_element_type3A_154 = arith.extui %ne3A_48 : i1 to i32
    %cond3A_155 = arith.constant 0 : i32
    %cond3A_156 = arith.cmpi ne, %convert_element_type3A_154, %cond3A_155 : i32
    scf.if %cond3A_156 {
      %dma_start3A_440 = arith.constant 0 : i32
      %dma_start3A_441 = arith.constant 2 : i32
      %dma_start3A_442 = arith.constant 0 : i32
      %dma_start3A_443 = arith.constant 0 : i32
      %dma_start3A_444 = arith.constant 0 : i32
      %dma_start3A_445 = tpu.memref_slice %arg9[%dma_start3A_440, %dma_start3A_441, %dma_start3A_443, %dma_start3A_444] : memref<3x4x32x128xf32, #tpu.memory_space<vmem>> -> memref<1x1x32x128xf32, #tpu.memory_space<vmem>>
      %dma_start3A_446 = tpu.memref_squeeze %dma_start3A_445 : memref<1x1x32x128xf32, #tpu.memory_space<vmem>> -> memref<32x128xf32, #tpu.memory_space<vmem>>
      %dma_start3A_447 = arith.constant 0 : i32
      %dma_start3A_448 = tpu.memref_slice %arg4[%dma_start3A_447, %multiple_of3A_138] : memref<32x1000000xf32, #tpu.memory_space<hbm>> -> memref<32x128xf32, #tpu.memory_space<hbm>>
      %dma_start3A_449 = tpu.memref_slice %arg12[%dma_start3A_442] : memref<3x!tpu.dma_semaphore, #tpu.memory_space<semaphore_mem>> -> memref<1x!tpu.dma_semaphore, #tpu.memory_space<semaphore_mem>>
      %dma_start3A_450 = tpu.memref_squeeze %dma_start3A_449 : memref<1x!tpu.dma_semaphore, #tpu.memory_space<semaphore_mem>> -> memref<!tpu.dma_semaphore, #tpu.memory_space<semaphore_mem>>
      %dma_start3A_451 = arith.constant 0 : i32
      %dma_start3A_452 = arith.constant 0 : i32
      %dma_start3A_453 = tpu.memref_slice %arg9[%dma_start3A_440, %dma_start3A_441, %dma_start3A_451, %dma_start3A_452] : memref<3x4x32x128xf32, #tpu.memory_space<vmem>> -> memref<1x1x32x128xf32, #tpu.memory_space<vmem>>
      %dma_start3A_454 = tpu.memref_squeeze %dma_start3A_453 : memref<1x1x32x128xf32, #tpu.memory_space<vmem>> -> memref<32x128xf32, #tpu.memory_space<vmem>>
      %dma_start3A_455 = arith.constant 0 : i32
      %dma_start3A_456 = tpu.memref_slice %arg4[%dma_start3A_455, %multiple_of3A_138] : memref<32x1000000xf32, #tpu.memory_space<hbm>> -> memref<32x128xf32, #tpu.memory_space<hbm>>
      tpu.enqueue_dma source(%dma_start3A_456 : memref<32x128xf32, #tpu.memory_space<hbm>>) target(%dma_start3A_454 : memref<32x128xf32, #tpu.memory_space<vmem>>) target_semaphore(%dma_start3A_450 : memref<!tpu.dma_semaphore, #tpu.memory_space<semaphore_mem>>)
    } else {
    }
    %dma_start3A_157 = arith.constant 0 : i32
    %dma_start3A_158 = arith.constant 2 : i32
    %dma_start3A_159 = arith.constant 0 : i32
    %dma_start3A_160 = arith.constant 0 : i32
    %dma_start3A_161 = arith.constant 0 : i32
    %dma_start3A_162 = tpu.memref_slice %arg10[%dma_start3A_157, %dma_start3A_158, %dma_start3A_160, %dma_start3A_161] : memref<3x4x32x128xf32, #tpu.memory_space<vmem>> -> memref<1x1x32x128xf32, #tpu.memory_space<vmem>>
    %dma_start3A_163 = tpu.memref_squeeze %dma_start3A_162 : memref<1x1x32x128xf32, #tpu.memory_space<vmem>> -> memref<32x128xf32, #tpu.memory_space<vmem>>
    %dma_start3A_164 = arith.constant 0 : i32
    %dma_start3A_165 = tpu.memref_slice %arg5[%dma_start3A_164, %multiple_of3A_153] : memref<32x1000000xf32, #tpu.memory_space<hbm>> -> memref<32x128xf32, #tpu.memory_space<hbm>>
    %dma_start3A_166 = tpu.memref_slice %arg13[%dma_start3A_159] : memref<3x!tpu.dma_semaphore, #tpu.memory_space<semaphore_mem>> -> memref<1x!tpu.dma_semaphore, #tpu.memory_space<semaphore_mem>>
    %dma_start3A_167 = tpu.memref_squeeze %dma_start3A_166 : memref<1x!tpu.dma_semaphore, #tpu.memory_space<semaphore_mem>> -> memref<!tpu.dma_semaphore, #tpu.memory_space<semaphore_mem>>
    %dma_start3A_168 = arith.constant 0 : i32
    %dma_start3A_169 = arith.constant 0 : i32
    %dma_start3A_170 = tpu.memref_slice %arg10[%dma_start3A_157, %dma_start3A_158, %dma_start3A_168, %dma_start3A_169] : memref<3x4x32x128xf32, #tpu.memory_space<vmem>> -> memref<1x1x32x128xf32, #tpu.memory_space<vmem>>
    %dma_start3A_171 = tpu.memref_squeeze %dma_start3A_170 : memref<1x1x32x128xf32, #tpu.memory_space<vmem>> -> memref<32x128xf32, #tpu.memory_space<vmem>>
    %dma_start3A_172 = arith.constant 0 : i32
    %dma_start3A_173 = tpu.memref_slice %arg5[%dma_start3A_172, %multiple_of3A_153] : memref<32x1000000xf32, #tpu.memory_space<hbm>> -> memref<32x128xf32, #tpu.memory_space<hbm>>
    tpu.enqueue_dma source(%dma_start3A_173 : memref<32x128xf32, #tpu.memory_space<hbm>>) target(%dma_start3A_171 : memref<32x128xf32, #tpu.memory_space<vmem>>) target_semaphore(%dma_start3A_167 : memref<!tpu.dma_semaphore, #tpu.memory_space<semaphore_mem>>)
    %mul3A_174 = arith.constant 128 : i32
    %mul3A_175 = arith.muli %shift_right_logical3A_47, %mul3A_174 : i32
    %multiple_of3A_176 = tpu.assume_multiple %mul3A_175, 128 : i32
    %eq3A_177 = arith.constant 3 : i32
    %eq3A_178 = vector.broadcast %eq3A_177 : i32 to vector<16xi32>
    %eq3A_179 = arith.cmpi eq, %iota3A, %eq3A_178 : vector<16xi32>
    %jit3A_180 = arith.constant 0 : i32
    %broadcast_in_dim3A_181 = vector.broadcast %jit3A_180 : i32 to vector<16xi32>
    %select_n3A_182 = arith.select %eq3A_179, %get3A_3, %broadcast_in_dim3A_181 : vector<16xi1>, vector<16xi32>
    %reduce_sum3A_183 = arith.constant true
    %reduce_sum3A_184 = vector.broadcast %reduce_sum3A_183 : i1 to vector<16xi1>
    %reduce_sum3A_185 = tpu.scan <sum>, %select_n3A_182 masked %reduce_sum3A_184 : vector<16xi32>, vector<16xi1> -> vector<16xi32>
    %reduce_sum3A_186 = vector.extract %reduce_sum3A_185[15] : i32 from vector<16xi32>
    %shift_right_logical3A_187 = arith.constant 7 : i32
    %shift_right_logical3A_188 = arith.shrui %reduce_sum3A_186, %shift_right_logical3A_187 : i32
    %mul3A_189 = arith.constant 128 : i32
    %mul3A_190 = arith.muli %shift_right_logical3A_188, %mul3A_189 : i32
    %multiple_of3A_191 = tpu.assume_multiple %mul3A_190, 128 : i32
    %convert_element_type3A_192 = arith.extui %ne3A_49 : i1 to i32
    %cond3A_193 = arith.constant 0 : i32
    %cond3A_194 = arith.cmpi ne, %convert_element_type3A_192, %cond3A_193 : i32
    scf.if %cond3A_194 {
      %dma_start3A_440 = arith.constant 0 : i32
      %dma_start3A_441 = arith.constant 3 : i32
      %dma_start3A_442 = arith.constant 0 : i32
      %dma_start3A_443 = arith.constant 0 : i32
      %dma_start3A_444 = arith.constant 0 : i32
      %dma_start3A_445 = tpu.memref_slice %arg9[%dma_start3A_440, %dma_start3A_441, %dma_start3A_443, %dma_start3A_444] : memref<3x4x32x128xf32, #tpu.memory_space<vmem>> -> memref<1x1x32x128xf32, #tpu.memory_space<vmem>>
      %dma_start3A_446 = tpu.memref_squeeze %dma_start3A_445 : memref<1x1x32x128xf32, #tpu.memory_space<vmem>> -> memref<32x128xf32, #tpu.memory_space<vmem>>
      %dma_start3A_447 = arith.constant 0 : i32
      %dma_start3A_448 = tpu.memref_slice %arg4[%dma_start3A_447, %multiple_of3A_176] : memref<32x1000000xf32, #tpu.memory_space<hbm>> -> memref<32x128xf32, #tpu.memory_space<hbm>>
      %dma_start3A_449 = tpu.memref_slice %arg12[%dma_start3A_442] : memref<3x!tpu.dma_semaphore, #tpu.memory_space<semaphore_mem>> -> memref<1x!tpu.dma_semaphore, #tpu.memory_space<semaphore_mem>>
      %dma_start3A_450 = tpu.memref_squeeze %dma_start3A_449 : memref<1x!tpu.dma_semaphore, #tpu.memory_space<semaphore_mem>> -> memref<!tpu.dma_semaphore, #tpu.memory_space<semaphore_mem>>
      %dma_start3A_451 = arith.constant 0 : i32
      %dma_start3A_452 = arith.constant 0 : i32
      %dma_start3A_453 = tpu.memref_slice %arg9[%dma_start3A_440, %dma_start3A_441, %dma_start3A_451, %dma_start3A_452] : memref<3x4x32x128xf32, #tpu.memory_space<vmem>> -> memref<1x1x32x128xf32, #tpu.memory_space<vmem>>
      %dma_start3A_454 = tpu.memref_squeeze %dma_start3A_453 : memref<1x1x32x128xf32, #tpu.memory_space<vmem>> -> memref<32x128xf32, #tpu.memory_space<vmem>>
      %dma_start3A_455 = arith.constant 0 : i32
      %dma_start3A_456 = tpu.memref_slice %arg4[%dma_start3A_455, %multiple_of3A_176] : memref<32x1000000xf32, #tpu.memory_space<hbm>> -> memref<32x128xf32, #tpu.memory_space<hbm>>
      tpu.enqueue_dma source(%dma_start3A_456 : memref<32x128xf32, #tpu.memory_space<hbm>>) target(%dma_start3A_454 : memref<32x128xf32, #tpu.memory_space<vmem>>) target_semaphore(%dma_start3A_450 : memref<!tpu.dma_semaphore, #tpu.memory_space<semaphore_mem>>)
    } else {
    }
    %dma_start3A_195 = arith.constant 0 : i32
    %dma_start3A_196 = arith.constant 3 : i32
    %dma_start3A_197 = arith.constant 0 : i32
    %dma_start3A_198 = arith.constant 0 : i32
    %dma_start3A_199 = arith.constant 0 : i32
    %dma_start3A_200 = tpu.memref_slice %arg10[%dma_start3A_195, %dma_start3A_196, %dma_start3A_198, %dma_start3A_199] : memref<3x4x32x128xf32, #tpu.memory_space<vmem>> -> memref<1x1x32x128xf32, #tpu.memory_space<vmem>>
    %dma_start3A_201 = tpu.memref_squeeze %dma_start3A_200 : memref<1x1x32x128xf32, #tpu.memory_space<vmem>> -> memref<32x128xf32, #tpu.memory_space<vmem>>
    %dma_start3A_202 = arith.constant 0 : i32
    %dma_start3A_203 = tpu.memref_slice %arg5[%dma_start3A_202, %multiple_of3A_191] : memref<32x1000000xf32, #tpu.memory_space<hbm>> -> memref<32x128xf32, #tpu.memory_space<hbm>>
    %dma_start3A_204 = tpu.memref_slice %arg13[%dma_start3A_197] : memref<3x!tpu.dma_semaphore, #tpu.memory_space<semaphore_mem>> -> memref<1x!tpu.dma_semaphore, #tpu.memory_space<semaphore_mem>>
    %dma_start3A_205 = tpu.memref_squeeze %dma_start3A_204 : memref<1x!tpu.dma_semaphore, #tpu.memory_space<semaphore_mem>> -> memref<!tpu.dma_semaphore, #tpu.memory_space<semaphore_mem>>
    %dma_start3A_206 = arith.constant 0 : i32
    %dma_start3A_207 = arith.constant 0 : i32
    %dma_start3A_208 = tpu.memref_slice %arg10[%dma_start3A_195, %dma_start3A_196, %dma_start3A_206, %dma_start3A_207] : memref<3x4x32x128xf32, #tpu.memory_space<vmem>> -> memref<1x1x32x128xf32, #tpu.memory_space<vmem>>
    %dma_start3A_209 = tpu.memref_squeeze %dma_start3A_208 : memref<1x1x32x128xf32, #tpu.memory_space<vmem>> -> memref<32x128xf32, #tpu.memory_space<vmem>>
    %dma_start3A_210 = arith.constant 0 : i32
    %dma_start3A_211 = tpu.memref_slice %arg5[%dma_start3A_210, %multiple_of3A_191] : memref<32x1000000xf32, #tpu.memory_space<hbm>> -> memref<32x128xf32, #tpu.memory_space<hbm>>
    tpu.enqueue_dma source(%dma_start3A_211 : memref<32x128xf32, #tpu.memory_space<hbm>>) target(%dma_start3A_209 : memref<32x128xf32, #tpu.memory_space<vmem>>) target_semaphore(%dma_start3A_205 : memref<!tpu.dma_semaphore, #tpu.memory_space<semaphore_mem>>)
    %get3A_212 = arith.constant 0 : index
    %get3A_213 = tpu.vector_load %arg8[%get3A_212] {strides = array<i32>} : memref<512xi32, #tpu.memory_space<vmem>>, vector<16xi32>,
    %get3A_214 = arith.constant 0 : index
    %get3A_215 = tpu.vector_load %arg7[%get3A_214] {strides = array<i32>} : memref<512xi32, #tpu.memory_space<vmem>>, vector<16xi32>,
    %eq3A_216 = arith.constant 4 : i32
    %eq3A_217 = vector.broadcast %eq3A_216 : i32 to vector<16xi32>
    %eq3A_218 = arith.cmpi eq, %iota3A, %eq3A_217 : vector<16xi32>
    %jit3A_219 = arith.constant 0 : i32
    %broadcast_in_dim3A_220 = vector.broadcast %jit3A_219 : i32 to vector<16xi32>
    %select_n3A_221 = arith.select %eq3A_218, %get3A_215, %broadcast_in_dim3A_220 : vector<16xi1>, vector<16xi32>
    %reduce_sum3A_222 = arith.constant true
    %reduce_sum3A_223 = vector.broadcast %reduce_sum3A_222 : i1 to vector<16xi1>
    %reduce_sum3A_224 = tpu.scan <sum>, %select_n3A_221 masked %reduce_sum3A_223 : vector<16xi32>, vector<16xi1> -> vector<16xi32>
    %reduce_sum3A_225 = vector.extract %reduce_sum3A_224[15] : i32 from vector<16xi32>
    %shift_right_logical3A_226 = arith.constant 7 : i32
    %shift_right_logical3A_227 = arith.shrui %reduce_sum3A_225, %shift_right_logical3A_226 : i32
    %eq3A_228 = arith.constant 5 : i32
    %eq3A_229 = vector.broadcast %eq3A_228 : i32 to vector<16xi32>
    %eq3A_230 = arith.cmpi eq, %iota3A, %eq3A_229 : vector<16xi32>
    %jit3A_231 = arith.constant 0 : i32
    %broadcast_in_dim3A_232 = vector.broadcast %jit3A_231 : i32 to vector<16xi32>
    %select_n3A_233 = arith.select %eq3A_230, %get3A_215, %broadcast_in_dim3A_232 : vector<16xi1>, vector<16xi32>
    %reduce_sum3A_234 = arith.constant true
    %reduce_sum3A_235 = vector.broadcast %reduce_sum3A_234 : i1 to vector<16xi1>
    %reduce_sum3A_236 = tpu.scan <sum>, %select_n3A_233 masked %reduce_sum3A_235 : vector<16xi32>, vector<16xi1> -> vector<16xi32>
    %reduce_sum3A_237 = vector.extract %reduce_sum3A_236[15] : i32 from vector<16xi32>
    %shift_right_logical3A_238 = arith.constant 7 : i32
    %shift_right_logical3A_239 = arith.shrui %reduce_sum3A_237, %shift_right_logical3A_238 : i32
    %eq3A_240 = arith.constant 6 : i32
    %eq3A_241 = vector.broadcast %eq3A_240 : i32 to vector<16xi32>
    %eq3A_242 = arith.cmpi eq, %iota3A, %eq3A_241 : vector<16xi32>
    %jit3A_243 = arith.constant 0 : i32
    %broadcast_in_dim3A_244 = vector.broadcast %jit3A_243 : i32 to vector<16xi32>
    %select_n3A_245 = arith.select %eq3A_242, %get3A_215, %broadcast_in_dim3A_244 : vector<16xi1>, vector<16xi32>
    %reduce_sum3A_246 = arith.constant true
    %reduce_sum3A_247 = vector.broadcast %reduce_sum3A_246 : i1 to vector<16xi1>
    %reduce_sum3A_248 = tpu.scan <sum>, %select_n3A_245 masked %reduce_sum3A_247 : vector<16xi32>, vector<16xi1> -> vector<16xi32>
    %reduce_sum3A_249 = vector.extract %reduce_sum3A_248[15] : i32 from vector<16xi32>
    %shift_right_logical3A_250 = arith.constant 7 : i32
    %shift_right_logical3A_251 = arith.shrui %reduce_sum3A_249, %shift_right_logical3A_250 : i32
    %eq3A_252 = arith.constant 7 : i32
    %eq3A_253 = vector.broadcast %eq3A_252 : i32 to vector<16xi32>
    %eq3A_254 = arith.cmpi eq, %iota3A, %eq3A_253 : vector<16xi32>
    %jit3A_255 = arith.constant 0 : i32
    %broadcast_in_dim3A_256 = vector.broadcast %jit3A_255 : i32 to vector<16xi32>
    %select_n3A_257 = arith.select %eq3A_254, %get3A_215, %broadcast_in_dim3A_256 : vector<16xi1>, vector<16xi32>
    %reduce_sum3A_258 = arith.constant true
    %reduce_sum3A_259 = vector.broadcast %reduce_sum3A_258 : i1 to vector<16xi1>
    %reduce_sum3A_260 = tpu.scan <sum>, %select_n3A_257 masked %reduce_sum3A_259 : vector<16xi32>, vector<16xi1> -> vector<16xi32>
    %reduce_sum3A_261 = vector.extract %reduce_sum3A_260[15] : i32 from vector<16xi32>
    %shift_right_logical3A_262 = arith.constant 7 : i32
    %shift_right_logical3A_263 = arith.shrui %reduce_sum3A_261, %shift_right_logical3A_262 : i32
    %ne3A_264 = arith.cmpi ne, %shift_right_logical3A_239, %shift_right_logical3A_227 : i32
    %ne3A_265 = arith.cmpi ne, %shift_right_logical3A_251, %shift_right_logical3A_239 : i32
    %ne3A_266 = arith.cmpi ne, %shift_right_logical3A_263, %shift_right_logical3A_251 : i32
    %mul3A_267 = arith.constant 128 : i32
    %mul3A_268 = arith.muli %shift_right_logical3A_227, %mul3A_267 : i32
    %multiple_of3A_269 = tpu.assume_multiple %mul3A_268, 128 : i32
    %eq3A_270 = arith.constant 4 : i32
    %eq3A_271 = vector.broadcast %eq3A_270 : i32 to vector<16xi32>
    %eq3A_272 = arith.cmpi eq, %iota3A, %eq3A_271 : vector<16xi32>
    %jit3A_273 = arith.constant 0 : i32
    %broadcast_in_dim3A_274 = vector.broadcast %jit3A_273 : i32 to vector<16xi32>
    %select_n3A_275 = arith.select %eq3A_272, %get3A_213, %broadcast_in_dim3A_274 : vector<16xi1>, vector<16xi32>
    %reduce_sum3A_276 = arith.constant true
    %reduce_sum3A_277 = vector.broadcast %reduce_sum3A_276 : i1 to vector<16xi1>
    %reduce_sum3A_278 = tpu.scan <sum>, %select_n3A_275 masked %reduce_sum3A_277 : vector<16xi32>, vector<16xi1> -> vector<16xi32>
    %reduce_sum3A_279 = vector.extract %reduce_sum3A_278[15] : i32 from vector<16xi32>
    %shift_right_logical3A_280 = arith.constant 7 : i32
    %shift_right_logical3A_281 = arith.shrui %reduce_sum3A_279, %shift_right_logical3A_280 : i32
    %mul3A_282 = arith.constant 128 : i32
    %mul3A_283 = arith.muli %shift_right_logical3A_281, %mul3A_282 : i32
    %multiple_of3A_284 = tpu.assume_multiple %mul3A_283, 128 : i32
    %dma_start3A_285 = arith.constant 1 : i32
    %dma_start3A_286 = arith.constant 0 : i32
    %dma_start3A_287 = arith.constant 1 : i32
    %dma_start3A_288 = arith.constant 0 : i32
    %dma_start3A_289 = arith.constant 0 : i32
    %dma_start3A_290 = tpu.memref_slice %arg9[%dma_start3A_285, %dma_start3A_286, %dma_start3A_288, %dma_start3A_289] : memref<3x4x32x128xf32, #tpu.memory_space<vmem>> -> memref<1x1x32x128xf32, #tpu.memory_space<vmem>>
    %dma_start3A_291 = tpu.memref_squeeze %dma_start3A_290 : memref<1x1x32x128xf32, #tpu.memory_space<vmem>> -> memref<32x128xf32, #tpu.memory_space<vmem>>
    %dma_start3A_292 = arith.constant 0 : i32
    %dma_start3A_293 = tpu.memref_slice %arg4[%dma_start3A_292, %multiple_of3A_269] : memref<32x1000000xf32, #tpu.memory_space<hbm>> -> memref<32x128xf32, #tpu.memory_space<hbm>>
    %dma_start3A_294 = tpu.memref_slice %arg12[%dma_start3A_287] : memref<3x!tpu.dma_semaphore, #tpu.memory_space<semaphore_mem>> -> memref<1x!tpu.dma_semaphore, #tpu.memory_space<semaphore_mem>>
    %dma_start3A_295 = tpu.memref_squeeze %dma_start3A_294 : memref<1x!tpu.dma_semaphore, #tpu.memory_space<semaphore_mem>> -> memref<!tpu.dma_semaphore, #tpu.memory_space<semaphore_mem>>
    %dma_start3A_296 = arith.constant 0 : i32
    %dma_start3A_297 = arith.constant 0 : i32
    %dma_start3A_298 = tpu.memref_slice %arg9[%dma_start3A_285, %dma_start3A_286, %dma_start3A_296, %dma_start3A_297] : memref<3x4x32x128xf32, #tpu.memory_space<vmem>> -> memref<1x1x32x128xf32, #tpu.memory_space<vmem>>
    %dma_start3A_299 = tpu.memref_squeeze %dma_start3A_298 : memref<1x1x32x128xf32, #tpu.memory_space<vmem>> -> memref<32x128xf32, #tpu.memory_space<vmem>>
    %dma_start3A_300 = arith.constant 0 : i32
    %dma_start3A_301 = tpu.memref_slice %arg4[%dma_start3A_300, %multiple_of3A_269] : memref<32x1000000xf32, #tpu.memory_space<hbm>> -> memref<32x128xf32, #tpu.memory_space<hbm>>
    tpu.enqueue_dma source(%dma_start3A_301 : memref<32x128xf32, #tpu.memory_space<hbm>>) target(%dma_start3A_299 : memref<32x128xf32, #tpu.memory_space<vmem>>) target_semaphore(%dma_start3A_295 : memref<!tpu.dma_semaphore, #tpu.memory_space<semaphore_mem>>)
    %dma_start3A_302 = arith.constant 1 : i32
    %dma_start3A_303 = arith.constant 0 : i32
    %dma_start3A_304 = arith.constant 1 : i32
    %dma_start3A_305 = arith.constant 0 : i32
    %dma_start3A_306 = arith.constant 0 : i32
    %dma_start3A_307 = tpu.memref_slice %arg10[%dma_start3A_302, %dma_start3A_303, %dma_start3A_305, %dma_start3A_306] : memref<3x4x32x128xf32, #tpu.memory_space<vmem>> -> memref<1x1x32x128xf32, #tpu.memory_space<vmem>>
    %dma_start3A_308 = tpu.memref_squeeze %dma_start3A_307 : memref<1x1x32x128xf32, #tpu.memory_space<vmem>> -> memref<32x128xf32, #tpu.memory_space<vmem>>
    %dma_start3A_309 = arith.constant 0 : i32
    %dma_start3A_310 = tpu.memref_slice %arg5[%dma_start3A_309, %multiple_of3A_284] : memref<32x1000000xf32, #tpu.memory_space<hbm>> -> memref<32x128xf32, #tpu.memory_space<hbm>>
    %dma_start3A_311 = tpu.memref_slice %arg13[%dma_start3A_304] : memref<3x!tpu.dma_semaphore, #tpu.memory_space<semaphore_mem>> -> memref<1x!tpu.dma_semaphore, #tpu.memory_space<semaphore_mem>>
    %dma_start3A_312 = tpu.memref_squeeze %dma_start3A_311 : memref<1x!tpu.dma_semaphore, #tpu.memory_space<semaphore_mem>> -> memref<!tpu.dma_semaphore, #tpu.memory_space<semaphore_mem>>
    %dma_start3A_313 = arith.constant 0 : i32
    %dma_start3A_314 = arith.constant 0 : i32
    %dma_start3A_315 = tpu.memref_slice %arg10[%dma_start3A_302, %dma_start3A_303, %dma_start3A_313, %dma_start3A_314] : memref<3x4x32x128xf32, #tpu.memory_space<vmem>> -> memref<1x1x32x128xf32, #tpu.memory_space<vmem>>
    %dma_start3A_316 = tpu.memref_squeeze %dma_start3A_315 : memref<1x1x32x128xf32, #tpu.memory_space<vmem>> -> memref<32x128xf32, #tpu.memory_space<vmem>>
    %dma_start3A_317 = arith.constant 0 : i32
    %dma_start3A_318 = tpu.memref_slice %arg5[%dma_start3A_317, %multiple_of3A_284] : memref<32x1000000xf32, #tpu.memory_space<hbm>> -> memref<32x128xf32, #tpu.memory_space<hbm>>
    tpu.enqueue_dma source(%dma_start3A_318 : memref<32x128xf32, #tpu.memory_space<hbm>>) target(%dma_start3A_316 : memref<32x128xf32, #tpu.memory_space<vmem>>) target_semaphore(%dma_start3A_312 : memref<!tpu.dma_semaphore, #tpu.memory_space<semaphore_mem>>)
    %mul3A_319 = arith.constant 128 : i32
    %mul3A_320 = arith.muli %shift_right_logical3A_239, %mul3A_319 : i32
    %multiple_of3A_321 = tpu.assume_multiple %mul3A_320, 128 : i32
    %eq3A_322 = arith.constant 5 : i32
    %eq3A_323 = vector.broadcast %eq3A_322 : i32 to vector<16xi32>
    %eq3A_324 = arith.cmpi eq, %iota3A, %eq3A_323 : vector<16xi32>
    %jit3A_325 = arith.constant 0 : i32
    %broadcast_in_dim3A_326 = vector.broadcast %jit3A_325 : i32 to vector<16xi32>
    %select_n3A_327 = arith.select %eq3A_324, %get3A_213, %broadcast_in_dim3A_326 : vector<16xi1>, vector<16xi32>
    %reduce_sum3A_328 = arith.constant true
    %reduce_sum3A_329 = vector.broadcast %reduce_sum3A_328 : i1 to vector<16xi1>
    %reduce_sum3A_330 = tpu.scan <sum>, %select_n3A_327 masked %reduce_sum3A_329 : vector<16xi32>, vector<16xi1> -> vector<16xi32>
    %reduce_sum3A_331 = vector.extract %reduce_sum3A_330[15] : i32 from vector<16xi32>
    %shift_right_logical3A_332 = arith.constant 7 : i32
    %shift_right_logical3A_333 = arith.shrui %reduce_sum3A_331, %shift_right_logical3A_332 : i32
    %mul3A_334 = arith.constant 128 : i32
    %mul3A_335 = arith.muli %shift_right_logical3A_333, %mul3A_334 : i32
    %multiple_of3A_336 = tpu.assume_multiple %mul3A_335, 128 : i32
    %convert_element_type3A_337 = arith.extui %ne3A_264 : i1 to i32
    %cond3A_338 = arith.constant 0 : i32
    %cond3A_339 = arith.cmpi ne, %convert_element_type3A_337, %cond3A_338 : i32
    scf.if %cond3A_339 {
      %dma_start3A_440 = arith.constant 1 : i32
      %dma_start3A_441 = arith.constant 1 : i32
      %dma_start3A_442 = arith.constant 1 : i32
      %dma_start3A_443 = arith.constant 0 : i32
      %dma_start3A_444 = arith.constant 0 : i32
      %dma_start3A_445 = tpu.memref_slice %arg9[%dma_start3A_440, %dma_start3A_441, %dma_start3A_443, %dma_start3A_444] : memref<3x4x32x128xf32, #tpu.memory_space<vmem>> -> memref<1x1x32x128xf32, #tpu.memory_space<vmem>>
      %dma_start3A_446 = tpu.memref_squeeze %dma_start3A_445 : memref<1x1x32x128xf32, #tpu.memory_space<vmem>> -> memref<32x128xf32, #tpu.memory_space<vmem>>
      %dma_start3A_447 = arith.constant 0 : i32
      %dma_start3A_448 = tpu.memref_slice %arg4[%dma_start3A_447, %multiple_of3A_321] : memref<32x1000000xf32, #tpu.memory_space<hbm>> -> memref<32x128xf32, #tpu.memory_space<hbm>>
      %dma_start3A_449 = tpu.memref_slice %arg12[%dma_start3A_442] : memref<3x!tpu.dma_semaphore, #tpu.memory_space<semaphore_mem>> -> memref<1x!tpu.dma_semaphore, #tpu.memory_space<semaphore_mem>>
      %dma_start3A_450 = tpu.memref_squeeze %dma_start3A_449 : memref<1x!tpu.dma_semaphore, #tpu.memory_space<semaphore_mem>> -> memref<!tpu.dma_semaphore, #tpu.memory_space<semaphore_mem>>
      %dma_start3A_451 = arith.constant 0 : i32
      %dma_start3A_452 = arith.constant 0 : i32
      %dma_start3A_453 = tpu.memref_slice %arg9[%dma_start3A_440, %dma_start3A_441, %dma_start3A_451, %dma_start3A_452] : memref<3x4x32x128xf32, #tpu.memory_space<vmem>> -> memref<1x1x32x128xf32, #tpu.memory_space<vmem>>
      %dma_start3A_454 = tpu.memref_squeeze %dma_start3A_453 : memref<1x1x32x128xf32, #tpu.memory_space<vmem>> -> memref<32x128xf32, #tpu.memory_space<vmem>>
      %dma_start3A_455 = arith.constant 0 : i32
      %dma_start3A_456 = tpu.memref_slice %arg4[%dma_start3A_455, %multiple_of3A_321] : memref<32x1000000xf32, #tpu.memory_space<hbm>> -> memref<32x128xf32, #tpu.memory_space<hbm>>
      tpu.enqueue_dma source(%dma_start3A_456 : memref<32x128xf32, #tpu.memory_space<hbm>>) target(%dma_start3A_454 : memref<32x128xf32, #tpu.memory_space<vmem>>) target_semaphore(%dma_start3A_450 : memref<!tpu.dma_semaphore, #tpu.memory_space<semaphore_mem>>)
    } else {
    }
    %dma_start3A_340 = arith.constant 1 : i32
    %dma_start3A_341 = arith.constant 1 : i32
    %dma_start3A_342 = arith.constant 1 : i32
    %dma_start3A_343 = arith.constant 0 : i32
    %dma_start3A_344 = arith.constant 0 : i32
    %dma_start3A_345 = tpu.memref_slice %arg10[%dma_start3A_340, %dma_start3A_341, %dma_start3A_343, %dma_start3A_344] : memref<3x4x32x128xf32, #tpu.memory_space<vmem>> -> memref<1x1x32x128xf32, #tpu.memory_space<vmem>>
    %dma_start3A_346 = tpu.memref_squeeze %dma_start3A_345 : memref<1x1x32x128xf32, #tpu.memory_space<vmem>> -> memref<32x128xf32, #tpu.memory_space<vmem>>
    %dma_start3A_347 = arith.constant 0 : i32
    %dma_start3A_348 = tpu.memref_slice %arg5[%dma_start3A_347, %multiple_of3A_336] : memref<32x1000000xf32, #tpu.memory_space<hbm>> -> memref<32x128xf32, #tpu.memory_space<hbm>>
    %dma_start3A_349 = tpu.memref_slice %arg13[%dma_start3A_342] : memref<3x!tpu.dma_semaphore, #tpu.memory_space<semaphore_mem>> -> memref<1x!tpu.dma_semaphore, #tpu.memory_space<semaphore_mem>>
    %dma_start3A_350 = tpu.memref_squeeze %dma_start3A_349 : memref<1x!tpu.dma_semaphore, #tpu.memory_space<semaphore_mem>> -> memref<!tpu.dma_semaphore, #tpu.memory_space<semaphore_mem>>
    %dma_start3A_351 = arith.constant 0 : i32
    %dma_start3A_352 = arith.constant 0 : i32
    %dma_start3A_353 = tpu.memref_slice %arg10[%dma_start3A_340, %dma_start3A_341, %dma_start3A_351, %dma_start3A_352] : memref<3x4x32x128xf32, #tpu.memory_space<vmem>> -> memref<1x1x32x128xf32, #tpu.memory_space<vmem>>
    %dma_start3A_354 = tpu.memref_squeeze %dma_start3A_353 : memref<1x1x32x128xf32, #tpu.memory_space<vmem>> -> memref<32x128xf32, #tpu.memory_space<vmem>>
    %dma_start3A_355 = arith.constant 0 : i32
    %dma_start3A_356 = tpu.memref_slice %arg5[%dma_start3A_355, %multiple_of3A_336] : memref<32x1000000xf32, #tpu.memory_space<hbm>> -> memref<32x128xf32, #tpu.memory_space<hbm>>
    tpu.enqueue_dma source(%dma_start3A_356 : memref<32x128xf32, #tpu.memory_space<hbm>>) target(%dma_start3A_354 : memref<32x128xf32, #tpu.memory_space<vmem>>) target_semaphore(%dma_start3A_350 : memref<!tpu.dma_semaphore, #tpu.memory_space<semaphore_mem>>)
    %mul3A_357 = arith.constant 128 : i32
    %mul3A_358 = arith.muli %shift_right_logical3A_251, %mul3A_357 : i32
    %multiple_of3A_359 = tpu.assume_multiple %mul3A_358, 128 : i32
    %eq3A_360 = arith.constant 6 : i32
    %eq3A_361 = vector.broadcast %eq3A_360 : i32 to vector<16xi32>
    %eq3A_362 = arith.cmpi eq, %iota3A, %eq3A_361 : vector<16xi32>
    %jit3A_363 = arith.constant 0 : i32
    %broadcast_in_dim3A_364 = vector.broadcast %jit3A_363 : i32 to vector<16xi32>
    %select_n3A_365 = arith.select %eq3A_362, %get3A_213, %broadcast_in_dim3A_364 : vector<16xi1>, vector<16xi32>
    %reduce_sum3A_366 = arith.constant true
    %reduce_sum3A_367 = vector.broadcast %reduce_sum3A_366 : i1 to vector<16xi1>
    %reduce_sum3A_368 = tpu.scan <sum>, %select_n3A_365 masked %reduce_sum3A_367 : vector<16xi32>, vector<16xi1> -> vector<16xi32>
    %reduce_sum3A_369 = vector.extract %reduce_sum3A_368[15] : i32 from vector<16xi32>
    %shift_right_logical3A_370 = arith.constant 7 : i32
    %shift_right_logical3A_371 = arith.shrui %reduce_sum3A_369, %shift_right_logical3A_370 : i32
    %mul3A_372 = arith.constant 128 : i32
    %mul3A_373 = arith.muli %shift_right_logical3A_371, %mul3A_372 : i32
    %multiple_of3A_374 = tpu.assume_multiple %mul3A_373, 128 : i32
    %convert_element_type3A_375 = arith.extui %ne3A_265 : i1 to i32
    %cond3A_376 = arith.constant 0 : i32
    %cond3A_377 = arith.cmpi ne, %convert_element_type3A_375, %cond3A_376 : i32
    scf.if %cond3A_377 {
      %dma_start3A_440 = arith.constant 1 : i32
      %dma_start3A_441 = arith.constant 2 : i32
      %dma_start3A_442 = arith.constant 1 : i32
      %dma_start3A_443 = arith.constant 0 : i32
      %dma_start3A_444 = arith.constant 0 : i32
      %dma_start3A_445 = tpu.memref_slice %arg9[%dma_start3A_440, %dma_start3A_441, %dma_start3A_443, %dma_start3A_444] : memref<3x4x32x128xf32, #tpu.memory_space<vmem>> -> memref<1x1x32x128xf32, #tpu.memory_space<vmem>>
      %dma_start3A_446 = tpu.memref_squeeze %dma_start3A_445 : memref<1x1x32x128xf32, #tpu.memory_space<vmem>> -> memref<32x128xf32, #tpu.memory_space<vmem>>
      %dma_start3A_447 = arith.constant 0 : i32
      %dma_start3A_448 = tpu.memref_slice %arg4[%dma_start3A_447, %multiple_of3A_359] : memref<32x1000000xf32, #tpu.memory_space<hbm>> -> memref<32x128xf32, #tpu.memory_space<hbm>>
      %dma_start3A_449 = tpu.memref_slice %arg12[%dma_start3A_442] : memref<3x!tpu.dma_semaphore, #tpu.memory_space<semaphore_mem>> -> memref<1x!tpu.dma_semaphore, #tpu.memory_space<semaphore_mem>>
      %dma_start3A_450 = tpu.memref_squeeze %dma_start3A_449 : memref<1x!tpu.dma_semaphore, #tpu.memory_space<semaphore_mem>> -> memref<!tpu.dma_semaphore, #tpu.memory_space<semaphore_mem>>
      %dma_start3A_451 = arith.constant 0 : i32
      %dma_start3A_452 = arith.constant 0 : i32
      %dma_start3A_453 = tpu.memref_slice %arg9[%dma_start3A_440, %dma_start3A_441, %dma_start3A_451, %dma_start3A_452] : memref<3x4x32x128xf32, #tpu.memory_space<vmem>> -> memref<1x1x32x128xf32, #tpu.memory_space<vmem>>
      %dma_start3A_454 = tpu.memref_squeeze %dma_start3A_453 : memref<1x1x32x128xf32, #tpu.memory_space<vmem>> -> memref<32x128xf32, #tpu.memory_space<vmem>>
      %dma_start3A_455 = arith.constant 0 : i32
      %dma_start3A_456 = tpu.memref_slice %arg4[%dma_start3A_455, %multiple_of3A_359] : memref<32x1000000xf32, #tpu.memory_space<hbm>> -> memref<32x128xf32, #tpu.memory_space<hbm>>
      tpu.enqueue_dma source(%dma_start3A_456 : memref<32x128xf32, #tpu.memory_space<hbm>>) target(%dma_start3A_454 : memref<32x128xf32, #tpu.memory_space<vmem>>) target_semaphore(%dma_start3A_450 : memref<!tpu.dma_semaphore, #tpu.memory_space<semaphore_mem>>)
    } else {
    }
    %dma_start3A_378 = arith.constant 1 : i32
    %dma_start3A_379 = arith.constant 2 : i32
    %dma_start3A_380 = arith.constant 1 : i32
    %dma_start3A_381 = arith.constant 0 : i32
    %dma_start3A_382 = arith.constant 0 : i32
    %dma_start3A_383 = tpu.memref_slice %arg10[%dma_start3A_378, %dma_start3A_379, %dma_start3A_381, %dma_start3A_382] : memref<3x4x32x128xf32, #tpu.memory_space<vmem>> -> memref<1x1x32x128xf32, #tpu.memory_space<vmem>>
    %dma_start3A_384 = tpu.memref_squeeze %dma_start3A_383 : memref<1x1x32x128xf32, #tpu.memory_space<vmem>> -> memref<32x128xf32, #tpu.memory_space<vmem>>
    %dma_start3A_385 = arith.constant 0 : i32
    %dma_start3A_386 = tpu.memref_slice %arg5[%dma_start3A_385, %multiple_of3A_374] : memref<32x1000000xf32, #tpu.memory_space<hbm>> -> memref<32x128xf32, #tpu.memory_space<hbm>>
    %dma_start3A_387 = tpu.memref_slice %arg13[%dma_start3A_380] : memref<3x!tpu.dma_semaphore, #tpu.memory_space<semaphore_mem>> -> memref<1x!tpu.dma_semaphore, #tpu.memory_space<semaphore_mem>>
    %dma_start3A_388 = tpu.memref_squeeze %dma_start3A_387 : memref<1x!tpu.dma_semaphore, #tpu.memory_space<semaphore_mem>> -> memref<!tpu.dma_semaphore, #tpu.memory_space<semaphore_mem>>
    %dma_start3A_389 = arith.constant 0 : i32
    %dma_start3A_390 = arith.constant 0 : i32
    %dma_start3A_391 = tpu.memref_slice %arg10[%dma_start3A_378, %dma_start3A_379, %dma_start3A_389, %dma_start3A_390] : memref<3x4x32x128xf32, #tpu.memory_space<vmem>> -> memref<1x1x32x128xf32, #tpu.memory_space<vmem>>
    %dma_start3A_392 = tpu.memref_squeeze %dma_start3A_391 : memref<1x1x32x128xf32, #tpu.memory_space<vmem>> -> memref<32x128xf32, #tpu.memory_space<vmem>>
    %dma_start3A_393 = arith.constant 0 : i32
    %dma_start3A_394 = tpu.memref_slice %arg5[%dma_start3A_393, %multiple_of3A_374] : memref<32x1000000xf32, #tpu.memory_space<hbm>> -> memref<32x128xf32, #tpu.memory_space<hbm>>
    tpu.enqueue_dma source(%dma_start3A_394 : memref<32x128xf32, #tpu.memory_space<hbm>>) target(%dma_start3A_392 : memref<32x128xf32, #tpu.memory_space<vmem>>) target_semaphore(%dma_start3A_388 : memref<!tpu.dma_semaphore, #tpu.memory_space<semaphore_mem>>)
    %mul3A_395 = arith.constant 128 : i32
    %mul3A_396 = arith.muli %shift_right_logical3A_263, %mul3A_395 : i32
    %multiple_of3A_397 = tpu.assume_multiple %mul3A_396, 128 : i32
    %eq3A_398 = arith.constant 7 : i32
    %eq3A_399 = vector.broadcast %eq3A_398 : i32 to vector<16xi32>
    %eq3A_400 = arith.cmpi eq, %iota3A, %eq3A_399 : vector<16xi32>
    %jit3A_401 = arith.constant 0 : i32
    %broadcast_in_dim3A_402 = vector.broadcast %jit3A_401 : i32 to vector<16xi32>
    %select_n3A_403 = arith.select %eq3A_400, %get3A_213, %broadcast_in_dim3A_402 : vector<16xi1>, vector<16xi32>
    %reduce_sum3A_404 = arith.constant true
    %reduce_sum3A_405 = vector.broadcast %reduce_sum3A_404 : i1 to vector<16xi1>
    %reduce_sum3A_406 = tpu.scan <sum>, %select_n3A_403 masked %reduce_sum3A_405 : vector<16xi32>, vector<16xi1> -> vector<16xi32>
    %reduce_sum3A_407 = vector.extract %reduce_sum3A_406[15] : i32 from vector<16xi32>
    %shift_right_logical3A_408 = arith.constant 7 : i32
    %shift_right_logical3A_409 = arith.shrui %reduce_sum3A_407, %shift_right_logical3A_408 : i32
    %mul3A_410 = arith.constant 128 : i32
    %mul3A_411 = arith.muli %shift_right_logical3A_409, %mul3A_410 : i32
    %multiple_of3A_412 = tpu.assume_multiple %mul3A_411, 128 : i32
    %convert_element_type3A_413 = arith.extui %ne3A_266 : i1 to i32
    %cond3A_414 = arith.constant 0 : i32
    %cond3A_415 = arith.cmpi ne, %convert_element_type3A_413, %cond3A_414 : i32
    scf.if %cond3A_415 {
      %dma_start3A_440 = arith.constant 1 : i32
      %dma_start3A_441 = arith.constant 3 : i32
      %dma_start3A_442 = arith.constant 1 : i32
      %dma_start3A_443 = arith.constant 0 : i32
      %dma_start3A_444 = arith.constant 0 : i32
      %dma_start3A_445 = tpu.memref_slice %arg9[%dma_start3A_440, %dma_start3A_441, %dma_start3A_443, %dma_start3A_444] : memref<3x4x32x128xf32, #tpu.memory_space<vmem>> -> memref<1x1x32x128xf32, #tpu.memory_space<vmem>>
      %dma_start3A_446 = tpu.memref_squeeze %dma_start3A_445 : memref<1x1x32x128xf32, #tpu.memory_space<vmem>> -> memref<32x128xf32, #tpu.memory_space<vmem>>
      %dma_start3A_447 = arith.constant 0 : i32
      %dma_start3A_448 = tpu.memref_slice %arg4[%dma_start3A_447, %multiple_of3A_397] : memref<32x1000000xf32, #tpu.memory_space<hbm>> -> memref<32x128xf32, #tpu.memory_space<hbm>>
      %dma_start3A_449 = tpu.memref_slice %arg12[%dma_start3A_442] : memref<3x!tpu.dma_semaphore, #tpu.memory_space<semaphore_mem>> -> memref<1x!tpu.dma_semaphore, #tpu.memory_space<semaphore_mem>>
      %dma_start3A_450 = tpu.memref_squeeze %dma_start3A_449 : memref<1x!tpu.dma_semaphore, #tpu.memory_space<semaphore_mem>> -> memref<!tpu.dma_semaphore, #tpu.memory_space<semaphore_mem>>
      %dma_start3A_451 = arith.constant 0 : i32
      %dma_start3A_452 = arith.constant 0 : i32
      %dma_start3A_453 = tpu.memref_slice %arg9[%dma_start3A_440, %dma_start3A_441, %dma_start3A_451, %dma_start3A_452] : memref<3x4x32x128xf32, #tpu.memory_space<vmem>> -> memref<1x1x32x128xf32, #tpu.memory_space<vmem>>
      %dma_start3A_454 = tpu.memref_squeeze %dma_start3A_453 : memref<1x1x32x128xf32, #tpu.memory_space<vmem>> -> memref<32x128xf32, #tpu.memory_space<vmem>>
      %dma_start3A_455 = arith.constant 0 : i32
      %dma_start3A_456 = tpu.memref_slice %arg4[%dma_start3A_455, %multiple_of3A_397] : memref<32x1000000xf32, #tpu.memory_space<hbm>> -> memref<32x128xf32, #tpu.memory_space<hbm>>
      tpu.enqueue_dma source(%dma_start3A_456 : memref<32x128xf32, #tpu.memory_space<hbm>>) target(%dma_start3A_454 : memref<32x128xf32, #tpu.memory_space<vmem>>) target_semaphore(%dma_start3A_450 : memref<!tpu.dma_semaphore, #tpu.memory_space<semaphore_mem>>)
    } else {
    }
    %dma_start3A_416 = arith.constant 1 : i32
    %dma_start3A_417 = arith.constant 3 : i32
    %dma_start3A_418 = arith.constant 1 : i32
    %dma_start3A_419 = arith.constant 0 : i32
    %dma_start3A_420 = arith.constant 0 : i32
    %dma_start3A_421 = tpu.memref_slice %arg10[%dma_start3A_416, %dma_start3A_417, %dma_start3A_419, %dma_start3A_420] : memref<3x4x32x128xf32, #tpu.memory_space<vmem>> -> memref<1x1x32x128xf32, #tpu.memory_space<vmem>>
    %dma_start3A_422 = tpu.memref_squeeze %dma_start3A_421 : memref<1x1x32x128xf32, #tpu.memory_space<vmem>> -> memref<32x128xf32, #tpu.memory_space<vmem>>
    %dma_start3A_423 = arith.constant 0 : i32
    %dma_start3A_424 = tpu.memref_slice %arg5[%dma_start3A_423, %multiple_of3A_412] : memref<32x1000000xf32, #tpu.memory_space<hbm>> -> memref<32x128xf32, #tpu.memory_space<hbm>>
    %dma_start3A_425 = tpu.memref_slice %arg13[%dma_start3A_418] : memref<3x!tpu.dma_semaphore, #tpu.memory_space<semaphore_mem>> -> memref<1x!tpu.dma_semaphore, #tpu.memory_space<semaphore_mem>>
    %dma_start3A_426 = tpu.memref_squeeze %dma_start3A_425 : memref<1x!tpu.dma_semaphore, #tpu.memory_space<semaphore_mem>> -> memref<!tpu.dma_semaphore, #tpu.memory_space<semaphore_mem>>
    %dma_start3A_427 = arith.constant 0 : i32
    %dma_start3A_428 = arith.constant 0 : i32
    %dma_start3A_429 = tpu.memref_slice %arg10[%dma_start3A_416, %dma_start3A_417, %dma_start3A_427, %dma_start3A_428] : memref<3x4x32x128xf32, #tpu.memory_space<vmem>> -> memref<1x1x32x128xf32, #tpu.memory_space<vmem>>
    %dma_start3A_430 = tpu.memref_squeeze %dma_start3A_429 : memref<1x1x32x128xf32, #tpu.memory_space<vmem>> -> memref<32x128xf32, #tpu.memory_space<vmem>>
    %dma_start3A_431 = arith.constant 0 : i32
    %dma_start3A_432 = tpu.memref_slice %arg5[%dma_start3A_431, %multiple_of3A_412] : memref<32x1000000xf32, #tpu.memory_space<hbm>> -> memref<32x128xf32, #tpu.memory_space<hbm>>
    tpu.enqueue_dma source(%dma_start3A_432 : memref<32x128xf32, #tpu.memory_space<hbm>>) target(%dma_start3A_430 : memref<32x128xf32, #tpu.memory_space<vmem>>) target_semaphore(%dma_start3A_426 : memref<!tpu.dma_semaphore, #tpu.memory_space<semaphore_mem>>)
    %broadcast_in_dim3A_433 = arith.constant 0.000000e+00 : f32
    %broadcast_in_dim3A_434 = vector.broadcast %broadcast_in_dim3A_433 : f32 to vector<16xf32>
    %scan3A = arith.constant 0 : i32
    %scan3A_435 = arith.constant 128 : i32
    %scan3A_436 = arith.addi %scan3A, %scan3A_435 : i32
    %scan3A_437 = arith.constant 1 : i32
    %scan3A_438 = scf.for %scan3A_440 = %scan3A to %scan3A_436 step %scan3A_437 iter_args(%scan3A_441 = %broadcast_in_dim3A_434) -> (vector<16xf32>)  : i32 {
      %rem3A = arith.constant 3 : i32
      %rem3A_442 = arith.remsi %scan3A_440, %rem3A : i32
      %add3A_443 = arith.constant 2 : i32
      %add3A_444 = arith.addi %scan3A_440, %add3A_443 : i32
      %lt3A = arith.constant 128 : i32
      %lt3A_445 = arith.cmpi slt, %add3A_444, %lt3A : i32
      %convert_element_type3A_446 = arith.extui %lt3A_445 : i1 to i32
      %cond3A_447 = arith.constant 0 : i32
      %cond3A_448 = arith.cmpi ne, %convert_element_type3A_446, %cond3A_447 : i32
      scf.if %cond3A_448 {
        %add3A_1291 = arith.constant 2 : i32
        %add3A_1292 = arith.addi %scan3A_440, %add3A_1291 : i32
        %add3A_1293 = arith.constant 2 : i32
        %add3A_1294 = arith.addi %scan3A_440, %add3A_1293 : i32
        %rem3A_1295 = arith.constant 3 : i32
        %rem3A_1296 = arith.remsi %add3A_1294, %rem3A_1295 : i32
        %jit3A_1297 = arith.constant 4 : i32
        %div3A_1298 = arith.divsi %add3A_1292, %jit3A_1297 : i32
        %sign3A_1299 = arith.constant 0 : i32
        %sign3A_1300 = arith.cmpi sgt, %add3A_1292, %sign3A_1299 : i32
        %sign3A_1301 = arith.extui %sign3A_1300 : i1 to i32
        %sign3A_1302 = arith.constant 0 : i32
        %sign3A_1303 = arith.cmpi slt, %add3A_1292, %sign3A_1302 : i32
        %sign3A_1304 = arith.extui %sign3A_1303 : i1 to i32
        %sign3A_1305 = arith.subi %sign3A_1301, %sign3A_1304 : i32
        %sign3A_1306 = arith.constant 0 : i32
        %sign3A_1307 = arith.cmpi sgt, %jit3A_1297, %sign3A_1306 : i32
        %sign3A_1308 = arith.extui %sign3A_1307 : i1 to i32
        %sign3A_1309 = arith.constant 0 : i32
        %sign3A_1310 = arith.cmpi slt, %jit3A_1297, %sign3A_1309 : i32
        %sign3A_1311 = arith.extui %sign3A_1310 : i1 to i32
        %sign3A_1312 = arith.subi %sign3A_1308, %sign3A_1311 : i32
        %ne3A_1313 = arith.cmpi ne, %sign3A_1305, %sign3A_1312 : i32
        %rem3A_1314 = arith.remsi %add3A_1292, %jit3A_1297 : i32
        %ne3A_1315 = arith.constant 0 : i32
        %ne3A_1316 = arith.cmpi ne, %rem3A_1314, %ne3A_1315 : i32
        %and3A_1317 = arith.andi %ne3A_1313, %ne3A_1316 : i1
        %sub3A_1318 = arith.constant 1 : i32
        %sub3A_1319 = arith.subi %div3A_1298, %sub3A_1318 : i32
        %select_n3A_1320 = arith.select %and3A_1317, %sub3A_1319, %div3A_1298 : i32
        %mul3A_1321 = arith.constant 16 : i32
        %mul3A_1322 = arith.muli %select_n3A_1320, %mul3A_1321 : i32
        %get3A_1323 = arith.index_cast %mul3A_1322 : i32 to index
        %get3A_1324 = tpu.vector_load %arg8[%get3A_1323] {strides = array<i32>} : memref<512xi32, #tpu.memory_space<vmem>>, vector<16xi32>,
        %jit3A_1325 = arith.constant 4 : i32
        %div3A_1326 = arith.divsi %add3A_1292, %jit3A_1325 : i32
        %sign3A_1327 = arith.constant 0 : i32
        %sign3A_1328 = arith.cmpi sgt, %add3A_1292, %sign3A_1327 : i32
        %sign3A_1329 = arith.extui %sign3A_1328 : i1 to i32
        %sign3A_1330 = arith.constant 0 : i32
        %sign3A_1331 = arith.cmpi slt, %add3A_1292, %sign3A_1330 : i32
        %sign3A_1332 = arith.extui %sign3A_1331 : i1 to i32
        %sign3A_1333 = arith.subi %sign3A_1329, %sign3A_1332 : i32
        %sign3A_1334 = arith.constant 0 : i32
        %sign3A_1335 = arith.cmpi sgt, %jit3A_1325, %sign3A_1334 : i32
        %sign3A_1336 = arith.extui %sign3A_1335 : i1 to i32
        %sign3A_1337 = arith.constant 0 : i32
        %sign3A_1338 = arith.cmpi slt, %jit3A_1325, %sign3A_1337 : i32
        %sign3A_1339 = arith.extui %sign3A_1338 : i1 to i32
        %sign3A_1340 = arith.subi %sign3A_1336, %sign3A_1339 : i32
        %ne3A_1341 = arith.cmpi ne, %sign3A_1333, %sign3A_1340 : i32
        %rem3A_1342 = arith.remsi %add3A_1292, %jit3A_1325 : i32
        %ne3A_1343 = arith.constant 0 : i32
        %ne3A_1344 = arith.cmpi ne, %rem3A_1342, %ne3A_1343 : i32
        %and3A_1345 = arith.andi %ne3A_1341, %ne3A_1344 : i1
        %sub3A_1346 = arith.constant 1 : i32
        %sub3A_1347 = arith.subi %div3A_1326, %sub3A_1346 : i32
        %select_n3A_1348 = arith.select %and3A_1345, %sub3A_1347, %div3A_1326 : i32
        %mul3A_1349 = arith.constant 16 : i32
        %mul3A_1350 = arith.muli %select_n3A_1348, %mul3A_1349 : i32
        %get3A_1351 = arith.index_cast %mul3A_1350 : i32 to index
        %get3A_1352 = tpu.vector_load %arg7[%get3A_1351] {strides = array<i32>} : memref<512xi32, #tpu.memory_space<vmem>>, vector<16xi32>,
        %jit3A_1353 = arith.constant 4 : i32
        %eq3A_1354 = arith.constant 0 : i32
        %eq3A_1355 = arith.cmpi eq, %jit3A_1353, %eq3A_1354 : i32
        %jit3A_1356 = arith.constant 1 : i32
        %select_n3A_1357 = arith.select %eq3A_1355, %jit3A_1356, %jit3A_1353 : i32
        %rem3A_1358 = arith.remsi %add3A_1292, %select_n3A_1357 : i32
        %ne3A_1359 = arith.constant 0 : i32
        %ne3A_1360 = arith.cmpi ne, %rem3A_1358, %ne3A_1359 : i32
        %lt3A_1361 = arith.constant 0 : i32
        %lt3A_1362 = arith.cmpi slt, %rem3A_1358, %lt3A_1361 : i32
        %lt3A_1363 = arith.constant 0 : i32
        %lt3A_1364 = arith.cmpi slt, %select_n3A_1357, %lt3A_1363 : i32
        %ne3A_1365 = arith.xori %lt3A_1362, %lt3A_1364 : i1
        %and3A_1366 = arith.andi %ne3A_1365, %ne3A_1360 : i1
        %add3A_1367 = arith.addi %rem3A_1358, %select_n3A_1357 : i32
        %select_n3A_1368 = arith.select %and3A_1366, %add3A_1367, %rem3A_1358 : i32
        %mul3A_1369 = arith.constant 4 : i32
        %mul3A_1370 = arith.muli %select_n3A_1368, %mul3A_1369 : i32
        %add3A_1371 = arith.constant 0 : i32
        %add3A_1372 = arith.addi %mul3A_1370, %add3A_1371 : i32
        %eq3A_1373 = vector.broadcast %add3A_1372 : i32 to vector<16xi32>
        %eq3A_1374 = arith.cmpi eq, %iota3A, %eq3A_1373 : vector<16xi32>
        %jit3A_1375 = arith.constant 0 : i32
        %broadcast_in_dim3A_1376 = vector.broadcast %jit3A_1375 : i32 to vector<16xi32>
        %select_n3A_1377 = arith.select %eq3A_1374, %get3A_1352, %broadcast_in_dim3A_1376 : vector<16xi1>, vector<16xi32>
        %reduce_sum3A_1378 = arith.constant true
        %reduce_sum3A_1379 = vector.broadcast %reduce_sum3A_1378 : i1 to vector<16xi1>
        %reduce_sum3A_1380 = tpu.scan <sum>, %select_n3A_1377 masked %reduce_sum3A_1379 : vector<16xi32>, vector<16xi1> -> vector<16xi32>
        %reduce_sum3A_1381 = vector.extract %reduce_sum3A_1380[15] : i32 from vector<16xi32>
        %shift_right_logical3A_1382 = arith.constant 7 : i32
        %shift_right_logical3A_1383 = arith.shrui %reduce_sum3A_1381, %shift_right_logical3A_1382 : i32
        %jit3A_1384 = arith.constant 4 : i32
        %eq3A_1385 = arith.constant 0 : i32
        %eq3A_1386 = arith.cmpi eq, %jit3A_1384, %eq3A_1385 : i32
        %jit3A_1387 = arith.constant 1 : i32
        %select_n3A_1388 = arith.select %eq3A_1386, %jit3A_1387, %jit3A_1384 : i32
        %rem3A_1389 = arith.remsi %add3A_1292, %select_n3A_1388 : i32
        %ne3A_1390 = arith.constant 0 : i32
        %ne3A_1391 = arith.cmpi ne, %rem3A_1389, %ne3A_1390 : i32
        %lt3A_1392 = arith.constant 0 : i32
        %lt3A_1393 = arith.cmpi slt, %rem3A_1389, %lt3A_1392 : i32
        %lt3A_1394 = arith.constant 0 : i32
        %lt3A_1395 = arith.cmpi slt, %select_n3A_1388, %lt3A_1394 : i32
        %ne3A_1396 = arith.xori %lt3A_1393, %lt3A_1395 : i1
        %and3A_1397 = arith.andi %ne3A_1396, %ne3A_1391 : i1
        %add3A_1398 = arith.addi %rem3A_1389, %select_n3A_1388 : i32
        %select_n3A_1399 = arith.select %and3A_1397, %add3A_1398, %rem3A_1389 : i32
        %mul3A_1400 = arith.constant 4 : i32
        %mul3A_1401 = arith.muli %select_n3A_1399, %mul3A_1400 : i32
        %add3A_1402 = arith.constant 1 : i32
        %add3A_1403 = arith.addi %mul3A_1401, %add3A_1402 : i32
        %eq3A_1404 = vector.broadcast %add3A_1403 : i32 to vector<16xi32>
        %eq3A_1405 = arith.cmpi eq, %iota3A, %eq3A_1404 : vector<16xi32>
        %jit3A_1406 = arith.constant 0 : i32
        %broadcast_in_dim3A_1407 = vector.broadcast %jit3A_1406 : i32 to vector<16xi32>
        %select_n3A_1408 = arith.select %eq3A_1405, %get3A_1352, %broadcast_in_dim3A_1407 : vector<16xi1>, vector<16xi32>
        %reduce_sum3A_1409 = arith.constant true
        %reduce_sum3A_1410 = vector.broadcast %reduce_sum3A_1409 : i1 to vector<16xi1>
        %reduce_sum3A_1411 = tpu.scan <sum>, %select_n3A_1408 masked %reduce_sum3A_1410 : vector<16xi32>, vector<16xi1> -> vector<16xi32>
        %reduce_sum3A_1412 = vector.extract %reduce_sum3A_1411[15] : i32 from vector<16xi32>
        %shift_right_logical3A_1413 = arith.constant 7 : i32
        %shift_right_logical3A_1414 = arith.shrui %reduce_sum3A_1412, %shift_right_logical3A_1413 : i32
        %jit3A_1415 = arith.constant 4 : i32
        %eq3A_1416 = arith.constant 0 : i32
        %eq3A_1417 = arith.cmpi eq, %jit3A_1415, %eq3A_1416 : i32
        %jit3A_1418 = arith.constant 1 : i32
        %select_n3A_1419 = arith.select %eq3A_1417, %jit3A_1418, %jit3A_1415 : i32
        %rem3A_1420 = arith.remsi %add3A_1292, %select_n3A_1419 : i32
        %ne3A_1421 = arith.constant 0 : i32
        %ne3A_1422 = arith.cmpi ne, %rem3A_1420, %ne3A_1421 : i32
        %lt3A_1423 = arith.constant 0 : i32
        %lt3A_1424 = arith.cmpi slt, %rem3A_1420, %lt3A_1423 : i32
        %lt3A_1425 = arith.constant 0 : i32
        %lt3A_1426 = arith.cmpi slt, %select_n3A_1419, %lt3A_1425 : i32
        %ne3A_1427 = arith.xori %lt3A_1424, %lt3A_1426 : i1
        %and3A_1428 = arith.andi %ne3A_1427, %ne3A_1422 : i1
        %add3A_1429 = arith.addi %rem3A_1420, %select_n3A_1419 : i32
        %select_n3A_1430 = arith.select %and3A_1428, %add3A_1429, %rem3A_1420 : i32
        %mul3A_1431 = arith.constant 4 : i32
        %mul3A_1432 = arith.muli %select_n3A_1430, %mul3A_1431 : i32
        %add3A_1433 = arith.constant 2 : i32
        %add3A_1434 = arith.addi %mul3A_1432, %add3A_1433 : i32
        %eq3A_1435 = vector.broadcast %add3A_1434 : i32 to vector<16xi32>
        %eq3A_1436 = arith.cmpi eq, %iota3A, %eq3A_1435 : vector<16xi32>
        %jit3A_1437 = arith.constant 0 : i32
        %broadcast_in_dim3A_1438 = vector.broadcast %jit3A_1437 : i32 to vector<16xi32>
        %select_n3A_1439 = arith.select %eq3A_1436, %get3A_1352, %broadcast_in_dim3A_1438 : vector<16xi1>, vector<16xi32>
        %reduce_sum3A_1440 = arith.constant true
        %reduce_sum3A_1441 = vector.broadcast %reduce_sum3A_1440 : i1 to vector<16xi1>
        %reduce_sum3A_1442 = tpu.scan <sum>, %select_n3A_1439 masked %reduce_sum3A_1441 : vector<16xi32>, vector<16xi1> -> vector<16xi32>
        %reduce_sum3A_1443 = vector.extract %reduce_sum3A_1442[15] : i32 from vector<16xi32>
        %shift_right_logical3A_1444 = arith.constant 7 : i32
        %shift_right_logical3A_1445 = arith.shrui %reduce_sum3A_1443, %shift_right_logical3A_1444 : i32
        %jit3A_1446 = arith.constant 4 : i32
        %eq3A_1447 = arith.constant 0 : i32
        %eq3A_1448 = arith.cmpi eq, %jit3A_1446, %eq3A_1447 : i32
        %jit3A_1449 = arith.constant 1 : i32
        %select_n3A_1450 = arith.select %eq3A_1448, %jit3A_1449, %jit3A_1446 : i32
        %rem3A_1451 = arith.remsi %add3A_1292, %select_n3A_1450 : i32
        %ne3A_1452 = arith.constant 0 : i32
        %ne3A_1453 = arith.cmpi ne, %rem3A_1451, %ne3A_1452 : i32
        %lt3A_1454 = arith.constant 0 : i32
        %lt3A_1455 = arith.cmpi slt, %rem3A_1451, %lt3A_1454 : i32
        %lt3A_1456 = arith.constant 0 : i32
        %lt3A_1457 = arith.cmpi slt, %select_n3A_1450, %lt3A_1456 : i32
        %ne3A_1458 = arith.xori %lt3A_1455, %lt3A_1457 : i1
        %and3A_1459 = arith.andi %ne3A_1458, %ne3A_1453 : i1
        %add3A_1460 = arith.addi %rem3A_1451, %select_n3A_1450 : i32
        %select_n3A_1461 = arith.select %and3A_1459, %add3A_1460, %rem3A_1451 : i32
        %mul3A_1462 = arith.constant 4 : i32
        %mul3A_1463 = arith.muli %select_n3A_1461, %mul3A_1462 : i32
        %add3A_1464 = arith.constant 3 : i32
        %add3A_1465 = arith.addi %mul3A_1463, %add3A_1464 : i32
        %eq3A_1466 = vector.broadcast %add3A_1465 : i32 to vector<16xi32>
        %eq3A_1467 = arith.cmpi eq, %iota3A, %eq3A_1466 : vector<16xi32>
        %jit3A_1468 = arith.constant 0 : i32
        %broadcast_in_dim3A_1469 = vector.broadcast %jit3A_1468 : i32 to vector<16xi32>
        %select_n3A_1470 = arith.select %eq3A_1467, %get3A_1352, %broadcast_in_dim3A_1469 : vector<16xi1>, vector<16xi32>
        %reduce_sum3A_1471 = arith.constant true
        %reduce_sum3A_1472 = vector.broadcast %reduce_sum3A_1471 : i1 to vector<16xi1>
        %reduce_sum3A_1473 = tpu.scan <sum>, %select_n3A_1470 masked %reduce_sum3A_1472 : vector<16xi32>, vector<16xi1> -> vector<16xi32>
        %reduce_sum3A_1474 = vector.extract %reduce_sum3A_1473[15] : i32 from vector<16xi32>
        %shift_right_logical3A_1475 = arith.constant 7 : i32
        %shift_right_logical3A_1476 = arith.shrui %reduce_sum3A_1474, %shift_right_logical3A_1475 : i32
        %ne3A_1477 = arith.cmpi ne, %shift_right_logical3A_1414, %shift_right_logical3A_1383 : i32
        %ne3A_1478 = arith.cmpi ne, %shift_right_logical3A_1445, %shift_right_logical3A_1414 : i32
        %ne3A_1479 = arith.cmpi ne, %shift_right_logical3A_1476, %shift_right_logical3A_1445 : i32
        %jit3A_1480 = arith.constant 4 : i32
        %eq3A_1481 = arith.constant 0 : i32
        %eq3A_1482 = arith.cmpi eq, %jit3A_1480, %eq3A_1481 : i32
        %jit3A_1483 = arith.constant 1 : i32
        %select_n3A_1484 = arith.select %eq3A_1482, %jit3A_1483, %jit3A_1480 : i32
        %rem3A_1485 = arith.remsi %add3A_1292, %select_n3A_1484 : i32
        %ne3A_1486 = arith.constant 0 : i32
        %ne3A_1487 = arith.cmpi ne, %rem3A_1485, %ne3A_1486 : i32
        %lt3A_1488 = arith.constant 0 : i32
        %lt3A_1489 = arith.cmpi slt, %rem3A_1485, %lt3A_1488 : i32
        %lt3A_1490 = arith.constant 0 : i32
        %lt3A_1491 = arith.cmpi slt, %select_n3A_1484, %lt3A_1490 : i32
        %ne3A_1492 = arith.xori %lt3A_1489, %lt3A_1491 : i1
        %and3A_1493 = arith.andi %ne3A_1492, %ne3A_1487 : i1
        %add3A_1494 = arith.addi %rem3A_1485, %select_n3A_1484 : i32
        %select_n3A_1495 = arith.select %and3A_1493, %add3A_1494, %rem3A_1485 : i32
        %mul3A_1496 = arith.constant 4 : i32
        %mul3A_1497 = arith.muli %select_n3A_1495, %mul3A_1496 : i32
        %add3A_1498 = arith.constant 0 : i32
        %add3A_1499 = arith.addi %mul3A_1497, %add3A_1498 : i32
        %mul3A_1500 = arith.constant 128 : i32
        %mul3A_1501 = arith.muli %shift_right_logical3A_1383, %mul3A_1500 : i32
        %multiple_of3A_1502 = tpu.assume_multiple %mul3A_1501, 128 : i32
        %eq3A_1503 = vector.broadcast %add3A_1499 : i32 to vector<16xi32>
        %eq3A_1504 = arith.cmpi eq, %iota3A, %eq3A_1503 : vector<16xi32>
        %jit3A_1505 = arith.constant 0 : i32
        %broadcast_in_dim3A_1506 = vector.broadcast %jit3A_1505 : i32 to vector<16xi32>
        %select_n3A_1507 = arith.select %eq3A_1504, %get3A_1324, %broadcast_in_dim3A_1506 : vector<16xi1>, vector<16xi32>
        %reduce_sum3A_1508 = arith.constant true
        %reduce_sum3A_1509 = vector.broadcast %reduce_sum3A_1508 : i1 to vector<16xi1>
        %reduce_sum3A_1510 = tpu.scan <sum>, %select_n3A_1507 masked %reduce_sum3A_1509 : vector<16xi32>, vector<16xi1> -> vector<16xi32>
        %reduce_sum3A_1511 = vector.extract %reduce_sum3A_1510[15] : i32 from vector<16xi32>
        %shift_right_logical3A_1512 = arith.constant 7 : i32
        %shift_right_logical3A_1513 = arith.shrui %reduce_sum3A_1511, %shift_right_logical3A_1512 : i32
        %mul3A_1514 = arith.constant 128 : i32
        %mul3A_1515 = arith.muli %shift_right_logical3A_1513, %mul3A_1514 : i32
        %multiple_of3A_1516 = tpu.assume_multiple %mul3A_1515, 128 : i32
        %dma_start3A_1517 = arith.constant 0 : i32
        %dma_start3A_1518 = arith.constant 0 : i32
        %dma_start3A_1519 = arith.constant 0 : i32
        %dma_start3A_1520 = tpu.memref_slice %arg9[%rem3A_1296, %dma_start3A_1517, %dma_start3A_1518, %dma_start3A_1519] : memref<3x4x32x128xf32, #tpu.memory_space<vmem>> -> memref<1x1x32x128xf32, #tpu.memory_space<vmem>>
        %dma_start3A_1521 = tpu.memref_squeeze %dma_start3A_1520 : memref<1x1x32x128xf32, #tpu.memory_space<vmem>> -> memref<32x128xf32, #tpu.memory_space<vmem>>
        %dma_start3A_1522 = arith.constant 0 : i32
        %dma_start3A_1523 = tpu.memref_slice %arg4[%dma_start3A_1522, %multiple_of3A_1502] : memref<32x1000000xf32, #tpu.memory_space<hbm>> -> memref<32x128xf32, #tpu.memory_space<hbm>>
        %dma_start3A_1524 = tpu.memref_slice %arg12[%rem3A_1296] : memref<3x!tpu.dma_semaphore, #tpu.memory_space<semaphore_mem>> -> memref<1x!tpu.dma_semaphore, #tpu.memory_space<semaphore_mem>>
        %dma_start3A_1525 = tpu.memref_squeeze %dma_start3A_1524 : memref<1x!tpu.dma_semaphore, #tpu.memory_space<semaphore_mem>> -> memref<!tpu.dma_semaphore, #tpu.memory_space<semaphore_mem>>
        %dma_start3A_1526 = arith.constant 0 : i32
        %dma_start3A_1527 = arith.constant 0 : i32
        %dma_start3A_1528 = tpu.memref_slice %arg9[%rem3A_1296, %dma_start3A_1517, %dma_start3A_1526, %dma_start3A_1527] : memref<3x4x32x128xf32, #tpu.memory_space<vmem>> -> memref<1x1x32x128xf32, #tpu.memory_space<vmem>>
        %dma_start3A_1529 = tpu.memref_squeeze %dma_start3A_1528 : memref<1x1x32x128xf32, #tpu.memory_space<vmem>> -> memref<32x128xf32, #tpu.memory_space<vmem>>
        %dma_start3A_1530 = arith.constant 0 : i32
        %dma_start3A_1531 = tpu.memref_slice %arg4[%dma_start3A_1530, %multiple_of3A_1502] : memref<32x1000000xf32, #tpu.memory_space<hbm>> -> memref<32x128xf32, #tpu.memory_space<hbm>>
        tpu.enqueue_dma source(%dma_start3A_1531 : memref<32x128xf32, #tpu.memory_space<hbm>>) target(%dma_start3A_1529 : memref<32x128xf32, #tpu.memory_space<vmem>>) target_semaphore(%dma_start3A_1525 : memref<!tpu.dma_semaphore, #tpu.memory_space<semaphore_mem>>)
        %dma_start3A_1532 = arith.constant 0 : i32
        %dma_start3A_1533 = arith.constant 0 : i32
        %dma_start3A_1534 = arith.constant 0 : i32
        %dma_start3A_1535 = tpu.memref_slice %arg10[%rem3A_1296, %dma_start3A_1532, %dma_start3A_1533, %dma_start3A_1534] : memref<3x4x32x128xf32, #tpu.memory_space<vmem>> -> memref<1x1x32x128xf32, #tpu.memory_space<vmem>>
        %dma_start3A_1536 = tpu.memref_squeeze %dma_start3A_1535 : memref<1x1x32x128xf32, #tpu.memory_space<vmem>> -> memref<32x128xf32, #tpu.memory_space<vmem>>
        %dma_start3A_1537 = arith.constant 0 : i32
        %dma_start3A_1538 = tpu.memref_slice %arg5[%dma_start3A_1537, %multiple_of3A_1516] : memref<32x1000000xf32, #tpu.memory_space<hbm>> -> memref<32x128xf32, #tpu.memory_space<hbm>>
        %dma_start3A_1539 = tpu.memref_slice %arg13[%rem3A_1296] : memref<3x!tpu.dma_semaphore, #tpu.memory_space<semaphore_mem>> -> memref<1x!tpu.dma_semaphore, #tpu.memory_space<semaphore_mem>>
        %dma_start3A_1540 = tpu.memref_squeeze %dma_start3A_1539 : memref<1x!tpu.dma_semaphore, #tpu.memory_space<semaphore_mem>> -> memref<!tpu.dma_semaphore, #tpu.memory_space<semaphore_mem>>
        %dma_start3A_1541 = arith.constant 0 : i32
        %dma_start3A_1542 = arith.constant 0 : i32
        %dma_start3A_1543 = tpu.memref_slice %arg10[%rem3A_1296, %dma_start3A_1532, %dma_start3A_1541, %dma_start3A_1542] : memref<3x4x32x128xf32, #tpu.memory_space<vmem>> -> memref<1x1x32x128xf32, #tpu.memory_space<vmem>>
        %dma_start3A_1544 = tpu.memref_squeeze %dma_start3A_1543 : memref<1x1x32x128xf32, #tpu.memory_space<vmem>> -> memref<32x128xf32, #tpu.memory_space<vmem>>
        %dma_start3A_1545 = arith.constant 0 : i32
        %dma_start3A_1546 = tpu.memref_slice %arg5[%dma_start3A_1545, %multiple_of3A_1516] : memref<32x1000000xf32, #tpu.memory_space<hbm>> -> memref<32x128xf32, #tpu.memory_space<hbm>>
        tpu.enqueue_dma source(%dma_start3A_1546 : memref<32x128xf32, #tpu.memory_space<hbm>>) target(%dma_start3A_1544 : memref<32x128xf32, #tpu.memory_space<vmem>>) target_semaphore(%dma_start3A_1540 : memref<!tpu.dma_semaphore, #tpu.memory_space<semaphore_mem>>)
        %jit3A_1547 = arith.constant 4 : i32
        %eq3A_1548 = arith.constant 0 : i32
        %eq3A_1549 = arith.cmpi eq, %jit3A_1547, %eq3A_1548 : i32
        %jit3A_1550 = arith.constant 1 : i32
        %select_n3A_1551 = arith.select %eq3A_1549, %jit3A_1550, %jit3A_1547 : i32
        %rem3A_1552 = arith.remsi %add3A_1292, %select_n3A_1551 : i32
        %ne3A_1553 = arith.constant 0 : i32
        %ne3A_1554 = arith.cmpi ne, %rem3A_1552, %ne3A_1553 : i32
        %lt3A_1555 = arith.constant 0 : i32
        %lt3A_1556 = arith.cmpi slt, %rem3A_1552, %lt3A_1555 : i32
        %lt3A_1557 = arith.constant 0 : i32
        %lt3A_1558 = arith.cmpi slt, %select_n3A_1551, %lt3A_1557 : i32
        %ne3A_1559 = arith.xori %lt3A_1556, %lt3A_1558 : i1
        %and3A_1560 = arith.andi %ne3A_1559, %ne3A_1554 : i1
        %add3A_1561 = arith.addi %rem3A_1552, %select_n3A_1551 : i32
        %select_n3A_1562 = arith.select %and3A_1560, %add3A_1561, %rem3A_1552 : i32
        %mul3A_1563 = arith.constant 4 : i32
        %mul3A_1564 = arith.muli %select_n3A_1562, %mul3A_1563 : i32
        %add3A_1565 = arith.constant 1 : i32
        %add3A_1566 = arith.addi %mul3A_1564, %add3A_1565 : i32
        %mul3A_1567 = arith.constant 128 : i32
        %mul3A_1568 = arith.muli %shift_right_logical3A_1414, %mul3A_1567 : i32
        %multiple_of3A_1569 = tpu.assume_multiple %mul3A_1568, 128 : i32
        %eq3A_1570 = vector.broadcast %add3A_1566 : i32 to vector<16xi32>
        %eq3A_1571 = arith.cmpi eq, %iota3A, %eq3A_1570 : vector<16xi32>
        %jit3A_1572 = arith.constant 0 : i32
        %broadcast_in_dim3A_1573 = vector.broadcast %jit3A_1572 : i32 to vector<16xi32>
        %select_n3A_1574 = arith.select %eq3A_1571, %get3A_1324, %broadcast_in_dim3A_1573 : vector<16xi1>, vector<16xi32>
        %reduce_sum3A_1575 = arith.constant true
        %reduce_sum3A_1576 = vector.broadcast %reduce_sum3A_1575 : i1 to vector<16xi1>
        %reduce_sum3A_1577 = tpu.scan <sum>, %select_n3A_1574 masked %reduce_sum3A_1576 : vector<16xi32>, vector<16xi1> -> vector<16xi32>
        %reduce_sum3A_1578 = vector.extract %reduce_sum3A_1577[15] : i32 from vector<16xi32>
        %shift_right_logical3A_1579 = arith.constant 7 : i32
        %shift_right_logical3A_1580 = arith.shrui %reduce_sum3A_1578, %shift_right_logical3A_1579 : i32
        %mul3A_1581 = arith.constant 128 : i32
        %mul3A_1582 = arith.muli %shift_right_logical3A_1580, %mul3A_1581 : i32
        %multiple_of3A_1583 = tpu.assume_multiple %mul3A_1582, 128 : i32
        %convert_element_type3A_1584 = arith.extui %ne3A_1477 : i1 to i32
        %cond3A_1585 = arith.constant 0 : i32
        %cond3A_1586 = arith.cmpi ne, %convert_element_type3A_1584, %cond3A_1585 : i32
        scf.if %cond3A_1586 {
          %dma_start3A_1712 = arith.constant 1 : i32
          %dma_start3A_1713 = arith.constant 0 : i32
          %dma_start3A_1714 = arith.constant 0 : i32
          %dma_start3A_1715 = tpu.memref_slice %arg9[%rem3A_1296, %dma_start3A_1712, %dma_start3A_1713, %dma_start3A_1714] : memref<3x4x32x128xf32, #tpu.memory_space<vmem>> -> memref<1x1x32x128xf32, #tpu.memory_space<vmem>>
          %dma_start3A_1716 = tpu.memref_squeeze %dma_start3A_1715 : memref<1x1x32x128xf32, #tpu.memory_space<vmem>> -> memref<32x128xf32, #tpu.memory_space<vmem>>
          %dma_start3A_1717 = arith.constant 0 : i32
          %dma_start3A_1718 = tpu.memref_slice %arg4[%dma_start3A_1717, %multiple_of3A_1569] : memref<32x1000000xf32, #tpu.memory_space<hbm>> -> memref<32x128xf32, #tpu.memory_space<hbm>>
          %dma_start3A_1719 = tpu.memref_slice %arg12[%rem3A_1296] : memref<3x!tpu.dma_semaphore, #tpu.memory_space<semaphore_mem>> -> memref<1x!tpu.dma_semaphore, #tpu.memory_space<semaphore_mem>>
          %dma_start3A_1720 = tpu.memref_squeeze %dma_start3A_1719 : memref<1x!tpu.dma_semaphore, #tpu.memory_space<semaphore_mem>> -> memref<!tpu.dma_semaphore, #tpu.memory_space<semaphore_mem>>
          %dma_start3A_1721 = arith.constant 0 : i32
          %dma_start3A_1722 = arith.constant 0 : i32
          %dma_start3A_1723 = tpu.memref_slice %arg9[%rem3A_1296, %dma_start3A_1712, %dma_start3A_1721, %dma_start3A_1722] : memref<3x4x32x128xf32, #tpu.memory_space<vmem>> -> memref<1x1x32x128xf32, #tpu.memory_space<vmem>>
          %dma_start3A_1724 = tpu.memref_squeeze %dma_start3A_1723 : memref<1x1x32x128xf32, #tpu.memory_space<vmem>> -> memref<32x128xf32, #tpu.memory_space<vmem>>
          %dma_start3A_1725 = arith.constant 0 : i32
          %dma_start3A_1726 = tpu.memref_slice %arg4[%dma_start3A_1725, %multiple_of3A_1569] : memref<32x1000000xf32, #tpu.memory_space<hbm>> -> memref<32x128xf32, #tpu.memory_space<hbm>>
          tpu.enqueue_dma source(%dma_start3A_1726 : memref<32x128xf32, #tpu.memory_space<hbm>>) target(%dma_start3A_1724 : memref<32x128xf32, #tpu.memory_space<vmem>>) target_semaphore(%dma_start3A_1720 : memref<!tpu.dma_semaphore, #tpu.memory_space<semaphore_mem>>)
        } else {
        }
        %dma_start3A_1587 = arith.constant 1 : i32
        %dma_start3A_1588 = arith.constant 0 : i32
        %dma_start3A_1589 = arith.constant 0 : i32
        %dma_start3A_1590 = tpu.memref_slice %arg10[%rem3A_1296, %dma_start3A_1587, %dma_start3A_1588, %dma_start3A_1589] : memref<3x4x32x128xf32, #tpu.memory_space<vmem>> -> memref<1x1x32x128xf32, #tpu.memory_space<vmem>>
        %dma_start3A_1591 = tpu.memref_squeeze %dma_start3A_1590 : memref<1x1x32x128xf32, #tpu.memory_space<vmem>> -> memref<32x128xf32, #tpu.memory_space<vmem>>
        %dma_start3A_1592 = arith.constant 0 : i32
        %dma_start3A_1593 = tpu.memref_slice %arg5[%dma_start3A_1592, %multiple_of3A_1583] : memref<32x1000000xf32, #tpu.memory_space<hbm>> -> memref<32x128xf32, #tpu.memory_space<hbm>>
        %dma_start3A_1594 = tpu.memref_slice %arg13[%rem3A_1296] : memref<3x!tpu.dma_semaphore, #tpu.memory_space<semaphore_mem>> -> memref<1x!tpu.dma_semaphore, #tpu.memory_space<semaphore_mem>>
        %dma_start3A_1595 = tpu.memref_squeeze %dma_start3A_1594 : memref<1x!tpu.dma_semaphore, #tpu.memory_space<semaphore_mem>> -> memref<!tpu.dma_semaphore, #tpu.memory_space<semaphore_mem>>
        %dma_start3A_1596 = arith.constant 0 : i32
        %dma_start3A_1597 = arith.constant 0 : i32
        %dma_start3A_1598 = tpu.memref_slice %arg10[%rem3A_1296, %dma_start3A_1587, %dma_start3A_1596, %dma_start3A_1597] : memref<3x4x32x128xf32, #tpu.memory_space<vmem>> -> memref<1x1x32x128xf32, #tpu.memory_space<vmem>>
        %dma_start3A_1599 = tpu.memref_squeeze %dma_start3A_1598 : memref<1x1x32x128xf32, #tpu.memory_space<vmem>> -> memref<32x128xf32, #tpu.memory_space<vmem>>
        %dma_start3A_1600 = arith.constant 0 : i32
        %dma_start3A_1601 = tpu.memref_slice %arg5[%dma_start3A_1600, %multiple_of3A_1583] : memref<32x1000000xf32, #tpu.memory_space<hbm>> -> memref<32x128xf32, #tpu.memory_space<hbm>>
        tpu.enqueue_dma source(%dma_start3A_1601 : memref<32x128xf32, #tpu.memory_space<hbm>>) target(%dma_start3A_1599 : memref<32x128xf32, #tpu.memory_space<vmem>>) target_semaphore(%dma_start3A_1595 : memref<!tpu.dma_semaphore, #tpu.memory_space<semaphore_mem>>)
        %jit3A_1602 = arith.constant 4 : i32
        %eq3A_1603 = arith.constant 0 : i32
        %eq3A_1604 = arith.cmpi eq, %jit3A_1602, %eq3A_1603 : i32
        %jit3A_1605 = arith.constant 1 : i32
        %select_n3A_1606 = arith.select %eq3A_1604, %jit3A_1605, %jit3A_1602 : i32
        %rem3A_1607 = arith.remsi %add3A_1292, %select_n3A_1606 : i32
        %ne3A_1608 = arith.constant 0 : i32
        %ne3A_1609 = arith.cmpi ne, %rem3A_1607, %ne3A_1608 : i32
        %lt3A_1610 = arith.constant 0 : i32
        %lt3A_1611 = arith.cmpi slt, %rem3A_1607, %lt3A_1610 : i32
        %lt3A_1612 = arith.constant 0 : i32
        %lt3A_1613 = arith.cmpi slt, %select_n3A_1606, %lt3A_1612 : i32
        %ne3A_1614 = arith.xori %lt3A_1611, %lt3A_1613 : i1
        %and3A_1615 = arith.andi %ne3A_1614, %ne3A_1609 : i1
        %add3A_1616 = arith.addi %rem3A_1607, %select_n3A_1606 : i32
        %select_n3A_1617 = arith.select %and3A_1615, %add3A_1616, %rem3A_1607 : i32
        %mul3A_1618 = arith.constant 4 : i32
        %mul3A_1619 = arith.muli %select_n3A_1617, %mul3A_1618 : i32
        %add3A_1620 = arith.constant 2 : i32
        %add3A_1621 = arith.addi %mul3A_1619, %add3A_1620 : i32
        %mul3A_1622 = arith.constant 128 : i32
        %mul3A_1623 = arith.muli %shift_right_logical3A_1445, %mul3A_1622 : i32
        %multiple_of3A_1624 = tpu.assume_multiple %mul3A_1623, 128 : i32
        %eq3A_1625 = vector.broadcast %add3A_1621 : i32 to vector<16xi32>
        %eq3A_1626 = arith.cmpi eq, %iota3A, %eq3A_1625 : vector<16xi32>
        %jit3A_1627 = arith.constant 0 : i32
        %broadcast_in_dim3A_1628 = vector.broadcast %jit3A_1627 : i32 to vector<16xi32>
        %select_n3A_1629 = arith.select %eq3A_1626, %get3A_1324, %broadcast_in_dim3A_1628 : vector<16xi1>, vector<16xi32>
        %reduce_sum3A_1630 = arith.constant true
        %reduce_sum3A_1631 = vector.broadcast %reduce_sum3A_1630 : i1 to vector<16xi1>
        %reduce_sum3A_1632 = tpu.scan <sum>, %select_n3A_1629 masked %reduce_sum3A_1631 : vector<16xi32>, vector<16xi1> -> vector<16xi32>
        %reduce_sum3A_1633 = vector.extract %reduce_sum3A_1632[15] : i32 from vector<16xi32>
        %shift_right_logical3A_1634 = arith.constant 7 : i32
        %shift_right_logical3A_1635 = arith.shrui %reduce_sum3A_1633, %shift_right_logical3A_1634 : i32
        %mul3A_1636 = arith.constant 128 : i32
        %mul3A_1637 = arith.muli %shift_right_logical3A_1635, %mul3A_1636 : i32
        %multiple_of3A_1638 = tpu.assume_multiple %mul3A_1637, 128 : i32
        %convert_element_type3A_1639 = arith.extui %ne3A_1478 : i1 to i32
        %cond3A_1640 = arith.constant 0 : i32
        %cond3A_1641 = arith.cmpi ne, %convert_element_type3A_1639, %cond3A_1640 : i32
        scf.if %cond3A_1641 {
          %dma_start3A_1712 = arith.constant 2 : i32
          %dma_start3A_1713 = arith.constant 0 : i32
          %dma_start3A_1714 = arith.constant 0 : i32
          %dma_start3A_1715 = tpu.memref_slice %arg9[%rem3A_1296, %dma_start3A_1712, %dma_start3A_1713, %dma_start3A_1714] : memref<3x4x32x128xf32, #tpu.memory_space<vmem>> -> memref<1x1x32x128xf32, #tpu.memory_space<vmem>>
          %dma_start3A_1716 = tpu.memref_squeeze %dma_start3A_1715 : memref<1x1x32x128xf32, #tpu.memory_space<vmem>> -> memref<32x128xf32, #tpu.memory_space<vmem>>
          %dma_start3A_1717 = arith.constant 0 : i32
          %dma_start3A_1718 = tpu.memref_slice %arg4[%dma_start3A_1717, %multiple_of3A_1624] : memref<32x1000000xf32, #tpu.memory_space<hbm>> -> memref<32x128xf32, #tpu.memory_space<hbm>>
          %dma_start3A_1719 = tpu.memref_slice %arg12[%rem3A_1296] : memref<3x!tpu.dma_semaphore, #tpu.memory_space<semaphore_mem>> -> memref<1x!tpu.dma_semaphore, #tpu.memory_space<semaphore_mem>>
          %dma_start3A_1720 = tpu.memref_squeeze %dma_start3A_1719 : memref<1x!tpu.dma_semaphore, #tpu.memory_space<semaphore_mem>> -> memref<!tpu.dma_semaphore, #tpu.memory_space<semaphore_mem>>
          %dma_start3A_1721 = arith.constant 0 : i32
          %dma_start3A_1722 = arith.constant 0 : i32
          %dma_start3A_1723 = tpu.memref_slice %arg9[%rem3A_1296, %dma_start3A_1712, %dma_start3A_1721, %dma_start3A_1722] : memref<3x4x32x128xf32, #tpu.memory_space<vmem>> -> memref<1x1x32x128xf32, #tpu.memory_space<vmem>>
          %dma_start3A_1724 = tpu.memref_squeeze %dma_start3A_1723 : memref<1x1x32x128xf32, #tpu.memory_space<vmem>> -> memref<32x128xf32, #tpu.memory_space<vmem>>
          %dma_start3A_1725 = arith.constant 0 : i32
          %dma_start3A_1726 = tpu.memref_slice %arg4[%dma_start3A_1725, %multiple_of3A_1624] : memref<32x1000000xf32, #tpu.memory_space<hbm>> -> memref<32x128xf32, #tpu.memory_space<hbm>>
          tpu.enqueue_dma source(%dma_start3A_1726 : memref<32x128xf32, #tpu.memory_space<hbm>>) target(%dma_start3A_1724 : memref<32x128xf32, #tpu.memory_space<vmem>>) target_semaphore(%dma_start3A_1720 : memref<!tpu.dma_semaphore, #tpu.memory_space<semaphore_mem>>)
        } else {
        }
        %dma_start3A_1642 = arith.constant 2 : i32
        %dma_start3A_1643 = arith.constant 0 : i32
        %dma_start3A_1644 = arith.constant 0 : i32
        %dma_start3A_1645 = tpu.memref_slice %arg10[%rem3A_1296, %dma_start3A_1642, %dma_start3A_1643, %dma_start3A_1644] : memref<3x4x32x128xf32, #tpu.memory_space<vmem>> -> memref<1x1x32x128xf32, #tpu.memory_space<vmem>>
        %dma_start3A_1646 = tpu.memref_squeeze %dma_start3A_1645 : memref<1x1x32x128xf32, #tpu.memory_space<vmem>> -> memref<32x128xf32, #tpu.memory_space<vmem>>
        %dma_start3A_1647 = arith.constant 0 : i32
        %dma_start3A_1648 = tpu.memref_slice %arg5[%dma_start3A_1647, %multiple_of3A_1638] : memref<32x1000000xf32, #tpu.memory_space<hbm>> -> memref<32x128xf32, #tpu.memory_space<hbm>>
        %dma_start3A_1649 = tpu.memref_slice %arg13[%rem3A_1296] : memref<3x!tpu.dma_semaphore, #tpu.memory_space<semaphore_mem>> -> memref<1x!tpu.dma_semaphore, #tpu.memory_space<semaphore_mem>>
        %dma_start3A_1650 = tpu.memref_squeeze %dma_start3A_1649 : memref<1x!tpu.dma_semaphore, #tpu.memory_space<semaphore_mem>> -> memref<!tpu.dma_semaphore, #tpu.memory_space<semaphore_mem>>
        %dma_start3A_1651 = arith.constant 0 : i32
        %dma_start3A_1652 = arith.constant 0 : i32
        %dma_start3A_1653 = tpu.memref_slice %arg10[%rem3A_1296, %dma_start3A_1642, %dma_start3A_1651, %dma_start3A_1652] : memref<3x4x32x128xf32, #tpu.memory_space<vmem>> -> memref<1x1x32x128xf32, #tpu.memory_space<vmem>>
        %dma_start3A_1654 = tpu.memref_squeeze %dma_start3A_1653 : memref<1x1x32x128xf32, #tpu.memory_space<vmem>> -> memref<32x128xf32, #tpu.memory_space<vmem>>
        %dma_start3A_1655 = arith.constant 0 : i32
        %dma_start3A_1656 = tpu.memref_slice %arg5[%dma_start3A_1655, %multiple_of3A_1638] : memref<32x1000000xf32, #tpu.memory_space<hbm>> -> memref<32x128xf32, #tpu.memory_space<hbm>>
        tpu.enqueue_dma source(%dma_start3A_1656 : memref<32x128xf32, #tpu.memory_space<hbm>>) target(%dma_start3A_1654 : memref<32x128xf32, #tpu.memory_space<vmem>>) target_semaphore(%dma_start3A_1650 : memref<!tpu.dma_semaphore, #tpu.memory_space<semaphore_mem>>)
        %jit3A_1657 = arith.constant 4 : i32
        %eq3A_1658 = arith.constant 0 : i32
        %eq3A_1659 = arith.cmpi eq, %jit3A_1657, %eq3A_1658 : i32
        %jit3A_1660 = arith.constant 1 : i32
        %select_n3A_1661 = arith.select %eq3A_1659, %jit3A_1660, %jit3A_1657 : i32
        %rem3A_1662 = arith.remsi %add3A_1292, %select_n3A_1661 : i32
        %ne3A_1663 = arith.constant 0 : i32
        %ne3A_1664 = arith.cmpi ne, %rem3A_1662, %ne3A_1663 : i32
        %lt3A_1665 = arith.constant 0 : i32
        %lt3A_1666 = arith.cmpi slt, %rem3A_1662, %lt3A_1665 : i32
        %lt3A_1667 = arith.constant 0 : i32
        %lt3A_1668 = arith.cmpi slt, %select_n3A_1661, %lt3A_1667 : i32
        %ne3A_1669 = arith.xori %lt3A_1666, %lt3A_1668 : i1
        %and3A_1670 = arith.andi %ne3A_1669, %ne3A_1664 : i1
        %add3A_1671 = arith.addi %rem3A_1662, %select_n3A_1661 : i32
        %select_n3A_1672 = arith.select %and3A_1670, %add3A_1671, %rem3A_1662 : i32
        %mul3A_1673 = arith.constant 4 : i32
        %mul3A_1674 = arith.muli %select_n3A_1672, %mul3A_1673 : i32
        %add3A_1675 = arith.constant 3 : i32
        %add3A_1676 = arith.addi %mul3A_1674, %add3A_1675 : i32
        %mul3A_1677 = arith.constant 128 : i32
        %mul3A_1678 = arith.muli %shift_right_logical3A_1476, %mul3A_1677 : i32
        %multiple_of3A_1679 = tpu.assume_multiple %mul3A_1678, 128 : i32
        %eq3A_1680 = vector.broadcast %add3A_1676 : i32 to vector<16xi32>
        %eq3A_1681 = arith.cmpi eq, %iota3A, %eq3A_1680 : vector<16xi32>
        %jit3A_1682 = arith.constant 0 : i32
        %broadcast_in_dim3A_1683 = vector.broadcast %jit3A_1682 : i32 to vector<16xi32>
        %select_n3A_1684 = arith.select %eq3A_1681, %get3A_1324, %broadcast_in_dim3A_1683 : vector<16xi1>, vector<16xi32>
        %reduce_sum3A_1685 = arith.constant true
        %reduce_sum3A_1686 = vector.broadcast %reduce_sum3A_1685 : i1 to vector<16xi1>
        %reduce_sum3A_1687 = tpu.scan <sum>, %select_n3A_1684 masked %reduce_sum3A_1686 : vector<16xi32>, vector<16xi1> -> vector<16xi32>
        %reduce_sum3A_1688 = vector.extract %reduce_sum3A_1687[15] : i32 from vector<16xi32>
        %shift_right_logical3A_1689 = arith.constant 7 : i32
        %shift_right_logical3A_1690 = arith.shrui %reduce_sum3A_1688, %shift_right_logical3A_1689 : i32
        %mul3A_1691 = arith.constant 128 : i32
        %mul3A_1692 = arith.muli %shift_right_logical3A_1690, %mul3A_1691 : i32
        %multiple_of3A_1693 = tpu.assume_multiple %mul3A_1692, 128 : i32
        %convert_element_type3A_1694 = arith.extui %ne3A_1479 : i1 to i32
        %cond3A_1695 = arith.constant 0 : i32
        %cond3A_1696 = arith.cmpi ne, %convert_element_type3A_1694, %cond3A_1695 : i32
        scf.if %cond3A_1696 {
          %dma_start3A_1712 = arith.constant 3 : i32
          %dma_start3A_1713 = arith.constant 0 : i32
          %dma_start3A_1714 = arith.constant 0 : i32
          %dma_start3A_1715 = tpu.memref_slice %arg9[%rem3A_1296, %dma_start3A_1712, %dma_start3A_1713, %dma_start3A_1714] : memref<3x4x32x128xf32, #tpu.memory_space<vmem>> -> memref<1x1x32x128xf32, #tpu.memory_space<vmem>>
          %dma_start3A_1716 = tpu.memref_squeeze %dma_start3A_1715 : memref<1x1x32x128xf32, #tpu.memory_space<vmem>> -> memref<32x128xf32, #tpu.memory_space<vmem>>
          %dma_start3A_1717 = arith.constant 0 : i32
          %dma_start3A_1718 = tpu.memref_slice %arg4[%dma_start3A_1717, %multiple_of3A_1679] : memref<32x1000000xf32, #tpu.memory_space<hbm>> -> memref<32x128xf32, #tpu.memory_space<hbm>>
          %dma_start3A_1719 = tpu.memref_slice %arg12[%rem3A_1296] : memref<3x!tpu.dma_semaphore, #tpu.memory_space<semaphore_mem>> -> memref<1x!tpu.dma_semaphore, #tpu.memory_space<semaphore_mem>>
          %dma_start3A_1720 = tpu.memref_squeeze %dma_start3A_1719 : memref<1x!tpu.dma_semaphore, #tpu.memory_space<semaphore_mem>> -> memref<!tpu.dma_semaphore, #tpu.memory_space<semaphore_mem>>
          %dma_start3A_1721 = arith.constant 0 : i32
          %dma_start3A_1722 = arith.constant 0 : i32
          %dma_start3A_1723 = tpu.memref_slice %arg9[%rem3A_1296, %dma_start3A_1712, %dma_start3A_1721, %dma_start3A_1722] : memref<3x4x32x128xf32, #tpu.memory_space<vmem>> -> memref<1x1x32x128xf32, #tpu.memory_space<vmem>>
          %dma_start3A_1724 = tpu.memref_squeeze %dma_start3A_1723 : memref<1x1x32x128xf32, #tpu.memory_space<vmem>> -> memref<32x128xf32, #tpu.memory_space<vmem>>
          %dma_start3A_1725 = arith.constant 0 : i32
          %dma_start3A_1726 = tpu.memref_slice %arg4[%dma_start3A_1725, %multiple_of3A_1679] : memref<32x1000000xf32, #tpu.memory_space<hbm>> -> memref<32x128xf32, #tpu.memory_space<hbm>>
          tpu.enqueue_dma source(%dma_start3A_1726 : memref<32x128xf32, #tpu.memory_space<hbm>>) target(%dma_start3A_1724 : memref<32x128xf32, #tpu.memory_space<vmem>>) target_semaphore(%dma_start3A_1720 : memref<!tpu.dma_semaphore, #tpu.memory_space<semaphore_mem>>)
        } else {
        }
        %dma_start3A_1697 = arith.constant 3 : i32
        %dma_start3A_1698 = arith.constant 0 : i32
        %dma_start3A_1699 = arith.constant 0 : i32
        %dma_start3A_1700 = tpu.memref_slice %arg10[%rem3A_1296, %dma_start3A_1697, %dma_start3A_1698, %dma_start3A_1699] : memref<3x4x32x128xf32, #tpu.memory_space<vmem>> -> memref<1x1x32x128xf32, #tpu.memory_space<vmem>>
        %dma_start3A_1701 = tpu.memref_squeeze %dma_start3A_1700 : memref<1x1x32x128xf32, #tpu.memory_space<vmem>> -> memref<32x128xf32, #tpu.memory_space<vmem>>
        %dma_start3A_1702 = arith.constant 0 : i32
        %dma_start3A_1703 = tpu.memref_slice %arg5[%dma_start3A_1702, %multiple_of3A_1693] : memref<32x1000000xf32, #tpu.memory_space<hbm>> -> memref<32x128xf32, #tpu.memory_space<hbm>>
        %dma_start3A_1704 = tpu.memref_slice %arg13[%rem3A_1296] : memref<3x!tpu.dma_semaphore, #tpu.memory_space<semaphore_mem>> -> memref<1x!tpu.dma_semaphore, #tpu.memory_space<semaphore_mem>>
        %dma_start3A_1705 = tpu.memref_squeeze %dma_start3A_1704 : memref<1x!tpu.dma_semaphore, #tpu.memory_space<semaphore_mem>> -> memref<!tpu.dma_semaphore, #tpu.memory_space<semaphore_mem>>
        %dma_start3A_1706 = arith.constant 0 : i32
        %dma_start3A_1707 = arith.constant 0 : i32
        %dma_start3A_1708 = tpu.memref_slice %arg10[%rem3A_1296, %dma_start3A_1697, %dma_start3A_1706, %dma_start3A_1707] : memref<3x4x32x128xf32, #tpu.memory_space<vmem>> -> memref<1x1x32x128xf32, #tpu.memory_space<vmem>>
        %dma_start3A_1709 = tpu.memref_squeeze %dma_start3A_1708 : memref<1x1x32x128xf32, #tpu.memory_space<vmem>> -> memref<32x128xf32, #tpu.memory_space<vmem>>
        %dma_start3A_1710 = arith.constant 0 : i32
        %dma_start3A_1711 = tpu.memref_slice %arg5[%dma_start3A_1710, %multiple_of3A_1693] : memref<32x1000000xf32, #tpu.memory_space<hbm>> -> memref<32x128xf32, #tpu.memory_space<hbm>>
        tpu.enqueue_dma source(%dma_start3A_1711 : memref<32x128xf32, #tpu.memory_space<hbm>>) target(%dma_start3A_1709 : memref<32x128xf32, #tpu.memory_space<vmem>>) target_semaphore(%dma_start3A_1705 : memref<!tpu.dma_semaphore, #tpu.memory_space<semaphore_mem>>)
      } else {
      }
      %jit3A_449 = arith.constant 4 : i32
      %div3A = arith.divsi %scan3A_440, %jit3A_449 : i32
      %sign3A = arith.constant 0 : i32
      %sign3A_450 = arith.cmpi sgt, %scan3A_440, %sign3A : i32
      %sign3A_451 = arith.extui %sign3A_450 : i1 to i32
      %sign3A_452 = arith.constant 0 : i32
      %sign3A_453 = arith.cmpi slt, %scan3A_440, %sign3A_452 : i32
      %sign3A_454 = arith.extui %sign3A_453 : i1 to i32
      %sign3A_455 = arith.subi %sign3A_451, %sign3A_454 : i32
      %sign3A_456 = arith.constant 0 : i32
      %sign3A_457 = arith.cmpi sgt, %jit3A_449, %sign3A_456 : i32
      %sign3A_458 = arith.extui %sign3A_457 : i1 to i32
      %sign3A_459 = arith.constant 0 : i32
      %sign3A_460 = arith.cmpi slt, %jit3A_449, %sign3A_459 : i32
      %sign3A_461 = arith.extui %sign3A_460 : i1 to i32
      %sign3A_462 = arith.subi %sign3A_458, %sign3A_461 : i32
      %ne3A_463 = arith.cmpi ne, %sign3A_455, %sign3A_462 : i32
      %rem3A_464 = arith.remsi %scan3A_440, %jit3A_449 : i32
      %ne3A_465 = arith.constant 0 : i32
      %ne3A_466 = arith.cmpi ne, %rem3A_464, %ne3A_465 : i32
      %and3A = arith.andi %ne3A_463, %ne3A_466 : i1
      %sub3A = arith.constant 1 : i32
      %sub3A_467 = arith.subi %div3A, %sub3A : i32
      %select_n3A_468 = arith.select %and3A, %sub3A_467, %div3A : i32
      %mul3A_469 = arith.constant 16 : i32
      %mul3A_470 = arith.muli %select_n3A_468, %mul3A_469 : i32
      %get3A_471 = arith.index_cast %mul3A_470 : i32 to index
      %get3A_472 = tpu.vector_load %arg7[%get3A_471] {strides = array<i32>} : memref<512xi32, #tpu.memory_space<vmem>>, vector<16xi32>,
      %jit3A_473 = arith.constant 4 : i32
      %eq3A_474 = arith.constant 0 : i32
      %eq3A_475 = arith.cmpi eq, %jit3A_473, %eq3A_474 : i32
      %jit3A_476 = arith.constant 1 : i32
      %select_n3A_477 = arith.select %eq3A_475, %jit3A_476, %jit3A_473 : i32
      %rem3A_478 = arith.remsi %scan3A_440, %select_n3A_477 : i32
      %ne3A_479 = arith.constant 0 : i32
      %ne3A_480 = arith.cmpi ne, %rem3A_478, %ne3A_479 : i32
      %lt3A_481 = arith.constant 0 : i32
      %lt3A_482 = arith.cmpi slt, %rem3A_478, %lt3A_481 : i32
      %lt3A_483 = arith.constant 0 : i32
      %lt3A_484 = arith.cmpi slt, %select_n3A_477, %lt3A_483 : i32
      %ne3A_485 = arith.xori %lt3A_482, %lt3A_484 : i1
      %and3A_486 = arith.andi %ne3A_485, %ne3A_480 : i1
      %add3A_487 = arith.addi %rem3A_478, %select_n3A_477 : i32
      %select_n3A_488 = arith.select %and3A_486, %add3A_487, %rem3A_478 : i32
      %mul3A_489 = arith.constant 4 : i32
      %mul3A_490 = arith.muli %select_n3A_488, %mul3A_489 : i32
      %add3A_491 = arith.constant 0 : i32
      %add3A_492 = arith.addi %mul3A_490, %add3A_491 : i32
      %eq3A_493 = vector.broadcast %add3A_492 : i32 to vector<16xi32>
      %eq3A_494 = arith.cmpi eq, %iota3A, %eq3A_493 : vector<16xi32>
      %jit3A_495 = arith.constant 0 : i32
      %broadcast_in_dim3A_496 = vector.broadcast %jit3A_495 : i32 to vector<16xi32>
      %select_n3A_497 = arith.select %eq3A_494, %get3A_472, %broadcast_in_dim3A_496 : vector<16xi1>, vector<16xi32>
      %reduce_sum3A_498 = arith.constant true
      %reduce_sum3A_499 = vector.broadcast %reduce_sum3A_498 : i1 to vector<16xi1>
      %reduce_sum3A_500 = tpu.scan <sum>, %select_n3A_497 masked %reduce_sum3A_499 : vector<16xi32>, vector<16xi1> -> vector<16xi32>
      %reduce_sum3A_501 = vector.extract %reduce_sum3A_500[15] : i32 from vector<16xi32>
      %shift_right_logical3A_502 = arith.constant 7 : i32
      %shift_right_logical3A_503 = arith.shrui %reduce_sum3A_501, %shift_right_logical3A_502 : i32
      %jit3A_504 = arith.constant 4 : i32
      %eq3A_505 = arith.constant 0 : i32
      %eq3A_506 = arith.cmpi eq, %jit3A_504, %eq3A_505 : i32
      %jit3A_507 = arith.constant 1 : i32
      %select_n3A_508 = arith.select %eq3A_506, %jit3A_507, %jit3A_504 : i32
      %rem3A_509 = arith.remsi %scan3A_440, %select_n3A_508 : i32
      %ne3A_510 = arith.constant 0 : i32
      %ne3A_511 = arith.cmpi ne, %rem3A_509, %ne3A_510 : i32
      %lt3A_512 = arith.constant 0 : i32
      %lt3A_513 = arith.cmpi slt, %rem3A_509, %lt3A_512 : i32
      %lt3A_514 = arith.constant 0 : i32
      %lt3A_515 = arith.cmpi slt, %select_n3A_508, %lt3A_514 : i32
      %ne3A_516 = arith.xori %lt3A_513, %lt3A_515 : i1
      %and3A_517 = arith.andi %ne3A_516, %ne3A_511 : i1
      %add3A_518 = arith.addi %rem3A_509, %select_n3A_508 : i32
      %select_n3A_519 = arith.select %and3A_517, %add3A_518, %rem3A_509 : i32
      %mul3A_520 = arith.constant 4 : i32
      %mul3A_521 = arith.muli %select_n3A_519, %mul3A_520 : i32
      %add3A_522 = arith.constant 1 : i32
      %add3A_523 = arith.addi %mul3A_521, %add3A_522 : i32
      %eq3A_524 = vector.broadcast %add3A_523 : i32 to vector<16xi32>
      %eq3A_525 = arith.cmpi eq, %iota3A, %eq3A_524 : vector<16xi32>
      %jit3A_526 = arith.constant 0 : i32
      %broadcast_in_dim3A_527 = vector.broadcast %jit3A_526 : i32 to vector<16xi32>
      %select_n3A_528 = arith.select %eq3A_525, %get3A_472, %broadcast_in_dim3A_527 : vector<16xi1>, vector<16xi32>
      %reduce_sum3A_529 = arith.constant true
      %reduce_sum3A_530 = vector.broadcast %reduce_sum3A_529 : i1 to vector<16xi1>
      %reduce_sum3A_531 = tpu.scan <sum>, %select_n3A_528 masked %reduce_sum3A_530 : vector<16xi32>, vector<16xi1> -> vector<16xi32>
      %reduce_sum3A_532 = vector.extract %reduce_sum3A_531[15] : i32 from vector<16xi32>
      %shift_right_logical3A_533 = arith.constant 7 : i32
      %shift_right_logical3A_534 = arith.shrui %reduce_sum3A_532, %shift_right_logical3A_533 : i32
      %jit3A_535 = arith.constant 4 : i32
      %eq3A_536 = arith.constant 0 : i32
      %eq3A_537 = arith.cmpi eq, %jit3A_535, %eq3A_536 : i32
      %jit3A_538 = arith.constant 1 : i32
      %select_n3A_539 = arith.select %eq3A_537, %jit3A_538, %jit3A_535 : i32
      %rem3A_540 = arith.remsi %scan3A_440, %select_n3A_539 : i32
      %ne3A_541 = arith.constant 0 : i32
      %ne3A_542 = arith.cmpi ne, %rem3A_540, %ne3A_541 : i32
      %lt3A_543 = arith.constant 0 : i32
      %lt3A_544 = arith.cmpi slt, %rem3A_540, %lt3A_543 : i32
      %lt3A_545 = arith.constant 0 : i32
      %lt3A_546 = arith.cmpi slt, %select_n3A_539, %lt3A_545 : i32
      %ne3A_547 = arith.xori %lt3A_544, %lt3A_546 : i1
      %and3A_548 = arith.andi %ne3A_547, %ne3A_542 : i1
      %add3A_549 = arith.addi %rem3A_540, %select_n3A_539 : i32
      %select_n3A_550 = arith.select %and3A_548, %add3A_549, %rem3A_540 : i32
      %mul3A_551 = arith.constant 4 : i32
      %mul3A_552 = arith.muli %select_n3A_550, %mul3A_551 : i32
      %add3A_553 = arith.constant 2 : i32
      %add3A_554 = arith.addi %mul3A_552, %add3A_553 : i32
      %eq3A_555 = vector.broadcast %add3A_554 : i32 to vector<16xi32>
      %eq3A_556 = arith.cmpi eq, %iota3A, %eq3A_555 : vector<16xi32>
      %jit3A_557 = arith.constant 0 : i32
      %broadcast_in_dim3A_558 = vector.broadcast %jit3A_557 : i32 to vector<16xi32>
      %select_n3A_559 = arith.select %eq3A_556, %get3A_472, %broadcast_in_dim3A_558 : vector<16xi1>, vector<16xi32>
      %reduce_sum3A_560 = arith.constant true
      %reduce_sum3A_561 = vector.broadcast %reduce_sum3A_560 : i1 to vector<16xi1>
      %reduce_sum3A_562 = tpu.scan <sum>, %select_n3A_559 masked %reduce_sum3A_561 : vector<16xi32>, vector<16xi1> -> vector<16xi32>
      %reduce_sum3A_563 = vector.extract %reduce_sum3A_562[15] : i32 from vector<16xi32>
      %shift_right_logical3A_564 = arith.constant 7 : i32
      %shift_right_logical3A_565 = arith.shrui %reduce_sum3A_563, %shift_right_logical3A_564 : i32
      %jit3A_566 = arith.constant 4 : i32
      %eq3A_567 = arith.constant 0 : i32
      %eq3A_568 = arith.cmpi eq, %jit3A_566, %eq3A_567 : i32
      %jit3A_569 = arith.constant 1 : i32
      %select_n3A_570 = arith.select %eq3A_568, %jit3A_569, %jit3A_566 : i32
      %rem3A_571 = arith.remsi %scan3A_440, %select_n3A_570 : i32
      %ne3A_572 = arith.constant 0 : i32
      %ne3A_573 = arith.cmpi ne, %rem3A_571, %ne3A_572 : i32
      %lt3A_574 = arith.constant 0 : i32
      %lt3A_575 = arith.cmpi slt, %rem3A_571, %lt3A_574 : i32
      %lt3A_576 = arith.constant 0 : i32
      %lt3A_577 = arith.cmpi slt, %select_n3A_570, %lt3A_576 : i32
      %ne3A_578 = arith.xori %lt3A_575, %lt3A_577 : i1
      %and3A_579 = arith.andi %ne3A_578, %ne3A_573 : i1
      %add3A_580 = arith.addi %rem3A_571, %select_n3A_570 : i32
      %select_n3A_581 = arith.select %and3A_579, %add3A_580, %rem3A_571 : i32
      %mul3A_582 = arith.constant 4 : i32
      %mul3A_583 = arith.muli %select_n3A_581, %mul3A_582 : i32
      %add3A_584 = arith.constant 3 : i32
      %add3A_585 = arith.addi %mul3A_583, %add3A_584 : i32
      %eq3A_586 = vector.broadcast %add3A_585 : i32 to vector<16xi32>
      %eq3A_587 = arith.cmpi eq, %iota3A, %eq3A_586 : vector<16xi32>
      %jit3A_588 = arith.constant 0 : i32
      %broadcast_in_dim3A_589 = vector.broadcast %jit3A_588 : i32 to vector<16xi32>
      %select_n3A_590 = arith.select %eq3A_587, %get3A_472, %broadcast_in_dim3A_589 : vector<16xi1>, vector<16xi32>
      %reduce_sum3A_591 = arith.constant true
      %reduce_sum3A_592 = vector.broadcast %reduce_sum3A_591 : i1 to vector<16xi1>
      %reduce_sum3A_593 = tpu.scan <sum>, %select_n3A_590 masked %reduce_sum3A_592 : vector<16xi32>, vector<16xi1> -> vector<16xi32>
      %reduce_sum3A_594 = vector.extract %reduce_sum3A_593[15] : i32 from vector<16xi32>
      %shift_right_logical3A_595 = arith.constant 7 : i32
      %shift_right_logical3A_596 = arith.shrui %reduce_sum3A_594, %shift_right_logical3A_595 : i32
      %ne3A_597 = arith.cmpi ne, %shift_right_logical3A_534, %shift_right_logical3A_503 : i32
      %ne3A_598 = arith.cmpi ne, %shift_right_logical3A_565, %shift_right_logical3A_534 : i32
      %ne3A_599 = arith.cmpi ne, %shift_right_logical3A_596, %shift_right_logical3A_565 : i32
      %dma_wait3A = arith.constant 0 : i32
      %dma_wait3A_600 = arith.constant 0 : i32
      %dma_wait3A_601 = arith.constant 0 : i32
      %dma_wait3A_602 = tpu.memref_slice %arg9[%rem3A_442, %dma_wait3A, %dma_wait3A_600, %dma_wait3A_601] : memref<3x4x32x128xf32, #tpu.memory_space<vmem>> -> memref<1x1x32x128xf32, #tpu.memory_space<vmem>>
      %dma_wait3A_603 = tpu.memref_squeeze %dma_wait3A_602 : memref<1x1x32x128xf32, #tpu.memory_space<vmem>> -> memref<32x128xf32, #tpu.memory_space<vmem>>
      %dma_wait3A_604 = arith.constant 0 : i32
      %dma_wait3A_605 = arith.constant 0 : i32
      %dma_wait3A_606 = tpu.memref_slice %arg4[%dma_wait3A_604, %dma_wait3A_605] : memref<32x1000000xf32, #tpu.memory_space<hbm>> -> memref<32x128xf32, #tpu.memory_space<hbm>>
      %dma_wait3A_607 = tpu.memref_slice %arg12[%rem3A_442] : memref<3x!tpu.dma_semaphore, #tpu.memory_space<semaphore_mem>> -> memref<1x!tpu.dma_semaphore, #tpu.memory_space<semaphore_mem>>
      %dma_wait3A_608 = tpu.memref_squeeze %dma_wait3A_607 : memref<1x!tpu.dma_semaphore, #tpu.memory_space<semaphore_mem>> -> memref<!tpu.dma_semaphore, #tpu.memory_space<semaphore_mem>>
      %dma_wait3A_609 = arith.constant 0 : i32
      %dma_wait3A_610 = arith.constant 0 : i32
      %dma_wait3A_611 = tpu.memref_slice %arg9[%rem3A_442, %dma_wait3A, %dma_wait3A_609, %dma_wait3A_610] : memref<3x4x32x128xf32, #tpu.memory_space<vmem>> -> memref<1x1x32x128xf32, #tpu.memory_space<vmem>>
      %dma_wait3A_612 = tpu.memref_squeeze %dma_wait3A_611 : memref<1x1x32x128xf32, #tpu.memory_space<vmem>> -> memref<32x128xf32, #tpu.memory_space<vmem>>
      %dma_wait3A_613 = arith.constant 0 : i32
      %dma_wait3A_614 = arith.constant 0 : i32
      %dma_wait3A_615 = tpu.memref_slice %arg4[%dma_wait3A_613, %dma_wait3A_614] : memref<32x1000000xf32, #tpu.memory_space<hbm>> -> memref<32x128xf32, #tpu.memory_space<hbm>>
      tpu.wait_dma2 semaphore(%dma_wait3A_608 : memref<!tpu.dma_semaphore, #tpu.memory_space<semaphore_mem>>) src(%dma_wait3A_615 : memref<32x128xf32, #tpu.memory_space<hbm>>) dst(%dma_wait3A_612 : memref<32x128xf32, #tpu.memory_space<vmem>>)
      %convert_element_type3A_616 = arith.extui %ne3A_597 : i1 to i32
      %cond3A_617 = arith.constant 0 : i32
      %cond3A_618 = arith.cmpi ne, %convert_element_type3A_616, %cond3A_617 : i32
      scf.if %cond3A_618 {
        %dma_wait3A_1291 = arith.constant 0 : i32
        %dma_wait3A_1292 = arith.constant 0 : i32
        %dma_wait3A_1293 = arith.constant 0 : i32
        %dma_wait3A_1294 = tpu.memref_slice %arg9[%rem3A_442, %dma_wait3A_1291, %dma_wait3A_1292, %dma_wait3A_1293] : memref<3x4x32x128xf32, #tpu.memory_space<vmem>> -> memref<1x1x32x128xf32, #tpu.memory_space<vmem>>
        %dma_wait3A_1295 = tpu.memref_squeeze %dma_wait3A_1294 : memref<1x1x32x128xf32, #tpu.memory_space<vmem>> -> memref<32x128xf32, #tpu.memory_space<vmem>>
        %dma_wait3A_1296 = arith.constant 0 : i32
        %dma_wait3A_1297 = arith.constant 0 : i32
        %dma_wait3A_1298 = tpu.memref_slice %arg4[%dma_wait3A_1296, %dma_wait3A_1297] : memref<32x1000000xf32, #tpu.memory_space<hbm>> -> memref<32x128xf32, #tpu.memory_space<hbm>>
        %dma_wait3A_1299 = tpu.memref_slice %arg12[%rem3A_442] : memref<3x!tpu.dma_semaphore, #tpu.memory_space<semaphore_mem>> -> memref<1x!tpu.dma_semaphore, #tpu.memory_space<semaphore_mem>>
        %dma_wait3A_1300 = tpu.memref_squeeze %dma_wait3A_1299 : memref<1x!tpu.dma_semaphore, #tpu.memory_space<semaphore_mem>> -> memref<!tpu.dma_semaphore, #tpu.memory_space<semaphore_mem>>
        %dma_wait3A_1301 = arith.constant 0 : i32
        %dma_wait3A_1302 = arith.constant 0 : i32
        %dma_wait3A_1303 = tpu.memref_slice %arg9[%rem3A_442, %dma_wait3A_1291, %dma_wait3A_1301, %dma_wait3A_1302] : memref<3x4x32x128xf32, #tpu.memory_space<vmem>> -> memref<1x1x32x128xf32, #tpu.memory_space<vmem>>
        %dma_wait3A_1304 = tpu.memref_squeeze %dma_wait3A_1303 : memref<1x1x32x128xf32, #tpu.memory_space<vmem>> -> memref<32x128xf32, #tpu.memory_space<vmem>>
        %dma_wait3A_1305 = arith.constant 0 : i32
        %dma_wait3A_1306 = arith.constant 0 : i32
        %dma_wait3A_1307 = tpu.memref_slice %arg4[%dma_wait3A_1305, %dma_wait3A_1306] : memref<32x1000000xf32, #tpu.memory_space<hbm>> -> memref<32x128xf32, #tpu.memory_space<hbm>>
        tpu.wait_dma2 semaphore(%dma_wait3A_1300 : memref<!tpu.dma_semaphore, #tpu.memory_space<semaphore_mem>>) src(%dma_wait3A_1307 : memref<32x128xf32, #tpu.memory_space<hbm>>) dst(%dma_wait3A_1304 : memref<32x128xf32, #tpu.memory_space<vmem>>)
      } else {
      }
      %convert_element_type3A_619 = arith.extui %ne3A_598 : i1 to i32
      %cond3A_620 = arith.constant 0 : i32
      %cond3A_621 = arith.cmpi ne, %convert_element_type3A_619, %cond3A_620 : i32
      scf.if %cond3A_621 {
        %dma_wait3A_1291 = arith.constant 0 : i32
        %dma_wait3A_1292 = arith.constant 0 : i32
        %dma_wait3A_1293 = arith.constant 0 : i32
        %dma_wait3A_1294 = tpu.memref_slice %arg9[%rem3A_442, %dma_wait3A_1291, %dma_wait3A_1292, %dma_wait3A_1293] : memref<3x4x32x128xf32, #tpu.memory_space<vmem>> -> memref<1x1x32x128xf32, #tpu.memory_space<vmem>>
        %dma_wait3A_1295 = tpu.memref_squeeze %dma_wait3A_1294 : memref<1x1x32x128xf32, #tpu.memory_space<vmem>> -> memref<32x128xf32, #tpu.memory_space<vmem>>
        %dma_wait3A_1296 = arith.constant 0 : i32
        %dma_wait3A_1297 = arith.constant 0 : i32
        %dma_wait3A_1298 = tpu.memref_slice %arg4[%dma_wait3A_1296, %dma_wait3A_1297] : memref<32x1000000xf32, #tpu.memory_space<hbm>> -> memref<32x128xf32, #tpu.memory_space<hbm>>
        %dma_wait3A_1299 = tpu.memref_slice %arg12[%rem3A_442] : memref<3x!tpu.dma_semaphore, #tpu.memory_space<semaphore_mem>> -> memref<1x!tpu.dma_semaphore, #tpu.memory_space<semaphore_mem>>
        %dma_wait3A_1300 = tpu.memref_squeeze %dma_wait3A_1299 : memref<1x!tpu.dma_semaphore, #tpu.memory_space<semaphore_mem>> -> memref<!tpu.dma_semaphore, #tpu.memory_space<semaphore_mem>>
        %dma_wait3A_1301 = arith.constant 0 : i32
        %dma_wait3A_1302 = arith.constant 0 : i32
        %dma_wait3A_1303 = tpu.memref_slice %arg9[%rem3A_442, %dma_wait3A_1291, %dma_wait3A_1301, %dma_wait3A_1302] : memref<3x4x32x128xf32, #tpu.memory_space<vmem>> -> memref<1x1x32x128xf32, #tpu.memory_space<vmem>>
        %dma_wait3A_1304 = tpu.memref_squeeze %dma_wait3A_1303 : memref<1x1x32x128xf32, #tpu.memory_space<vmem>> -> memref<32x128xf32, #tpu.memory_space<vmem>>
        %dma_wait3A_1305 = arith.constant 0 : i32
        %dma_wait3A_1306 = arith.constant 0 : i32
        %dma_wait3A_1307 = tpu.memref_slice %arg4[%dma_wait3A_1305, %dma_wait3A_1306] : memref<32x1000000xf32, #tpu.memory_space<hbm>> -> memref<32x128xf32, #tpu.memory_space<hbm>>
        tpu.wait_dma2 semaphore(%dma_wait3A_1300 : memref<!tpu.dma_semaphore, #tpu.memory_space<semaphore_mem>>) src(%dma_wait3A_1307 : memref<32x128xf32, #tpu.memory_space<hbm>>) dst(%dma_wait3A_1304 : memref<32x128xf32, #tpu.memory_space<vmem>>)
      } else {
      }
      %convert_element_type3A_622 = arith.extui %ne3A_599 : i1 to i32
      %cond3A_623 = arith.constant 0 : i32
      %cond3A_624 = arith.cmpi ne, %convert_element_type3A_622, %cond3A_623 : i32
      scf.if %cond3A_624 {
        %dma_wait3A_1291 = arith.constant 0 : i32
        %dma_wait3A_1292 = arith.constant 0 : i32
        %dma_wait3A_1293 = arith.constant 0 : i32
        %dma_wait3A_1294 = tpu.memref_slice %arg9[%rem3A_442, %dma_wait3A_1291, %dma_wait3A_1292, %dma_wait3A_1293] : memref<3x4x32x128xf32, #tpu.memory_space<vmem>> -> memref<1x1x32x128xf32, #tpu.memory_space<vmem>>
        %dma_wait3A_1295 = tpu.memref_squeeze %dma_wait3A_1294 : memref<1x1x32x128xf32, #tpu.memory_space<vmem>> -> memref<32x128xf32, #tpu.memory_space<vmem>>
        %dma_wait3A_1296 = arith.constant 0 : i32
        %dma_wait3A_1297 = arith.constant 0 : i32
        %dma_wait3A_1298 = tpu.memref_slice %arg4[%dma_wait3A_1296, %dma_wait3A_1297] : memref<32x1000000xf32, #tpu.memory_space<hbm>> -> memref<32x128xf32, #tpu.memory_space<hbm>>
        %dma_wait3A_1299 = tpu.memref_slice %arg12[%rem3A_442] : memref<3x!tpu.dma_semaphore, #tpu.memory_space<semaphore_mem>> -> memref<1x!tpu.dma_semaphore, #tpu.memory_space<semaphore_mem>>
        %dma_wait3A_1300 = tpu.memref_squeeze %dma_wait3A_1299 : memref<1x!tpu.dma_semaphore, #tpu.memory_space<semaphore_mem>> -> memref<!tpu.dma_semaphore, #tpu.memory_space<semaphore_mem>>
        %dma_wait3A_1301 = arith.constant 0 : i32
        %dma_wait3A_1302 = arith.constant 0 : i32
        %dma_wait3A_1303 = tpu.memref_slice %arg9[%rem3A_442, %dma_wait3A_1291, %dma_wait3A_1301, %dma_wait3A_1302] : memref<3x4x32x128xf32, #tpu.memory_space<vmem>> -> memref<1x1x32x128xf32, #tpu.memory_space<vmem>>
        %dma_wait3A_1304 = tpu.memref_squeeze %dma_wait3A_1303 : memref<1x1x32x128xf32, #tpu.memory_space<vmem>> -> memref<32x128xf32, #tpu.memory_space<vmem>>
        %dma_wait3A_1305 = arith.constant 0 : i32
        %dma_wait3A_1306 = arith.constant 0 : i32
        %dma_wait3A_1307 = tpu.memref_slice %arg4[%dma_wait3A_1305, %dma_wait3A_1306] : memref<32x1000000xf32, #tpu.memory_space<hbm>> -> memref<32x128xf32, #tpu.memory_space<hbm>>
        tpu.wait_dma2 semaphore(%dma_wait3A_1300 : memref<!tpu.dma_semaphore, #tpu.memory_space<semaphore_mem>>) src(%dma_wait3A_1307 : memref<32x128xf32, #tpu.memory_space<hbm>>) dst(%dma_wait3A_1304 : memref<32x128xf32, #tpu.memory_space<vmem>>)
      } else {
      }
      %dma_wait3A_625 = arith.constant 0 : i32
      %dma_wait3A_626 = arith.constant 0 : i32
      %dma_wait3A_627 = arith.constant 0 : i32
      %dma_wait3A_628 = tpu.memref_slice %arg10[%rem3A_442, %dma_wait3A_625, %dma_wait3A_626, %dma_wait3A_627] : memref<3x4x32x128xf32, #tpu.memory_space<vmem>> -> memref<1x4x32x128xf32, #tpu.memory_space<vmem>>
      %dma_wait3A_629 = tpu.memref_squeeze %dma_wait3A_628 : memref<1x4x32x128xf32, #tpu.memory_space<vmem>> -> memref<4x32x128xf32, #tpu.memory_space<vmem>>
      %dma_wait3A_630 = tpu.memref_reshape %dma_wait3A_629 : memref<4x32x128xf32, #tpu.memory_space<vmem>> -> memref<128x128xf32, #tpu.memory_space<vmem>>
      %dma_wait3A_631 = arith.constant 0 : i32
      %dma_wait3A_632 = arith.constant 0 : i32
      %dma_wait3A_633 = tpu.memref_slice %arg5[%dma_wait3A_631, %dma_wait3A_632] : memref<32x1000000xf32, #tpu.memory_space<hbm>> -> memref<32x512xf32, #tpu.memory_space<hbm>>
      %dma_wait3A_634 = tpu.memref_slice %arg13[%rem3A_442] : memref<3x!tpu.dma_semaphore, #tpu.memory_space<semaphore_mem>> -> memref<1x!tpu.dma_semaphore, #tpu.memory_space<semaphore_mem>>
      %dma_wait3A_635 = tpu.memref_squeeze %dma_wait3A_634 : memref<1x!tpu.dma_semaphore, #tpu.memory_space<semaphore_mem>> -> memref<!tpu.dma_semaphore, #tpu.memory_space<semaphore_mem>>
      %dma_wait3A_636 = arith.constant 0 : i32
      %dma_wait3A_637 = arith.constant 0 : i32
      %dma_wait3A_638 = arith.constant 0 : i32
      %dma_wait3A_639 = tpu.memref_slice %arg10[%rem3A_442, %dma_wait3A_636, %dma_wait3A_637, %dma_wait3A_638] : memref<3x4x32x128xf32, #tpu.memory_space<vmem>> -> memref<1x4x32x128xf32, #tpu.memory_space<vmem>>
      %dma_wait3A_640 = tpu.memref_squeeze %dma_wait3A_639 : memref<1x4x32x128xf32, #tpu.memory_space<vmem>> -> memref<4x32x128xf32, #tpu.memory_space<vmem>>
      %dma_wait3A_641 = tpu.memref_reshape %dma_wait3A_640 : memref<4x32x128xf32, #tpu.memory_space<vmem>> -> memref<128x128xf32, #tpu.memory_space<vmem>>
      %dma_wait3A_642 = arith.constant 0 : i32
      %dma_wait3A_643 = arith.constant 0 : i32
      %dma_wait3A_644 = tpu.memref_slice %arg5[%dma_wait3A_642, %dma_wait3A_643] : memref<32x1000000xf32, #tpu.memory_space<hbm>> -> memref<32x512xf32, #tpu.memory_space<hbm>>
      tpu.wait_dma2 semaphore(%dma_wait3A_635 : memref<!tpu.dma_semaphore, #tpu.memory_space<semaphore_mem>>) src(%dma_wait3A_644 : memref<32x512xf32, #tpu.memory_space<hbm>>) dst(%dma_wait3A_641 : memref<128x128xf32, #tpu.memory_space<vmem>>)
      %jit3A_645 = arith.constant 4 : i32
      %div3A_646 = arith.divsi %scan3A_440, %jit3A_645 : i32
      %sign3A_647 = arith.constant 0 : i32
      %sign3A_648 = arith.cmpi sgt, %scan3A_440, %sign3A_647 : i32
      %sign3A_649 = arith.extui %sign3A_648 : i1 to i32
      %sign3A_650 = arith.constant 0 : i32
      %sign3A_651 = arith.cmpi slt, %scan3A_440, %sign3A_650 : i32
      %sign3A_652 = arith.extui %sign3A_651 : i1 to i32
      %sign3A_653 = arith.subi %sign3A_649, %sign3A_652 : i32
      %sign3A_654 = arith.constant 0 : i32
      %sign3A_655 = arith.cmpi sgt, %jit3A_645, %sign3A_654 : i32
      %sign3A_656 = arith.extui %sign3A_655 : i1 to i32
      %sign3A_657 = arith.constant 0 : i32
      %sign3A_658 = arith.cmpi slt, %jit3A_645, %sign3A_657 : i32
      %sign3A_659 = arith.extui %sign3A_658 : i1 to i32
      %sign3A_660 = arith.subi %sign3A_656, %sign3A_659 : i32
      %ne3A_661 = arith.cmpi ne, %sign3A_653, %sign3A_660 : i32
      %rem3A_662 = arith.remsi %scan3A_440, %jit3A_645 : i32
      %ne3A_663 = arith.constant 0 : i32
      %ne3A_664 = arith.cmpi ne, %rem3A_662, %ne3A_663 : i32
      %and3A_665 = arith.andi %ne3A_661, %ne3A_664 : i1
      %sub3A_666 = arith.constant 1 : i32
      %sub3A_667 = arith.subi %div3A_646, %sub3A_666 : i32
      %select_n3A_668 = arith.select %and3A_665, %sub3A_667, %div3A_646 : i32
      %mul3A_669 = arith.constant 16 : i32
      %mul3A_670 = arith.muli %select_n3A_668, %mul3A_669 : i32
      %get3A_671 = arith.index_cast %mul3A_670 : i32 to index
      %get3A_672 = tpu.vector_load %arg7[%get3A_671] {strides = array<i32>} : memref<512xi32, #tpu.memory_space<vmem>>, vector<16xi32>,
      %jit3A_673 = arith.constant 4 : i32
      %div3A_674 = arith.divsi %scan3A_440, %jit3A_673 : i32
      %sign3A_675 = arith.constant 0 : i32
      %sign3A_676 = arith.cmpi sgt, %scan3A_440, %sign3A_675 : i32
      %sign3A_677 = arith.extui %sign3A_676 : i1 to i32
      %sign3A_678 = arith.constant 0 : i32
      %sign3A_679 = arith.cmpi slt, %scan3A_440, %sign3A_678 : i32
      %sign3A_680 = arith.extui %sign3A_679 : i1 to i32
      %sign3A_681 = arith.subi %sign3A_677, %sign3A_680 : i32
      %sign3A_682 = arith.constant 0 : i32
      %sign3A_683 = arith.cmpi sgt, %jit3A_673, %sign3A_682 : i32
      %sign3A_684 = arith.extui %sign3A_683 : i1 to i32
      %sign3A_685 = arith.constant 0 : i32
      %sign3A_686 = arith.cmpi slt, %jit3A_673, %sign3A_685 : i32
      %sign3A_687 = arith.extui %sign3A_686 : i1 to i32
      %sign3A_688 = arith.subi %sign3A_684, %sign3A_687 : i32
      %ne3A_689 = arith.cmpi ne, %sign3A_681, %sign3A_688 : i32
      %rem3A_690 = arith.remsi %scan3A_440, %jit3A_673 : i32
      %ne3A_691 = arith.constant 0 : i32
      %ne3A_692 = arith.cmpi ne, %rem3A_690, %ne3A_691 : i32
      %and3A_693 = arith.andi %ne3A_689, %ne3A_692 : i1
      %sub3A_694 = arith.constant 1 : i32
      %sub3A_695 = arith.subi %div3A_674, %sub3A_694 : i32
      %select_n3A_696 = arith.select %and3A_693, %sub3A_695, %div3A_674 : i32
      %mul3A_697 = arith.constant 16 : i32
      %mul3A_698 = arith.muli %select_n3A_696, %mul3A_697 : i32
      %get3A_699 = arith.index_cast %mul3A_698 : i32 to index
      %get3A_700 = tpu.vector_load %arg8[%get3A_699] {strides = array<i32>} : memref<512xi32, #tpu.memory_space<vmem>>, vector<16xi32>,
      %jit3A_701 = arith.constant 4 : i32
      %div3A_702 = arith.divsi %scan3A_440, %jit3A_701 : i32
      %sign3A_703 = arith.constant 0 : i32
      %sign3A_704 = arith.cmpi sgt, %scan3A_440, %sign3A_703 : i32
      %sign3A_705 = arith.extui %sign3A_704 : i1 to i32
      %sign3A_706 = arith.constant 0 : i32
      %sign3A_707 = arith.cmpi slt, %scan3A_440, %sign3A_706 : i32
      %sign3A_708 = arith.extui %sign3A_707 : i1 to i32
      %sign3A_709 = arith.subi %sign3A_705, %sign3A_708 : i32
      %sign3A_710 = arith.constant 0 : i32
      %sign3A_711 = arith.cmpi sgt, %jit3A_701, %sign3A_710 : i32
      %sign3A_712 = arith.extui %sign3A_711 : i1 to i32
      %sign3A_713 = arith.constant 0 : i32
      %sign3A_714 = arith.cmpi slt, %jit3A_701, %sign3A_713 : i32
      %sign3A_715 = arith.extui %sign3A_714 : i1 to i32
      %sign3A_716 = arith.subi %sign3A_712, %sign3A_715 : i32
      %ne3A_717 = arith.cmpi ne, %sign3A_709, %sign3A_716 : i32
      %rem3A_718 = arith.remsi %scan3A_440, %jit3A_701 : i32
      %ne3A_719 = arith.constant 0 : i32
      %ne3A_720 = arith.cmpi ne, %rem3A_718, %ne3A_719 : i32
      %and3A_721 = arith.andi %ne3A_717, %ne3A_720 : i1
      %sub3A_722 = arith.constant 1 : i32
      %sub3A_723 = arith.subi %div3A_702, %sub3A_722 : i32
      %select_n3A_724 = arith.select %and3A_721, %sub3A_723, %div3A_702 : i32
      %mul3A_725 = arith.constant 16 : i32
      %mul3A_726 = arith.muli %select_n3A_724, %mul3A_725 : i32
      %get3A_727 = arith.index_cast %mul3A_726 : i32 to index
      %get3A_728 = tpu.vector_load %arg7[%get3A_727] {strides = array<i32>} : memref<512xi32, #tpu.memory_space<vmem>>, vector<16xi32>,
      %jit3A_729 = arith.constant 4 : i32
      %eq3A_730 = arith.constant 0 : i32
      %eq3A_731 = arith.cmpi eq, %jit3A_729, %eq3A_730 : i32
      %jit3A_732 = arith.constant 1 : i32
      %select_n3A_733 = arith.select %eq3A_731, %jit3A_732, %jit3A_729 : i32
      %rem3A_734 = arith.remsi %scan3A_440, %select_n3A_733 : i32
      %ne3A_735 = arith.constant 0 : i32
      %ne3A_736 = arith.cmpi ne, %rem3A_734, %ne3A_735 : i32
      %lt3A_737 = arith.constant 0 : i32
      %lt3A_738 = arith.cmpi slt, %rem3A_734, %lt3A_737 : i32
      %lt3A_739 = arith.constant 0 : i32
      %lt3A_740 = arith.cmpi slt, %select_n3A_733, %lt3A_739 : i32
      %ne3A_741 = arith.xori %lt3A_738, %lt3A_740 : i1
      %and3A_742 = arith.andi %ne3A_741, %ne3A_736 : i1
      %add3A_743 = arith.addi %rem3A_734, %select_n3A_733 : i32
      %select_n3A_744 = arith.select %and3A_742, %add3A_743, %rem3A_734 : i32
      %mul3A_745 = arith.constant 4 : i32
      %mul3A_746 = arith.muli %select_n3A_744, %mul3A_745 : i32
      %add3A_747 = arith.constant 0 : i32
      %add3A_748 = arith.addi %mul3A_746, %add3A_747 : i32
      %eq3A_749 = vector.broadcast %add3A_748 : i32 to vector<16xi32>
      %eq3A_750 = arith.cmpi eq, %iota3A, %eq3A_749 : vector<16xi32>
      %jit3A_751 = arith.constant 0 : i32
      %broadcast_in_dim3A_752 = vector.broadcast %jit3A_751 : i32 to vector<16xi32>
      %select_n3A_753 = arith.select %eq3A_750, %get3A_728, %broadcast_in_dim3A_752 : vector<16xi1>, vector<16xi32>
      %reduce_sum3A_754 = arith.constant true
      %reduce_sum3A_755 = vector.broadcast %reduce_sum3A_754 : i1 to vector<16xi1>
      %reduce_sum3A_756 = tpu.scan <sum>, %select_n3A_753 masked %reduce_sum3A_755 : vector<16xi32>, vector<16xi1> -> vector<16xi32>
      %reduce_sum3A_757 = vector.extract %reduce_sum3A_756[15] : i32 from vector<16xi32>
      %shift_right_logical3A_758 = arith.constant 7 : i32
      %shift_right_logical3A_759 = arith.shrui %reduce_sum3A_757, %shift_right_logical3A_758 : i32
      %jit3A_760 = arith.constant 4 : i32
      %eq3A_761 = arith.constant 0 : i32
      %eq3A_762 = arith.cmpi eq, %jit3A_760, %eq3A_761 : i32
      %jit3A_763 = arith.constant 1 : i32
      %select_n3A_764 = arith.select %eq3A_762, %jit3A_763, %jit3A_760 : i32
      %rem3A_765 = arith.remsi %scan3A_440, %select_n3A_764 : i32
      %ne3A_766 = arith.constant 0 : i32
      %ne3A_767 = arith.cmpi ne, %rem3A_765, %ne3A_766 : i32
      %lt3A_768 = arith.constant 0 : i32
      %lt3A_769 = arith.cmpi slt, %rem3A_765, %lt3A_768 : i32
      %lt3A_770 = arith.constant 0 : i32
      %lt3A_771 = arith.cmpi slt, %select_n3A_764, %lt3A_770 : i32
      %ne3A_772 = arith.xori %lt3A_769, %lt3A_771 : i1
      %and3A_773 = arith.andi %ne3A_772, %ne3A_767 : i1
      %add3A_774 = arith.addi %rem3A_765, %select_n3A_764 : i32
      %select_n3A_775 = arith.select %and3A_773, %add3A_774, %rem3A_765 : i32
      %mul3A_776 = arith.constant 4 : i32
      %mul3A_777 = arith.muli %select_n3A_775, %mul3A_776 : i32
      %add3A_778 = arith.constant 1 : i32
      %add3A_779 = arith.addi %mul3A_777, %add3A_778 : i32
      %eq3A_780 = vector.broadcast %add3A_779 : i32 to vector<16xi32>
      %eq3A_781 = arith.cmpi eq, %iota3A, %eq3A_780 : vector<16xi32>
      %jit3A_782 = arith.constant 0 : i32
      %broadcast_in_dim3A_783 = vector.broadcast %jit3A_782 : i32 to vector<16xi32>
      %select_n3A_784 = arith.select %eq3A_781, %get3A_728, %broadcast_in_dim3A_783 : vector<16xi1>, vector<16xi32>
      %reduce_sum3A_785 = arith.constant true
      %reduce_sum3A_786 = vector.broadcast %reduce_sum3A_785 : i1 to vector<16xi1>
      %reduce_sum3A_787 = tpu.scan <sum>, %select_n3A_784 masked %reduce_sum3A_786 : vector<16xi32>, vector<16xi1> -> vector<16xi32>
      %reduce_sum3A_788 = vector.extract %reduce_sum3A_787[15] : i32 from vector<16xi32>
      %shift_right_logical3A_789 = arith.constant 7 : i32
      %shift_right_logical3A_790 = arith.shrui %reduce_sum3A_788, %shift_right_logical3A_789 : i32
      %jit3A_791 = arith.constant 4 : i32
      %eq3A_792 = arith.constant 0 : i32
      %eq3A_793 = arith.cmpi eq, %jit3A_791, %eq3A_792 : i32
      %jit3A_794 = arith.constant 1 : i32
      %select_n3A_795 = arith.select %eq3A_793, %jit3A_794, %jit3A_791 : i32
      %rem3A_796 = arith.remsi %scan3A_440, %select_n3A_795 : i32
      %ne3A_797 = arith.constant 0 : i32
      %ne3A_798 = arith.cmpi ne, %rem3A_796, %ne3A_797 : i32
      %lt3A_799 = arith.constant 0 : i32
      %lt3A_800 = arith.cmpi slt, %rem3A_796, %lt3A_799 : i32
      %lt3A_801 = arith.constant 0 : i32
      %lt3A_802 = arith.cmpi slt, %select_n3A_795, %lt3A_801 : i32
      %ne3A_803 = arith.xori %lt3A_800, %lt3A_802 : i1
      %and3A_804 = arith.andi %ne3A_803, %ne3A_798 : i1
      %add3A_805 = arith.addi %rem3A_796, %select_n3A_795 : i32
      %select_n3A_806 = arith.select %and3A_804, %add3A_805, %rem3A_796 : i32
      %mul3A_807 = arith.constant 4 : i32
      %mul3A_808 = arith.muli %select_n3A_806, %mul3A_807 : i32
      %add3A_809 = arith.constant 2 : i32
      %add3A_810 = arith.addi %mul3A_808, %add3A_809 : i32
      %eq3A_811 = vector.broadcast %add3A_810 : i32 to vector<16xi32>
      %eq3A_812 = arith.cmpi eq, %iota3A, %eq3A_811 : vector<16xi32>
      %jit3A_813 = arith.constant 0 : i32
      %broadcast_in_dim3A_814 = vector.broadcast %jit3A_813 : i32 to vector<16xi32>
      %select_n3A_815 = arith.select %eq3A_812, %get3A_728, %broadcast_in_dim3A_814 : vector<16xi1>, vector<16xi32>
      %reduce_sum3A_816 = arith.constant true
      %reduce_sum3A_817 = vector.broadcast %reduce_sum3A_816 : i1 to vector<16xi1>
      %reduce_sum3A_818 = tpu.scan <sum>, %select_n3A_815 masked %reduce_sum3A_817 : vector<16xi32>, vector<16xi1> -> vector<16xi32>
      %reduce_sum3A_819 = vector.extract %reduce_sum3A_818[15] : i32 from vector<16xi32>
      %shift_right_logical3A_820 = arith.constant 7 : i32
      %shift_right_logical3A_821 = arith.shrui %reduce_sum3A_819, %shift_right_logical3A_820 : i32
      %jit3A_822 = arith.constant 4 : i32
      %eq3A_823 = arith.constant 0 : i32
      %eq3A_824 = arith.cmpi eq, %jit3A_822, %eq3A_823 : i32
      %jit3A_825 = arith.constant 1 : i32
      %select_n3A_826 = arith.select %eq3A_824, %jit3A_825, %jit3A_822 : i32
      %rem3A_827 = arith.remsi %scan3A_440, %select_n3A_826 : i32
      %ne3A_828 = arith.constant 0 : i32
      %ne3A_829 = arith.cmpi ne, %rem3A_827, %ne3A_828 : i32
      %lt3A_830 = arith.constant 0 : i32
      %lt3A_831 = arith.cmpi slt, %rem3A_827, %lt3A_830 : i32
      %lt3A_832 = arith.constant 0 : i32
      %lt3A_833 = arith.cmpi slt, %select_n3A_826, %lt3A_832 : i32
      %ne3A_834 = arith.xori %lt3A_831, %lt3A_833 : i1
      %and3A_835 = arith.andi %ne3A_834, %ne3A_829 : i1
      %add3A_836 = arith.addi %rem3A_827, %select_n3A_826 : i32
      %select_n3A_837 = arith.select %and3A_835, %add3A_836, %rem3A_827 : i32
      %mul3A_838 = arith.constant 4 : i32
      %mul3A_839 = arith.muli %select_n3A_837, %mul3A_838 : i32
      %add3A_840 = arith.constant 3 : i32
      %add3A_841 = arith.addi %mul3A_839, %add3A_840 : i32
      %eq3A_842 = vector.broadcast %add3A_841 : i32 to vector<16xi32>
      %eq3A_843 = arith.cmpi eq, %iota3A, %eq3A_842 : vector<16xi32>
      %jit3A_844 = arith.constant 0 : i32
      %broadcast_in_dim3A_845 = vector.broadcast %jit3A_844 : i32 to vector<16xi32>
      %select_n3A_846 = arith.select %eq3A_843, %get3A_728, %broadcast_in_dim3A_845 : vector<16xi1>, vector<16xi32>
      %reduce_sum3A_847 = arith.constant true
      %reduce_sum3A_848 = vector.broadcast %reduce_sum3A_847 : i1 to vector<16xi1>
      %reduce_sum3A_849 = tpu.scan <sum>, %select_n3A_846 masked %reduce_sum3A_848 : vector<16xi32>, vector<16xi1> -> vector<16xi32>
      %reduce_sum3A_850 = vector.extract %reduce_sum3A_849[15] : i32 from vector<16xi32>
      %shift_right_logical3A_851 = arith.constant 7 : i32
      %shift_right_logical3A_852 = arith.shrui %reduce_sum3A_850, %shift_right_logical3A_851 : i32
      %ne3A_853 = arith.cmpi ne, %shift_right_logical3A_790, %shift_right_logical3A_759 : i32
      %ne3A_854 = arith.cmpi ne, %shift_right_logical3A_821, %shift_right_logical3A_790 : i32
      %ne3A_855 = arith.cmpi ne, %shift_right_logical3A_852, %shift_right_logical3A_821 : i32
      %mul3A_856 = arith.constant 4 : i32
      %mul3A_857 = arith.muli %scan3A_440, %mul3A_856 : i32
      %add3A_858 = arith.constant 0 : i32
      %add3A_859 = arith.addi %mul3A_857, %add3A_858 : i32
      %jit3A_860 = arith.constant 4 : i32
      %eq3A_861 = arith.constant 0 : i32
      %eq3A_862 = arith.cmpi eq, %jit3A_860, %eq3A_861 : i32
      %jit3A_863 = arith.constant 1 : i32
      %select_n3A_864 = arith.select %eq3A_862, %jit3A_863, %jit3A_860 : i32
      %rem3A_865 = arith.remsi %scan3A_440, %select_n3A_864 : i32
      %ne3A_866 = arith.constant 0 : i32
      %ne3A_867 = arith.cmpi ne, %rem3A_865, %ne3A_866 : i32
      %lt3A_868 = arith.constant 0 : i32
      %lt3A_869 = arith.cmpi slt, %rem3A_865, %lt3A_868 : i32
      %lt3A_870 = arith.constant 0 : i32
      %lt3A_871 = arith.cmpi slt, %select_n3A_864, %lt3A_870 : i32
      %ne3A_872 = arith.xori %lt3A_869, %lt3A_871 : i1
      %and3A_873 = arith.andi %ne3A_872, %ne3A_867 : i1
      %add3A_874 = arith.addi %rem3A_865, %select_n3A_864 : i32
      %select_n3A_875 = arith.select %and3A_873, %add3A_874, %rem3A_865 : i32
      %mul3A_876 = arith.constant 4 : i32
      %mul3A_877 = arith.muli %select_n3A_875, %mul3A_876 : i32
      %add3A_878 = arith.constant 0 : i32
      %add3A_879 = arith.addi %mul3A_877, %add3A_878 : i32
      %eq3A_880 = vector.broadcast %add3A_879 : i32 to vector<16xi32>
      %eq3A_881 = arith.cmpi eq, %iota3A, %eq3A_880 : vector<16xi32>
      %jit3A_882 = arith.constant 0 : i32
      %broadcast_in_dim3A_883 = vector.broadcast %jit3A_882 : i32 to vector<16xi32>
      %select_n3A_884 = arith.select %eq3A_881, %get3A_672, %broadcast_in_dim3A_883 : vector<16xi1>, vector<16xi32>
      %reduce_sum3A_885 = arith.constant true
      %reduce_sum3A_886 = vector.broadcast %reduce_sum3A_885 : i1 to vector<16xi1>
      %reduce_sum3A_887 = tpu.scan <sum>, %select_n3A_884 masked %reduce_sum3A_886 : vector<16xi32>, vector<16xi1> -> vector<16xi32>
      %reduce_sum3A_888 = vector.extract %reduce_sum3A_887[15] : i32 from vector<16xi32>
      %and3A_889 = arith.constant 127 : i32
      %and3A_890 = arith.andi %reduce_sum3A_888, %and3A_889 : i32
      %eq3A_891 = vector.broadcast %add3A_879 : i32 to vector<16xi32>
      %eq3A_892 = arith.cmpi eq, %iota3A, %eq3A_891 : vector<16xi32>
      %jit3A_893 = arith.constant 0 : i32
      %broadcast_in_dim3A_894 = vector.broadcast %jit3A_893 : i32 to vector<16xi32>
      %select_n3A_895 = arith.select %eq3A_892, %get3A_700, %broadcast_in_dim3A_894 : vector<16xi1>, vector<16xi32>
      %reduce_sum3A_896 = arith.constant true
      %reduce_sum3A_897 = vector.broadcast %reduce_sum3A_896 : i1 to vector<16xi1>
      %reduce_sum3A_898 = tpu.scan <sum>, %select_n3A_895 masked %reduce_sum3A_897 : vector<16xi32>, vector<16xi1> -> vector<16xi32>
      %reduce_sum3A_899 = vector.extract %reduce_sum3A_898[15] : i32 from vector<16xi32>
      %and3A_900 = arith.constant 127 : i32
      %and3A_901 = arith.andi %reduce_sum3A_899, %and3A_900 : i32
      %broadcast_in_dim3A_902 = vector.broadcast %and3A_890 : i32 to vector<16xi32>
      %gather3A = arith.constant 0 : i32
      %gather3A_903 = arith.constant 0 : i32
      %gather3A_904 = arith.constant 0 : i32
      %gather3A_905 = tpu.memref_slice %arg9[%rem3A_442, %gather3A, %gather3A_903, %gather3A_904] : memref<3x4x32x128xf32, #tpu.memory_space<vmem>> -> memref<1x1x32x128xf32, #tpu.memory_space<vmem>>
      %gather3A_906 = tpu.memref_squeeze %gather3A_905 : memref<1x1x32x128xf32, #tpu.memory_space<vmem>> -> memref<32x128xf32, #tpu.memory_space<vmem>>
      %gather3A_907 = tpu.vector_load_idx %gather3A_906[%iota3A, %broadcast_in_dim3A_902] : memref<32x128xf32, #tpu.memory_space<vmem>>[vector<16xi32>, vector<16xi32>], vector<16xf32>,
      %add3A_908 = arith.constant 16 : i32
      %add3A_909 = vector.broadcast %add3A_908 : i32 to vector<16xi32>
      %add3A_910 = arith.addi %iota3A, %add3A_909 : vector<16xi32>
      %broadcast_in_dim3A_911 = vector.broadcast %and3A_890 : i32 to vector<16xi32>
      %gather3A_912 = arith.constant 0 : i32
      %gather3A_913 = arith.constant 0 : i32
      %gather3A_914 = arith.constant 0 : i32
      %gather3A_915 = tpu.memref_slice %arg9[%rem3A_442, %gather3A_912, %gather3A_913, %gather3A_914] : memref<3x4x32x128xf32, #tpu.memory_space<vmem>> -> memref<1x1x32x128xf32, #tpu.memory_space<vmem>>
      %gather3A_916 = tpu.memref_squeeze %gather3A_915 : memref<1x1x32x128xf32, #tpu.memory_space<vmem>> -> memref<32x128xf32, #tpu.memory_space<vmem>>
      %gather3A_917 = tpu.vector_load_idx %gather3A_916[%add3A_910, %broadcast_in_dim3A_911] : memref<32x128xf32, #tpu.memory_space<vmem>>[vector<16xi32>, vector<16xi32>], vector<16xf32>,
      %broadcast_in_dim3A_918 = vector.broadcast %and3A_901 : i32 to vector<16xi32>
      %gather3A_919 = arith.constant 0 : i32
      %gather3A_920 = arith.constant 0 : i32
      %gather3A_921 = arith.constant 0 : i32
      %gather3A_922 = tpu.memref_slice %arg10[%rem3A_442, %gather3A_919, %gather3A_920, %gather3A_921] : memref<3x4x32x128xf32, #tpu.memory_space<vmem>> -> memref<1x1x32x128xf32, #tpu.memory_space<vmem>>
      %gather3A_923 = tpu.memref_squeeze %gather3A_922 : memref<1x1x32x128xf32, #tpu.memory_space<vmem>> -> memref<32x128xf32, #tpu.memory_space<vmem>>
      %gather3A_924 = tpu.vector_load_idx %gather3A_923[%iota3A, %broadcast_in_dim3A_918] : memref<32x128xf32, #tpu.memory_space<vmem>>[vector<16xi32>, vector<16xi32>], vector<16xf32>,
      %add3A_925 = arith.constant 16 : i32
      %add3A_926 = vector.broadcast %add3A_925 : i32 to vector<16xi32>
      %add3A_927 = arith.addi %iota3A, %add3A_926 : vector<16xi32>
      %broadcast_in_dim3A_928 = vector.broadcast %and3A_901 : i32 to vector<16xi32>
      %gather3A_929 = arith.constant 0 : i32
      %gather3A_930 = arith.constant 0 : i32
      %gather3A_931 = arith.constant 0 : i32
      %gather3A_932 = tpu.memref_slice %arg10[%rem3A_442, %gather3A_929, %gather3A_930, %gather3A_931] : memref<3x4x32x128xf32, #tpu.memory_space<vmem>> -> memref<1x1x32x128xf32, #tpu.memory_space<vmem>>
      %gather3A_933 = tpu.memref_squeeze %gather3A_932 : memref<1x1x32x128xf32, #tpu.memory_space<vmem>> -> memref<32x128xf32, #tpu.memory_space<vmem>>
      %gather3A_934 = tpu.vector_load_idx %gather3A_933[%add3A_927, %broadcast_in_dim3A_928] : memref<32x128xf32, #tpu.memory_space<vmem>>[vector<16xi32>, vector<16xi32>], vector<16xf32>,
      %mul3A_935 = arith.mulf %gather3A_907, %gather3A_924 : vector<16xf32>
      %mul3A_936 = arith.mulf %gather3A_917, %gather3A_934 : vector<16xf32>
      %add3A_937 = arith.addf %mul3A_935, %mul3A_936 : vector<16xf32>
      %reduce_sum3A_938 = arith.constant true
      %reduce_sum3A_939 = vector.broadcast %reduce_sum3A_938 : i1 to vector<16xi1>
      %reduce_sum3A_940 = tpu.scan <sum>, %add3A_937 masked %reduce_sum3A_939 : vector<16xf32>, vector<16xi1> -> vector<16xf32>
      %reduce_sum3A_941 = vector.extract %reduce_sum3A_940[15] : f32 from vector<16xf32>
      %jit3A_942 = arith.constant 16 : i32
      %eq3A_943 = arith.constant 0 : i32
      %eq3A_944 = arith.cmpi eq, %jit3A_942, %eq3A_943 : i32
      %jit3A_945 = arith.constant 1 : i32
      %select_n3A_946 = arith.select %eq3A_944, %jit3A_945, %jit3A_942 : i32
      %rem3A_947 = arith.remsi %add3A_859, %select_n3A_946 : i32
      %ne3A_948 = arith.constant 0 : i32
      %ne3A_949 = arith.cmpi ne, %rem3A_947, %ne3A_948 : i32
      %lt3A_950 = arith.constant 0 : i32
      %lt3A_951 = arith.cmpi slt, %rem3A_947, %lt3A_950 : i32
      %lt3A_952 = arith.constant 0 : i32
      %lt3A_953 = arith.cmpi slt, %select_n3A_946, %lt3A_952 : i32
      %ne3A_954 = arith.xori %lt3A_951, %lt3A_953 : i1
      %and3A_955 = arith.andi %ne3A_954, %ne3A_949 : i1
      %add3A_956 = arith.addi %rem3A_947, %select_n3A_946 : i32
      %select_n3A_957 = arith.select %and3A_955, %add3A_956, %rem3A_947 : i32
      %eq3A_958 = vector.broadcast %select_n3A_957 : i32 to vector<16xi32>
      %eq3A_959 = arith.cmpi eq, %iota3A, %eq3A_958 : vector<16xi32>
      %broadcast_in_dim3A_960 = vector.broadcast %reduce_sum3A_941 : f32 to vector<16xf32>
      %select_n3A_961 = arith.select %eq3A_959, %broadcast_in_dim3A_960, %scan3A_441 : vector<16xi1>, vector<16xf32>
      %mul3A_962 = arith.constant 4 : i32
      %mul3A_963 = arith.muli %scan3A_440, %mul3A_962 : i32
      %add3A_964 = arith.constant 1 : i32
      %add3A_965 = arith.addi %mul3A_963, %add3A_964 : i32
      %jit3A_966 = arith.constant 4 : i32
      %eq3A_967 = arith.constant 0 : i32
      %eq3A_968 = arith.cmpi eq, %jit3A_966, %eq3A_967 : i32
      %jit3A_969 = arith.constant 1 : i32
      %select_n3A_970 = arith.select %eq3A_968, %jit3A_969, %jit3A_966 : i32
      %rem3A_971 = arith.remsi %scan3A_440, %select_n3A_970 : i32
      %ne3A_972 = arith.constant 0 : i32
      %ne3A_973 = arith.cmpi ne, %rem3A_971, %ne3A_972 : i32
      %lt3A_974 = arith.constant 0 : i32
      %lt3A_975 = arith.cmpi slt, %rem3A_971, %lt3A_974 : i32
      %lt3A_976 = arith.constant 0 : i32
      %lt3A_977 = arith.cmpi slt, %select_n3A_970, %lt3A_976 : i32
      %ne3A_978 = arith.xori %lt3A_975, %lt3A_977 : i1
      %and3A_979 = arith.andi %ne3A_978, %ne3A_973 : i1
      %add3A_980 = arith.addi %rem3A_971, %select_n3A_970 : i32
      %select_n3A_981 = arith.select %and3A_979, %add3A_980, %rem3A_971 : i32
      %mul3A_982 = arith.constant 4 : i32
      %mul3A_983 = arith.muli %select_n3A_981, %mul3A_982 : i32
      %add3A_984 = arith.constant 1 : i32
      %add3A_985 = arith.addi %mul3A_983, %add3A_984 : i32
      %jit3A_986 = arith.constant 1 : i32
      %jit3A_987 = arith.constant 0 : i32
      %select_n3A_988 = arith.select %ne3A_853, %jit3A_986, %jit3A_987 : i32
      %eq3A_989 = vector.broadcast %add3A_985 : i32 to vector<16xi32>
      %eq3A_990 = arith.cmpi eq, %iota3A, %eq3A_989 : vector<16xi32>
      %jit3A_991 = arith.constant 0 : i32
      %broadcast_in_dim3A_992 = vector.broadcast %jit3A_991 : i32 to vector<16xi32>
      %select_n3A_993 = arith.select %eq3A_990, %get3A_672, %broadcast_in_dim3A_992 : vector<16xi1>, vector<16xi32>
      %reduce_sum3A_994 = arith.constant true
      %reduce_sum3A_995 = vector.broadcast %reduce_sum3A_994 : i1 to vector<16xi1>
      %reduce_sum3A_996 = tpu.scan <sum>, %select_n3A_993 masked %reduce_sum3A_995 : vector<16xi32>, vector<16xi1> -> vector<16xi32>
      %reduce_sum3A_997 = vector.extract %reduce_sum3A_996[15] : i32 from vector<16xi32>
      %and3A_998 = arith.constant 127 : i32
      %and3A_999 = arith.andi %reduce_sum3A_997, %and3A_998 : i32
      %eq3A_1000 = vector.broadcast %add3A_985 : i32 to vector<16xi32>
      %eq3A_1001 = arith.cmpi eq, %iota3A, %eq3A_1000 : vector<16xi32>
      %jit3A_1002 = arith.constant 0 : i32
      %broadcast_in_dim3A_1003 = vector.broadcast %jit3A_1002 : i32 to vector<16xi32>
      %select_n3A_1004 = arith.select %eq3A_1001, %get3A_700, %broadcast_in_dim3A_1003 : vector<16xi1>, vector<16xi32>
      %reduce_sum3A_1005 = arith.constant true
      %reduce_sum3A_1006 = vector.broadcast %reduce_sum3A_1005 : i1 to vector<16xi1>
      %reduce_sum3A_1007 = tpu.scan <sum>, %select_n3A_1004 masked %reduce_sum3A_1006 : vector<16xi32>, vector<16xi1> -> vector<16xi32>
      %reduce_sum3A_1008 = vector.extract %reduce_sum3A_1007[15] : i32 from vector<16xi32>
      %and3A_1009 = arith.constant 127 : i32
      %and3A_1010 = arith.andi %reduce_sum3A_1008, %and3A_1009 : i32
      %broadcast_in_dim3A_1011 = vector.broadcast %and3A_999 : i32 to vector<16xi32>
      %gather3A_1012 = arith.constant 0 : i32
      %gather3A_1013 = arith.constant 0 : i32
      %gather3A_1014 = tpu.memref_slice %arg9[%rem3A_442, %select_n3A_988, %gather3A_1012, %gather3A_1013] : memref<3x4x32x128xf32, #tpu.memory_space<vmem>> -> memref<1x1x32x128xf32, #tpu.memory_space<vmem>>
      %gather3A_1015 = tpu.memref_squeeze %gather3A_1014 : memref<1x1x32x128xf32, #tpu.memory_space<vmem>> -> memref<32x128xf32, #tpu.memory_space<vmem>>
      %gather3A_1016 = tpu.vector_load_idx %gather3A_1015[%iota3A, %broadcast_in_dim3A_1011] : memref<32x128xf32, #tpu.memory_space<vmem>>[vector<16xi32>, vector<16xi32>], vector<16xf32>,
      %add3A_1017 = arith.constant 16 : i32
      %add3A_1018 = vector.broadcast %add3A_1017 : i32 to vector<16xi32>
      %add3A_1019 = arith.addi %iota3A, %add3A_1018 : vector<16xi32>
      %broadcast_in_dim3A_1020 = vector.broadcast %and3A_999 : i32 to vector<16xi32>
      %gather3A_1021 = arith.constant 0 : i32
      %gather3A_1022 = arith.constant 0 : i32
      %gather3A_1023 = tpu.memref_slice %arg9[%rem3A_442, %select_n3A_988, %gather3A_1021, %gather3A_1022] : memref<3x4x32x128xf32, #tpu.memory_space<vmem>> -> memref<1x1x32x128xf32, #tpu.memory_space<vmem>>
      %gather3A_1024 = tpu.memref_squeeze %gather3A_1023 : memref<1x1x32x128xf32, #tpu.memory_space<vmem>> -> memref<32x128xf32, #tpu.memory_space<vmem>>
      %gather3A_1025 = tpu.vector_load_idx %gather3A_1024[%add3A_1019, %broadcast_in_dim3A_1020] : memref<32x128xf32, #tpu.memory_space<vmem>>[vector<16xi32>, vector<16xi32>], vector<16xf32>,
      %broadcast_in_dim3A_1026 = vector.broadcast %and3A_1010 : i32 to vector<16xi32>
      %gather3A_1027 = arith.constant 1 : i32
      %gather3A_1028 = arith.constant 0 : i32
      %gather3A_1029 = arith.constant 0 : i32
      %gather3A_1030 = tpu.memref_slice %arg10[%rem3A_442, %gather3A_1027, %gather3A_1028, %gather3A_1029] : memref<3x4x32x128xf32, #tpu.memory_space<vmem>> -> memref<1x1x32x128xf32, #tpu.memory_space<vmem>>
      %gather3A_1031 = tpu.memref_squeeze %gather3A_1030 : memref<1x1x32x128xf32, #tpu.memory_space<vmem>> -> memref<32x128xf32, #tpu.memory_space<vmem>>
      %gather3A_1032 = tpu.vector_load_idx %gather3A_1031[%iota3A, %broadcast_in_dim3A_1026] : memref<32x128xf32, #tpu.memory_space<vmem>>[vector<16xi32>, vector<16xi32>], vector<16xf32>,
      %add3A_1033 = arith.constant 16 : i32
      %add3A_1034 = vector.broadcast %add3A_1033 : i32 to vector<16xi32>
      %add3A_1035 = arith.addi %iota3A, %add3A_1034 : vector<16xi32>
      %broadcast_in_dim3A_1036 = vector.broadcast %and3A_1010 : i32 to vector<16xi32>
      %gather3A_1037 = arith.constant 1 : i32
      %gather3A_1038 = arith.constant 0 : i32
      %gather3A_1039 = arith.constant 0 : i32
      %gather3A_1040 = tpu.memref_slice %arg10[%rem3A_442, %gather3A_1037, %gather3A_1038, %gather3A_1039] : memref<3x4x32x128xf32, #tpu.memory_space<vmem>> -> memref<1x1x32x128xf32, #tpu.memory_space<vmem>>
      %gather3A_1041 = tpu.memref_squeeze %gather3A_1040 : memref<1x1x32x128xf32, #tpu.memory_space<vmem>> -> memref<32x128xf32, #tpu.memory_space<vmem>>
      %gather3A_1042 = tpu.vector_load_idx %gather3A_1041[%add3A_1035, %broadcast_in_dim3A_1036] : memref<32x128xf32, #tpu.memory_space<vmem>>[vector<16xi32>, vector<16xi32>], vector<16xf32>,
      %mul3A_1043 = arith.mulf %gather3A_1016, %gather3A_1032 : vector<16xf32>
      %mul3A_1044 = arith.mulf %gather3A_1025, %gather3A_1042 : vector<16xf32>
      %add3A_1045 = arith.addf %mul3A_1043, %mul3A_1044 : vector<16xf32>
      %reduce_sum3A_1046 = arith.constant true
      %reduce_sum3A_1047 = vector.broadcast %reduce_sum3A_1046 : i1 to vector<16xi1>
      %reduce_sum3A_1048 = tpu.scan <sum>, %add3A_1045 masked %reduce_sum3A_1047 : vector<16xf32>, vector<16xi1> -> vector<16xf32>
      %reduce_sum3A_1049 = vector.extract %reduce_sum3A_1048[15] : f32 from vector<16xf32>
      %jit3A_1050 = arith.constant 16 : i32
      %eq3A_1051 = arith.constant 0 : i32
      %eq3A_1052 = arith.cmpi eq, %jit3A_1050, %eq3A_1051 : i32
      %jit3A_1053 = arith.constant 1 : i32
      %select_n3A_1054 = arith.select %eq3A_1052, %jit3A_1053, %jit3A_1050 : i32
      %rem3A_1055 = arith.remsi %add3A_965, %select_n3A_1054 : i32
      %ne3A_1056 = arith.constant 0 : i32
      %ne3A_1057 = arith.cmpi ne, %rem3A_1055, %ne3A_1056 : i32
      %lt3A_1058 = arith.constant 0 : i32
      %lt3A_1059 = arith.cmpi slt, %rem3A_1055, %lt3A_1058 : i32
      %lt3A_1060 = arith.constant 0 : i32
      %lt3A_1061 = arith.cmpi slt, %select_n3A_1054, %lt3A_1060 : i32
      %ne3A_1062 = arith.xori %lt3A_1059, %lt3A_1061 : i1
      %and3A_1063 = arith.andi %ne3A_1062, %ne3A_1057 : i1
      %add3A_1064 = arith.addi %rem3A_1055, %select_n3A_1054 : i32
      %select_n3A_1065 = arith.select %and3A_1063, %add3A_1064, %rem3A_1055 : i32
      %eq3A_1066 = vector.broadcast %select_n3A_1065 : i32 to vector<16xi32>
      %eq3A_1067 = arith.cmpi eq, %iota3A, %eq3A_1066 : vector<16xi32>
      %broadcast_in_dim3A_1068 = vector.broadcast %reduce_sum3A_1049 : f32 to vector<16xf32>
      %select_n3A_1069 = arith.select %eq3A_1067, %broadcast_in_dim3A_1068, %select_n3A_961 : vector<16xi1>, vector<16xf32>
      %mul3A_1070 = arith.constant 4 : i32
      %mul3A_1071 = arith.muli %scan3A_440, %mul3A_1070 : i32
      %add3A_1072 = arith.constant 2 : i32
      %add3A_1073 = arith.addi %mul3A_1071, %add3A_1072 : i32
      %jit3A_1074 = arith.constant 4 : i32
      %eq3A_1075 = arith.constant 0 : i32
      %eq3A_1076 = arith.cmpi eq, %jit3A_1074, %eq3A_1075 : i32
      %jit3A_1077 = arith.constant 1 : i32
      %select_n3A_1078 = arith.select %eq3A_1076, %jit3A_1077, %jit3A_1074 : i32
      %rem3A_1079 = arith.remsi %scan3A_440, %select_n3A_1078 : i32
      %ne3A_1080 = arith.constant 0 : i32
      %ne3A_1081 = arith.cmpi ne, %rem3A_1079, %ne3A_1080 : i32
      %lt3A_1082 = arith.constant 0 : i32
      %lt3A_1083 = arith.cmpi slt, %rem3A_1079, %lt3A_1082 : i32
      %lt3A_1084 = arith.constant 0 : i32
      %lt3A_1085 = arith.cmpi slt, %select_n3A_1078, %lt3A_1084 : i32
      %ne3A_1086 = arith.xori %lt3A_1083, %lt3A_1085 : i1
      %and3A_1087 = arith.andi %ne3A_1086, %ne3A_1081 : i1
      %add3A_1088 = arith.addi %rem3A_1079, %select_n3A_1078 : i32
      %select_n3A_1089 = arith.select %and3A_1087, %add3A_1088, %rem3A_1079 : i32
      %mul3A_1090 = arith.constant 4 : i32
      %mul3A_1091 = arith.muli %select_n3A_1089, %mul3A_1090 : i32
      %add3A_1092 = arith.constant 2 : i32
      %add3A_1093 = arith.addi %mul3A_1091, %add3A_1092 : i32
      %jit3A_1094 = arith.constant 2 : i32
      %select_n3A_1095 = arith.select %ne3A_854, %jit3A_1094, %select_n3A_988 : i32
      %eq3A_1096 = vector.broadcast %add3A_1093 : i32 to vector<16xi32>
      %eq3A_1097 = arith.cmpi eq, %iota3A, %eq3A_1096 : vector<16xi32>
      %jit3A_1098 = arith.constant 0 : i32
      %broadcast_in_dim3A_1099 = vector.broadcast %jit3A_1098 : i32 to vector<16xi32>
      %select_n3A_1100 = arith.select %eq3A_1097, %get3A_672, %broadcast_in_dim3A_1099 : vector<16xi1>, vector<16xi32>
      %reduce_sum3A_1101 = arith.constant true
      %reduce_sum3A_1102 = vector.broadcast %reduce_sum3A_1101 : i1 to vector<16xi1>
      %reduce_sum3A_1103 = tpu.scan <sum>, %select_n3A_1100 masked %reduce_sum3A_1102 : vector<16xi32>, vector<16xi1> -> vector<16xi32>
      %reduce_sum3A_1104 = vector.extract %reduce_sum3A_1103[15] : i32 from vector<16xi32>
      %and3A_1105 = arith.constant 127 : i32
      %and3A_1106 = arith.andi %reduce_sum3A_1104, %and3A_1105 : i32
      %eq3A_1107 = vector.broadcast %add3A_1093 : i32 to vector<16xi32>
      %eq3A_1108 = arith.cmpi eq, %iota3A, %eq3A_1107 : vector<16xi32>
      %jit3A_1109 = arith.constant 0 : i32
      %broadcast_in_dim3A_1110 = vector.broadcast %jit3A_1109 : i32 to vector<16xi32>
      %select_n3A_1111 = arith.select %eq3A_1108, %get3A_700, %broadcast_in_dim3A_1110 : vector<16xi1>, vector<16xi32>
      %reduce_sum3A_1112 = arith.constant true
      %reduce_sum3A_1113 = vector.broadcast %reduce_sum3A_1112 : i1 to vector<16xi1>
      %reduce_sum3A_1114 = tpu.scan <sum>, %select_n3A_1111 masked %reduce_sum3A_1113 : vector<16xi32>, vector<16xi1> -> vector<16xi32>
      %reduce_sum3A_1115 = vector.extract %reduce_sum3A_1114[15] : i32 from vector<16xi32>
      %and3A_1116 = arith.constant 127 : i32
      %and3A_1117 = arith.andi %reduce_sum3A_1115, %and3A_1116 : i32
      %broadcast_in_dim3A_1118 = vector.broadcast %and3A_1106 : i32 to vector<16xi32>
      %gather3A_1119 = arith.constant 0 : i32
      %gather3A_1120 = arith.constant 0 : i32
      %gather3A_1121 = tpu.memref_slice %arg9[%rem3A_442, %select_n3A_1095, %gather3A_1119, %gather3A_1120] : memref<3x4x32x128xf32, #tpu.memory_space<vmem>> -> memref<1x1x32x128xf32, #tpu.memory_space<vmem>>
      %gather3A_1122 = tpu.memref_squeeze %gather3A_1121 : memref<1x1x32x128xf32, #tpu.memory_space<vmem>> -> memref<32x128xf32, #tpu.memory_space<vmem>>
      %gather3A_1123 = tpu.vector_load_idx %gather3A_1122[%iota3A, %broadcast_in_dim3A_1118] : memref<32x128xf32, #tpu.memory_space<vmem>>[vector<16xi32>, vector<16xi32>], vector<16xf32>,
      %add3A_1124 = arith.constant 16 : i32
      %add3A_1125 = vector.broadcast %add3A_1124 : i32 to vector<16xi32>
      %add3A_1126 = arith.addi %iota3A, %add3A_1125 : vector<16xi32>
      %broadcast_in_dim3A_1127 = vector.broadcast %and3A_1106 : i32 to vector<16xi32>
      %gather3A_1128 = arith.constant 0 : i32
      %gather3A_1129 = arith.constant 0 : i32
      %gather3A_1130 = tpu.memref_slice %arg9[%rem3A_442, %select_n3A_1095, %gather3A_1128, %gather3A_1129] : memref<3x4x32x128xf32, #tpu.memory_space<vmem>> -> memref<1x1x32x128xf32, #tpu.memory_space<vmem>>
      %gather3A_1131 = tpu.memref_squeeze %gather3A_1130 : memref<1x1x32x128xf32, #tpu.memory_space<vmem>> -> memref<32x128xf32, #tpu.memory_space<vmem>>
      %gather3A_1132 = tpu.vector_load_idx %gather3A_1131[%add3A_1126, %broadcast_in_dim3A_1127] : memref<32x128xf32, #tpu.memory_space<vmem>>[vector<16xi32>, vector<16xi32>], vector<16xf32>,
      %broadcast_in_dim3A_1133 = vector.broadcast %and3A_1117 : i32 to vector<16xi32>
      %gather3A_1134 = arith.constant 2 : i32
      %gather3A_1135 = arith.constant 0 : i32
      %gather3A_1136 = arith.constant 0 : i32
      %gather3A_1137 = tpu.memref_slice %arg10[%rem3A_442, %gather3A_1134, %gather3A_1135, %gather3A_1136] : memref<3x4x32x128xf32, #tpu.memory_space<vmem>> -> memref<1x1x32x128xf32, #tpu.memory_space<vmem>>
      %gather3A_1138 = tpu.memref_squeeze %gather3A_1137 : memref<1x1x32x128xf32, #tpu.memory_space<vmem>> -> memref<32x128xf32, #tpu.memory_space<vmem>>
      %gather3A_1139 = tpu.vector_load_idx %gather3A_1138[%iota3A, %broadcast_in_dim3A_1133] : memref<32x128xf32, #tpu.memory_space<vmem>>[vector<16xi32>, vector<16xi32>], vector<16xf32>,
      %add3A_1140 = arith.constant 16 : i32
      %add3A_1141 = vector.broadcast %add3A_1140 : i32 to vector<16xi32>
      %add3A_1142 = arith.addi %iota3A, %add3A_1141 : vector<16xi32>
      %broadcast_in_dim3A_1143 = vector.broadcast %and3A_1117 : i32 to vector<16xi32>
      %gather3A_1144 = arith.constant 2 : i32
      %gather3A_1145 = arith.constant 0 : i32
      %gather3A_1146 = arith.constant 0 : i32
      %gather3A_1147 = tpu.memref_slice %arg10[%rem3A_442, %gather3A_1144, %gather3A_1145, %gather3A_1146] : memref<3x4x32x128xf32, #tpu.memory_space<vmem>> -> memref<1x1x32x128xf32, #tpu.memory_space<vmem>>
      %gather3A_1148 = tpu.memref_squeeze %gather3A_1147 : memref<1x1x32x128xf32, #tpu.memory_space<vmem>> -> memref<32x128xf32, #tpu.memory_space<vmem>>
      %gather3A_1149 = tpu.vector_load_idx %gather3A_1148[%add3A_1142, %broadcast_in_dim3A_1143] : memref<32x128xf32, #tpu.memory_space<vmem>>[vector<16xi32>, vector<16xi32>], vector<16xf32>,
      %mul3A_1150 = arith.mulf %gather3A_1123, %gather3A_1139 : vector<16xf32>
      %mul3A_1151 = arith.mulf %gather3A_1132, %gather3A_1149 : vector<16xf32>
      %add3A_1152 = arith.addf %mul3A_1150, %mul3A_1151 : vector<16xf32>
      %reduce_sum3A_1153 = arith.constant true
      %reduce_sum3A_1154 = vector.broadcast %reduce_sum3A_1153 : i1 to vector<16xi1>
      %reduce_sum3A_1155 = tpu.scan <sum>, %add3A_1152 masked %reduce_sum3A_1154 : vector<16xf32>, vector<16xi1> -> vector<16xf32>
      %reduce_sum3A_1156 = vector.extract %reduce_sum3A_1155[15] : f32 from vector<16xf32>
      %jit3A_1157 = arith.constant 16 : i32
      %eq3A_1158 = arith.constant 0 : i32
      %eq3A_1159 = arith.cmpi eq, %jit3A_1157, %eq3A_1158 : i32
      %jit3A_1160 = arith.constant 1 : i32
      %select_n3A_1161 = arith.select %eq3A_1159, %jit3A_1160, %jit3A_1157 : i32
      %rem3A_1162 = arith.remsi %add3A_1073, %select_n3A_1161 : i32
      %ne3A_1163 = arith.constant 0 : i32
      %ne3A_1164 = arith.cmpi ne, %rem3A_1162, %ne3A_1163 : i32
      %lt3A_1165 = arith.constant 0 : i32
      %lt3A_1166 = arith.cmpi slt, %rem3A_1162, %lt3A_1165 : i32
      %lt3A_1167 = arith.constant 0 : i32
      %lt3A_1168 = arith.cmpi slt, %select_n3A_1161, %lt3A_1167 : i32
      %ne3A_1169 = arith.xori %lt3A_1166, %lt3A_1168 : i1
      %and3A_1170 = arith.andi %ne3A_1169, %ne3A_1164 : i1
      %add3A_1171 = arith.addi %rem3A_1162, %select_n3A_1161 : i32
      %select_n3A_1172 = arith.select %and3A_1170, %add3A_1171, %rem3A_1162 : i32
      %eq3A_1173 = vector.broadcast %select_n3A_1172 : i32 to vector<16xi32>
      %eq3A_1174 = arith.cmpi eq, %iota3A, %eq3A_1173 : vector<16xi32>
      %broadcast_in_dim3A_1175 = vector.broadcast %reduce_sum3A_1156 : f32 to vector<16xf32>
      %select_n3A_1176 = arith.select %eq3A_1174, %broadcast_in_dim3A_1175, %select_n3A_1069 : vector<16xi1>, vector<16xf32>
      %mul3A_1177 = arith.constant 4 : i32
      %mul3A_1178 = arith.muli %scan3A_440, %mul3A_1177 : i32
      %add3A_1179 = arith.constant 3 : i32
      %add3A_1180 = arith.addi %mul3A_1178, %add3A_1179 : i32
      %jit3A_1181 = arith.constant 4 : i32
      %eq3A_1182 = arith.constant 0 : i32
      %eq3A_1183 = arith.cmpi eq, %jit3A_1181, %eq3A_1182 : i32
      %jit3A_1184 = arith.constant 1 : i32
      %select_n3A_1185 = arith.select %eq3A_1183, %jit3A_1184, %jit3A_1181 : i32
      %rem3A_1186 = arith.remsi %scan3A_440, %select_n3A_1185 : i32
      %ne3A_1187 = arith.constant 0 : i32
      %ne3A_1188 = arith.cmpi ne, %rem3A_1186, %ne3A_1187 : i32
      %lt3A_1189 = arith.constant 0 : i32
      %lt3A_1190 = arith.cmpi slt, %rem3A_1186, %lt3A_1189 : i32
      %lt3A_1191 = arith.constant 0 : i32
      %lt3A_1192 = arith.cmpi slt, %select_n3A_1185, %lt3A_1191 : i32
      %ne3A_1193 = arith.xori %lt3A_1190, %lt3A_1192 : i1
      %and3A_1194 = arith.andi %ne3A_1193, %ne3A_1188 : i1
      %add3A_1195 = arith.addi %rem3A_1186, %select_n3A_1185 : i32
      %select_n3A_1196 = arith.select %and3A_1194, %add3A_1195, %rem3A_1186 : i32
      %mul3A_1197 = arith.constant 4 : i32
      %mul3A_1198 = arith.muli %select_n3A_1196, %mul3A_1197 : i32
      %add3A_1199 = arith.constant 3 : i32
      %add3A_1200 = arith.addi %mul3A_1198, %add3A_1199 : i32
      %jit3A_1201 = arith.constant 3 : i32
      %select_n3A_1202 = arith.select %ne3A_855, %jit3A_1201, %select_n3A_1095 : i32
      %eq3A_1203 = vector.broadcast %add3A_1200 : i32 to vector<16xi32>
      %eq3A_1204 = arith.cmpi eq, %iota3A, %eq3A_1203 : vector<16xi32>
      %jit3A_1205 = arith.constant 0 : i32
      %broadcast_in_dim3A_1206 = vector.broadcast %jit3A_1205 : i32 to vector<16xi32>
      %select_n3A_1207 = arith.select %eq3A_1204, %get3A_672, %broadcast_in_dim3A_1206 : vector<16xi1>, vector<16xi32>
      %reduce_sum3A_1208 = arith.constant true
      %reduce_sum3A_1209 = vector.broadcast %reduce_sum3A_1208 : i1 to vector<16xi1>
      %reduce_sum3A_1210 = tpu.scan <sum>, %select_n3A_1207 masked %reduce_sum3A_1209 : vector<16xi32>, vector<16xi1> -> vector<16xi32>
      %reduce_sum3A_1211 = vector.extract %reduce_sum3A_1210[15] : i32 from vector<16xi32>
      %and3A_1212 = arith.constant 127 : i32
      %and3A_1213 = arith.andi %reduce_sum3A_1211, %and3A_1212 : i32
      %eq3A_1214 = vector.broadcast %add3A_1200 : i32 to vector<16xi32>
      %eq3A_1215 = arith.cmpi eq, %iota3A, %eq3A_1214 : vector<16xi32>
      %jit3A_1216 = arith.constant 0 : i32
      %broadcast_in_dim3A_1217 = vector.broadcast %jit3A_1216 : i32 to vector<16xi32>
      %select_n3A_1218 = arith.select %eq3A_1215, %get3A_700, %broadcast_in_dim3A_1217 : vector<16xi1>, vector<16xi32>
      %reduce_sum3A_1219 = arith.constant true
      %reduce_sum3A_1220 = vector.broadcast %reduce_sum3A_1219 : i1 to vector<16xi1>
      %reduce_sum3A_1221 = tpu.scan <sum>, %select_n3A_1218 masked %reduce_sum3A_1220 : vector<16xi32>, vector<16xi1> -> vector<16xi32>
      %reduce_sum3A_1222 = vector.extract %reduce_sum3A_1221[15] : i32 from vector<16xi32>
      %and3A_1223 = arith.constant 127 : i32
      %and3A_1224 = arith.andi %reduce_sum3A_1222, %and3A_1223 : i32
      %broadcast_in_dim3A_1225 = vector.broadcast %and3A_1213 : i32 to vector<16xi32>
      %gather3A_1226 = arith.constant 0 : i32
      %gather3A_1227 = arith.constant 0 : i32
      %gather3A_1228 = tpu.memref_slice %arg9[%rem3A_442, %select_n3A_1202, %gather3A_1226, %gather3A_1227] : memref<3x4x32x128xf32, #tpu.memory_space<vmem>> -> memref<1x1x32x128xf32, #tpu.memory_space<vmem>>
      %gather3A_1229 = tpu.memref_squeeze %gather3A_1228 : memref<1x1x32x128xf32, #tpu.memory_space<vmem>> -> memref<32x128xf32, #tpu.memory_space<vmem>>
      %gather3A_1230 = tpu.vector_load_idx %gather3A_1229[%iota3A, %broadcast_in_dim3A_1225] : memref<32x128xf32, #tpu.memory_space<vmem>>[vector<16xi32>, vector<16xi32>], vector<16xf32>,
      %add3A_1231 = arith.constant 16 : i32
      %add3A_1232 = vector.broadcast %add3A_1231 : i32 to vector<16xi32>
      %add3A_1233 = arith.addi %iota3A, %add3A_1232 : vector<16xi32>
      %broadcast_in_dim3A_1234 = vector.broadcast %and3A_1213 : i32 to vector<16xi32>
      %gather3A_1235 = arith.constant 0 : i32
      %gather3A_1236 = arith.constant 0 : i32
      %gather3A_1237 = tpu.memref_slice %arg9[%rem3A_442, %select_n3A_1202, %gather3A_1235, %gather3A_1236] : memref<3x4x32x128xf32, #tpu.memory_space<vmem>> -> memref<1x1x32x128xf32, #tpu.memory_space<vmem>>
      %gather3A_1238 = tpu.memref_squeeze %gather3A_1237 : memref<1x1x32x128xf32, #tpu.memory_space<vmem>> -> memref<32x128xf32, #tpu.memory_space<vmem>>
      %gather3A_1239 = tpu.vector_load_idx %gather3A_1238[%add3A_1233, %broadcast_in_dim3A_1234] : memref<32x128xf32, #tpu.memory_space<vmem>>[vector<16xi32>, vector<16xi32>], vector<16xf32>,
      %broadcast_in_dim3A_1240 = vector.broadcast %and3A_1224 : i32 to vector<16xi32>
      %gather3A_1241 = arith.constant 3 : i32
      %gather3A_1242 = arith.constant 0 : i32
      %gather3A_1243 = arith.constant 0 : i32
      %gather3A_1244 = tpu.memref_slice %arg10[%rem3A_442, %gather3A_1241, %gather3A_1242, %gather3A_1243] : memref<3x4x32x128xf32, #tpu.memory_space<vmem>> -> memref<1x1x32x128xf32, #tpu.memory_space<vmem>>
      %gather3A_1245 = tpu.memref_squeeze %gather3A_1244 : memref<1x1x32x128xf32, #tpu.memory_space<vmem>> -> memref<32x128xf32, #tpu.memory_space<vmem>>
      %gather3A_1246 = tpu.vector_load_idx %gather3A_1245[%iota3A, %broadcast_in_dim3A_1240] : memref<32x128xf32, #tpu.memory_space<vmem>>[vector<16xi32>, vector<16xi32>], vector<16xf32>,
      %add3A_1247 = arith.constant 16 : i32
      %add3A_1248 = vector.broadcast %add3A_1247 : i32 to vector<16xi32>
      %add3A_1249 = arith.addi %iota3A, %add3A_1248 : vector<16xi32>
      %broadcast_in_dim3A_1250 = vector.broadcast %and3A_1224 : i32 to vector<16xi32>
      %gather3A_1251 = arith.constant 3 : i32
      %gather3A_1252 = arith.constant 0 : i32
      %gather3A_1253 = arith.constant 0 : i32
      %gather3A_1254 = tpu.memref_slice %arg10[%rem3A_442, %gather3A_1251, %gather3A_1252, %gather3A_1253] : memref<3x4x32x128xf32, #tpu.memory_space<vmem>> -> memref<1x1x32x128xf32, #tpu.memory_space<vmem>>
      %gather3A_1255 = tpu.memref_squeeze %gather3A_1254 : memref<1x1x32x128xf32, #tpu.memory_space<vmem>> -> memref<32x128xf32, #tpu.memory_space<vmem>>
      %gather3A_1256 = tpu.vector_load_idx %gather3A_1255[%add3A_1249, %broadcast_in_dim3A_1250] : memref<32x128xf32, #tpu.memory_space<vmem>>[vector<16xi32>, vector<16xi32>], vector<16xf32>,
      %mul3A_1257 = arith.mulf %gather3A_1230, %gather3A_1246 : vector<16xf32>
      %mul3A_1258 = arith.mulf %gather3A_1239, %gather3A_1256 : vector<16xf32>
      %add3A_1259 = arith.addf %mul3A_1257, %mul3A_1258 : vector<16xf32>
      %reduce_sum3A_1260 = arith.constant true
      %reduce_sum3A_1261 = vector.broadcast %reduce_sum3A_1260 : i1 to vector<16xi1>
      %reduce_sum3A_1262 = tpu.scan <sum>, %add3A_1259 masked %reduce_sum3A_1261 : vector<16xf32>, vector<16xi1> -> vector<16xf32>
      %reduce_sum3A_1263 = vector.extract %reduce_sum3A_1262[15] : f32 from vector<16xf32>
      %jit3A_1264 = arith.constant 16 : i32
      %eq3A_1265 = arith.constant 0 : i32
      %eq3A_1266 = arith.cmpi eq, %jit3A_1264, %eq3A_1265 : i32
      %jit3A_1267 = arith.constant 1 : i32
      %select_n3A_1268 = arith.select %eq3A_1266, %jit3A_1267, %jit3A_1264 : i32
      %rem3A_1269 = arith.remsi %add3A_1180, %select_n3A_1268 : i32
      %ne3A_1270 = arith.constant 0 : i32
      %ne3A_1271 = arith.cmpi ne, %rem3A_1269, %ne3A_1270 : i32
      %lt3A_1272 = arith.constant 0 : i32
      %lt3A_1273 = arith.cmpi slt, %rem3A_1269, %lt3A_1272 : i32
      %lt3A_1274 = arith.constant 0 : i32
      %lt3A_1275 = arith.cmpi slt, %select_n3A_1268, %lt3A_1274 : i32
      %ne3A_1276 = arith.xori %lt3A_1273, %lt3A_1275 : i1
      %and3A_1277 = arith.andi %ne3A_1276, %ne3A_1271 : i1
      %add3A_1278 = arith.addi %rem3A_1269, %select_n3A_1268 : i32
      %select_n3A_1279 = arith.select %and3A_1277, %add3A_1278, %rem3A_1269 : i32
      %eq3A_1280 = vector.broadcast %select_n3A_1279 : i32 to vector<16xi32>
      %eq3A_1281 = arith.cmpi eq, %iota3A, %eq3A_1280 : vector<16xi32>
      %broadcast_in_dim3A_1282 = vector.broadcast %reduce_sum3A_1263 : f32 to vector<16xf32>
      %select_n3A_1283 = arith.select %eq3A_1281, %broadcast_in_dim3A_1282, %select_n3A_1176 : vector<16xi1>, vector<16xf32>
      %and3A_1284 = arith.constant 3 : i32
      %and3A_1285 = arith.andi %scan3A_440, %and3A_1284 : i32
      %eq3A_1286 = arith.constant 3 : i32
      %eq3A_1287 = arith.cmpi eq, %and3A_1285, %eq3A_1286 : i32
      %convert_element_type3A_1288 = arith.extui %eq3A_1287 : i1 to i32
      %cond3A_1289 = arith.constant 0 : i32
      %cond3A_1290 = arith.cmpi ne, %convert_element_type3A_1288, %cond3A_1289 : i32
      scf.if %cond3A_1290 {
        %jit3A_1291 = arith.constant 4 : i32
        %div3A_1292 = arith.divsi %scan3A_440, %jit3A_1291 : i32
        %sign3A_1293 = arith.constant 0 : i32
        %sign3A_1294 = arith.cmpi sgt, %scan3A_440, %sign3A_1293 : i32
        %sign3A_1295 = arith.extui %sign3A_1294 : i1 to i32
        %sign3A_1296 = arith.constant 0 : i32
        %sign3A_1297 = arith.cmpi slt, %scan3A_440, %sign3A_1296 : i32
        %sign3A_1298 = arith.extui %sign3A_1297 : i1 to i32
        %sign3A_1299 = arith.subi %sign3A_1295, %sign3A_1298 : i32
        %sign3A_1300 = arith.constant 0 : i32
        %sign3A_1301 = arith.cmpi sgt, %jit3A_1291, %sign3A_1300 : i32
        %sign3A_1302 = arith.extui %sign3A_1301 : i1 to i32
        %sign3A_1303 = arith.constant 0 : i32
        %sign3A_1304 = arith.cmpi slt, %jit3A_1291, %sign3A_1303 : i32
        %sign3A_1305 = arith.extui %sign3A_1304 : i1 to i32
        %sign3A_1306 = arith.subi %sign3A_1302, %sign3A_1305 : i32
        %ne3A_1307 = arith.cmpi ne, %sign3A_1299, %sign3A_1306 : i32
        %rem3A_1308 = arith.remsi %scan3A_440, %jit3A_1291 : i32
        %ne3A_1309 = arith.constant 0 : i32
        %ne3A_1310 = arith.cmpi ne, %rem3A_1308, %ne3A_1309 : i32
        %and3A_1311 = arith.andi %ne3A_1307, %ne3A_1310 : i1
        %sub3A_1312 = arith.constant 1 : i32
        %sub3A_1313 = arith.subi %div3A_1292, %sub3A_1312 : i32
        %select_n3A_1314 = arith.select %and3A_1311, %sub3A_1313, %div3A_1292 : i32
        %mul3A_1315 = arith.constant 16 : i32
        %mul3A_1316 = arith.muli %select_n3A_1314, %mul3A_1315 : i32
        %swap3A = arith.index_cast %mul3A_1316 : i32 to index
        %swap3A_1317 = tpu.vector_load %arg11[%swap3A] {strides = array<i32>} : memref<512xf32, #tpu.memory_space<vmem>>, vector<16xf32>,
        tpu.vector_store %arg11[%swap3A], %select_n3A_1283 {strides = array<i32>} : memref<512xf32, #tpu.memory_space<vmem>>, vector<16xf32>,
      } else {
      }
      scf.yield %select_n3A_1283 : vector<16xf32>
    }
    %scan3A_439 = arith.constant 128 : i32
    "tpu.region"() ({
      %run_scoped3A = tpu.sem_alloc : memref<!tpu.dma_semaphore, #tpu.memory_space<semaphore_mem>>
      %dma_start3A_440 = tpu.memref_slice %arg6[%mul3A_2] : memref<16384xf32, #tpu.memory_space<hbm>> -> memref<512xf32, #tpu.memory_space<hbm>>
      %dma_start3A_441 = tpu.memref_slice %arg6[%mul3A_2] : memref<16384xf32, #tpu.memory_space<hbm>> -> memref<512xf32, #tpu.memory_space<hbm>>
      tpu.enqueue_dma source(%arg11 : memref<512xf32, #tpu.memory_space<vmem>>) target(%dma_start3A_441 : memref<512xf32, #tpu.memory_space<hbm>>) target_semaphore(%run_scoped3A : memref<!tpu.dma_semaphore, #tpu.memory_space<semaphore_mem>>)
      %dma_wait3A = tpu.memref_slice %arg6[%mul3A_2] : memref<16384xf32, #tpu.memory_space<hbm>> -> memref<512xf32, #tpu.memory_space<hbm>>
      %dma_wait3A_442 = tpu.memref_slice %arg6[%mul3A_2] : memref<16384xf32, #tpu.memory_space<hbm>> -> memref<512xf32, #tpu.memory_space<hbm>>
      tpu.wait_dma2 semaphore(%run_scoped3A : memref<!tpu.dma_semaphore, #tpu.memory_space<semaphore_mem>>) src(%arg11 : memref<512xf32, #tpu.memory_space<vmem>>) dst(%dma_wait3A_442 : memref<512xf32, #tpu.memory_space<hbm>>)
      tpu.yield
    }) : () -> ()
    return
  }
}

</mosaic_0001>

<sc_bundles>
// kernel: gather_offload_async_start.1
scs
__scs_entry_jumppad:
0x0: {  	(pc) =	sbr.rel $0x88, $3  }
0x1: {  	(tag) =	ssettag $0x0;
	lr =	simm.s32 $0x1  }
0x2: {  	[smem:$0x3F9D] =	sst lr;
	_ =	strace $0xD0000000  }
0x3: {  	_ = 	snop  }
0x4: {  	_ = 	snop  }
0x5: {  	_ = 	snop  }
0x6: {  	_ = 	snop  }
0x7: {  	_ = 	snop  }
__scs_overlays_trampoline_lowered:
0x8: {  	[smem:$0x3FAC] =	sst s0  }
0x9: {  	[smem:$0x3FAD] =	sst s1  }
0xa: {  	[smem:$0x3FAE] =	sst s2  }
0xb: {  	[smem:$0x3FAF] =	sst s3  }
0xc: {  	[smem:$0x3FB0] =	sst s4  }
0xd: {  	[smem:$0x3FB1] =	sst s5  }
0xe: {  	[smem:$0x3FB2] =	sst s6  }
0xf: {  	[smem:$0x3FB3] =	sst s7  }
0x10: {  	[smem:$0x3FB4] =	sst s8  }
0x11: {  	[smem:$0x3FB5] =	sst s9;
	s0 =	simm.s32 @!p0 $0x0  }
0x12: {  	s1 =	sld [smem:$0x3F9B];
	s0 =	simm.s32 @p0 $0x1  }
0x13: {  	[smem:$0x3FB6] =	sst s0;
	s0 =	simm.s32 @!p1 $0x0  }
0x14: {  	s2 =	sld [smem:$0x3F9A];
	s0 =	simm.s32 @p1 $0x1  }
0x15: {  	[smem:$0x3FB7] =	sst s0;
	s0 =	simm.s32 @!p2 $0x0  }
0x16: {  	s3 =	sld [smem:$0x3FDB];
	s0 =	simm.s32 @p2 $0x1  }
0x17: {  	s4 =	simm.s32 $0x1BF5;
	[smem:$0x3FB9] =	sst s0  }
0x18: {  	s0 =	sld [smem:$0x3F9C];
	_ =	swait.ge [sflag:s4], $0x0  }
0x19: {  	s7 =	sld [smem:$0x3F9D]  }
0x1a: {  	s8 =	sadd.s32 $0xFFFFE003, lr  }
0x1b: {  	s9 =	sadd.s32 $0xFFFFFEF7, lr;
	s5 =	simm.s32 $0xFFFFFFFF;
	p2 =	slt.u32 s8, $0xFFFFF086  }
0x1c: {  	p1 =	slt.u32 s9, $0xF7A;
	s5 =	simm.s32 @!p2 $0x0  }
0x1d: {  	s5 =	simm.s32 @p1 $0x1;
	p0 =	seq.s32 s7, s2  }
0x1e: {  	s7 =	smul.u32 @!p0 $0xF7A, s2;
	p2 =	seq.s32 @!p0 s5, $0x0  }
0x1f: {  	s9 =	smul.u32 $0xF7A, s1;
	s8 =	simm.s32 @!p0 $0x1BF5;
	p2 =	por !p2, p0  }
0x20: {  	[sflag:s8] =	ssyncset.s32 @!p0 $0xFFFFF086;
	s6 =	sadd.s32 @!p0 s3, s7;
	s7 =	simm.s32 @!p0 $0x108  }
0x21: {  	s3 =	sadd.s32 s3, s9;
	s6 =	sadd.s32 @!p0 $0x88, s6;
	s7 =	simm.s32 @p2 $0x1082  }
0x22: {  	[simem:s7], [sflag:s8] =	dma.local @!p0 [hbm:s6], $0xF7A  }
0x23: {  	s9 =	sor.u32 $0xD0000000, s2;
	s6 =	simm.s32 $0x108;
	_ =	swait.ge @!p0 [sflag:s8], $0x0  }
0x24: {  	s3 =	sadd.s32 $0x88, s3;
	s6 =	simm.s32 @!p1 $0x1082;
	[sflag:s4] =	ssyncset.s32 $0xFFFFF086  }
0x25: {  	[simem:s6], [sflag:s4] =	dma.local [hbm:s3], $0xF7A  }
0x26: {  	[smem:$0x3F9D] =	sst s1;
	(tag) =	ssettag s2;
	_ =	strace s9  }
0x27: {  	s1 =	sld [smem:$0x3FAD]  }
0x28: {  	s2 =	sld [smem:$0x3FAE]  }
0x29: {  	s4 =	sld [smem:$0x3FB0]  }
0x2a: {  	p0 =	seq.s32 s5, $0x0;
	s5 =	sld [smem:$0x3FB1]  }
0x2b: {  	s6 =	sld [smem:$0x3FB2]  }
0x2c: {  	s7 =	sld [smem:$0x3FB3]  }
0x2d: {  	s3 =	simm.s32 $0x108;
	s8 =	sld [smem:$0x3FB4]  }
0x2e: {  	s3 =	simm.s32 @!p0 $0x1082;
	s9 =	sld [smem:$0x3FB5]  }
0x2f: {  	lr =	sadd.s32 s0, s3;
	s0 =	sld [smem:$0x3FAC]  }
0x30: {  	s3 =	sld [smem:$0x3FAF]  }
0x31: {  	[smem:$0x3FB8] =	sst s10  }
0x32: {  	s10 =	sld [smem:$0x3FB6];
	_ =	sdelay $0x3  }
0x33: {  	p0 =	seq.s32 s10, $0x1;
	s10 =	sld [smem:$0x3FB8];
	_ =	sdelay $0x3  }
0x34: {  	[smem:$0x3FB8] =	sst s10  }
0x35: {  	s10 =	sld [smem:$0x3FB7];
	_ =	sdelay $0x3  }
0x36: {  	p1 =	seq.s32 s10, $0x1;
	s10 =	sld [smem:$0x3FB8];
	_ =	sdelay $0x3  }
0x37: {  	[smem:$0x3FB8] =	sst s10  }
0x38: {  	s10 =	sld [smem:$0x3FB9]  }
0x39: {  	_ = 	snop;
	(pc) =	sbr.ind lr, $3  }
0x3a: {  	_ = 	snop  }
0x3b: {  	_ = 	snop  }
0x3c: {  	p2 =	seq.s32 s10, $0x1;
	s10 =	sld [smem:$0x3FB8]  }
0x3d: {  	_ =	shalt  }
0x3e: {  	_ =	shalt  }
0x3f: {  	_ =	shalt  }
0x40: {  	_ =	shalt  }
0x41: {  	_ =	shalt  }
0x42: {  	_ =	shalt  }
0x43: {  	_ =	shalt  }
0x44: {  	_ =	shalt  }
0x45: {  	_ =	shalt  }
0x46: {  	_ =	shalt  }
0x47: {  	_ =	shalt  }
0x48: {  	_ =	shalt  }
0x49: {  	_ =	shalt  }
0x4a: {  	_ =	shalt  }
0x4b: {  	_ =	shalt  }
0x4c: {  	_ =	shalt  }
0x4d: {  	_ =	shalt  }
0x4e: {  	_ =	shalt  }
0x4f: {  	_ =	shalt  }
0x50: {  	_ =	shalt  }
0x51: {  	_ =	shalt  }
0x52: {  	_ =	shalt  }
0x53: {  	_ =	shalt  }
0x54: {  	_ =	shalt  }
0x55: {  	_ =	shalt  }
0x56: {  	_ =	shalt  }
0x57: {  	_ =	shalt  }
0x58: {  	_ =	shalt  }
0x59: {  	_ =	shalt  }
0x5a: {  	_ =	shalt  }
0x5b: {  	_ =	shalt  }
0x5c: {  	_ =	shalt  }
0x5d: {  	_ =	shalt  }
0x5e: {  	_ =	shalt  }
0x5f: {  	_ =	shalt  }
0x60: {  	_ =	shalt  }
0x61: {  	_ =	shalt  }
0x62: {  	_ =	shalt  }
0x63: {  	_ =	shalt  }
0x64: {  	_ =	shalt  }
0x65: {  	_ =	shalt  }
0x66: {  	_ =	shalt  }
0x67: {  	_ =	shalt  }
0x68: {  	_ =	shalt  }
0x69: {  	_ =	shalt  }
0x6a: {  	_ =	shalt  }
0x6b: {  	_ =	shalt  }
0x6c: {  	_ =	shalt  }
0x6d: {  	_ =	shalt  }
0x6e: {  	_ =	shalt  }
0x6f: {  	_ =	shalt  }
0x70: {  	_ =	shalt  }
0x71: {  	_ =	shalt  }
0x72: {  	_ =	shalt  }
0x73: {  	_ =	shalt  }
0x74: {  	_ =	shalt  }
0x75: {  	_ =	shalt  }
0x76: {  	_ =	shalt  }
0x77: {  	_ =	shalt  }
0x78: {  	_ =	shalt  }
0x79: {  	_ =	shalt  }
0x7a: {  	_ =	shalt  }
0x7b: {  	_ =	shalt  }
0x7c: {  	_ =	shalt  }
0x7d: {  	_ =	shalt  }
0x7e: {  	_ =	shalt  }
0x7f: {  	_ =	shalt  }
0x80: {  	_ =	shalt  }
0x81: {  	_ =	shalt  }
0x82: {  	_ =	shalt  }
0x83: {  	_ =	shalt  }
0x84: {  	_ =	shalt  }
0x85: {  	_ =	shalt  }
0x86: {  	_ =	shalt  }
0x87: {  	_ =	shalt  }
.Lfunc_end0:
.L_simem_size_0:
called_computation.1_lowered:
.L_overlay_start_0:
0x88: {  	s2 =	sld [smem:$0x3FD9]  }
0x89: {  	s3 =	sld [smem:$0x3FFE];
	_ =	sdelay $0x1  }
0x8a: {  	s1 =	srdreg.scid  }
0x8b: {  	s0 =	sand.u32 $0x1, s1  }
0x8c: {  	s17 =	sshll.u32 s0, $0xA;
	s2 =	sadd.s32 s3, s2  }
0x8d: {  	s2 =	sadd.s32 s2, s17  }
0x8e: {  	[smem:$0x3FC4] =	sst s2  }
0x8f: {  	_ = 	snop  }
0x90: {  	s18 =	sld [smem:$0x3FC9];
	(tm) =	ssettm $0x1  }
0x91: {  	s19 =	sld [smem:$0x3FFB];
	_ =	sdelay $0x3  }
0x92: {  	_ =	strace s19  }
0x93: {  	s2 =	sld [smem:$0x3FFC];
	_ =	sdelay $0x3  }
0x94: {  	_ =	strace s2  }
0x95: {  	s2 =	sld [smem:$0x3FFD];
	_ =	sdelay $0x3  }
0x96: {  	_ =	strace s2  }
0x97: {  	_ =	strace $0x8FFFFFFF  }
0x98: {  	s20 =	sld [smem:$0x3FDB];
	_ =	sdelay $0x1  }
0x99: {  	s4 =	simm.s32 $_scs_section_size  }
0x9a: {  	s5 =	simm.s32 $_size__tile_overlayer_lowered;
	s6 =	simm.s32 $_tile_overlayer_lowered  }
0x9b: {  	s7 =	simm.s32 $0x1BFF;
	s21 =	sshll.u32 s6, $0x1;
	s4 =	sadd.s32 s4, s20  }
0x9c: {  	s22 =	simm.s32 $0x0;
	s5 =	sshll.u32 s5, $0x1;
	s6 =	sadd.s32 s21, s4  }
0x9d: {  	[timem:s22], [sflag:s7] =	dma.local [hbm:s6], s5  }
0x9e: {  	_ =	swait.ge [sflag:s7], s5  }
0x9f: {  	s5 =	ssub.s32 $0x0, s5;
	[sflag:s7] =	ssyncset.done $0x0  }
0xa0: {  	[sflag:s7] =	ssyncadd.s32 s5;
	_ =	sdelay $0x1  }
0xa1: {  	s23 =	simm.s32 $0x1B8B  }
0xa2: {  	_ =	swait.ge [sflag:s23], $0x1  }
0xa3: {  	[sflag:s23] =	ssyncset.done $0x0  }
0xa4: {  	[sflag:s23] =	ssyncadd.s32 $0xFFFFFFFF  }
0xa5: {  	s5 =	sld [smem:$0x0]  }
0xa6: {  	s6 =	sand.u32 $0xFFFFFFFE, s1  }
0xa7: {  	p0 =	sne.s32 s1, s6  }
0xa8: {  	s6 =	sshll.u32 @p0 s6, $0xE  }
0xa9: {  	s6 =	sadd.s32 @p0 $0x11B8D, s6;
	s7 =	sshll.u32 @p0 s5, $0x11  }
0xaa: {  	s6 =	sor.u32 @p0 s7, s6  }
0xab: {  	[sflag:s6] =	ssyncadd.remote.s32 @p0 $0x1;
	_ =	sdelay $0x1  }
0xac: {  	s6 =	simm.s32 @p0 $0x1B8D  }
0xad: {  	_ =	swait.eq @p0 [sflag:s6], $0x1  }
0xae: {  	[sflag:s6] =	ssyncadd.s32 @p0 $0xFFFFFFFF  }
0xaf: {  	s7 =	sshll.u32 @!p0 s1, $0xE  }
0xb0: {  	s7 =	sor.u32 @!p0 $0x4000, s7;
	s6 =	simm.s32 @!p0 $0x1B8D  }
0xb1: {  	s5 =	sshll.u32 @!p0 s5, $0x11;
	s7 =	sadd.s32 @!p0 $0x11B8D, s7;
	_ =	swait.eq @!p0 [sflag:s6], $0x1  }
0xb2: {  	s5 =	sor.u32 @!p0 s5, s7;
	[sflag:s6] =	ssyncadd.s32 @!p0 $0xFFFFFFFF  }
0xb3: {  	s25 =	simm.s32 $0x1B8E;
	s24 =	sld [smem:$0x3FFE];
	[sflag:s5] =	ssyncadd.remote.s32 @!p0 $0x1  }
0xb4: {  	s26 =	simm.s32 $execute0_lowered;
	[smem:$0x3FD2] =	sst s25  }
0xb5: {  	s6 =	sshll.u32 s26, $0x1;
	_ =	strace $0x80000049;
	[dreg:$0x1] =	wrdreg $0xFFFFFFFF  }
0xb6: {  	s28 =	simm.s32 $_size_execute0_lowered;
	s4 =	sadd.s32 s4, s6;
	[dreg:$0x0] =	wrdreg $0x0  }
0xb7: {  	s6 =	sshll.u32 s28, $0x1;
	[dreg:$0x2] =	wrdreg s4  }
0xb8: {  	[dreg:$0x3] =	wrdreg s6  }
0xb9: {  	[dreg:$0x4] =	wrdreg $0xC0  }
0xba: {  	_ =	task [dreg:s22], $0x5FFFF  }
0xbb: {  	[dreg:$0x1] =	wrdreg $0xFFFFFFFF  }
0xbc: {  	[dreg:$0x0] =	wrdreg $0x60  }
0xbd: {  	[dreg:$0x2] =	wrdreg s18  }
0xbe: {  	[dreg:$0x3] =	wrdreg s24  }
0xbf: {  	[dreg:$0x4] =	wrdreg $0x9  }
0xc0: {  	_ =	task.clear_ibuf [dreg:s22], $0x5FFFF;
	_ =	strace $0x90000049  }
0xc1: {  	s29 =	simm.s32 $0x9;
	_ =	strace $0x8000004B  }
0xc2: {  	_ =	swait.ge [sflag:s29], $0x1  }
0xc3: {  	[sflag:s29] =	ssyncadd.s32 $0xFFFFFFFF  }
0xc4: {  	_ =	strace $0x9000004B  }
0xc5: {  	_ =	sfence  }
0xc6: {  	s30 =	sld [smem:$0x0];
	_ =	sdelay $0x2  }
0xc7: {  	s31 =	sshll.u32 s1, $0xD;
	s1 =	sshrl.u32 s1, $0x2  }
0xc8: {  	s4 =	sand.u32 $0x4000, s31;
	s1 =	sadd.s32 s1, s30  }
0xc9: {  	s0 =	sor.u32 s4, s0;
	s1 =	sshll.u32 s1, $0x11  }
0xca: {  	s0 =	sor.u32 s1, s0  }
0xcb: {  	s0 =	sadd.s32 $0x8F2B, s0  }
0xcc: {  	[sflag:s0] =	ssyncadd.remote.s32 $0x1  }
0xcd: {  	_ =	sfence.sel $0xFFFF  }
0xce: {  	[dreg:$0x0] =	wrdreg $0xFFFFFFFF;
	(pc) =	sbr.abs _section_cstart, $3  }
0xcf: {  	[dreg:$0x1] =	wrdreg $0xFFFFFFFF  }
0xd0: {  	_ =	task.clear_ibuf [dreg:s22], $0x2FFFF;
	_ =	strace $0x9FFFFFFF  }
0xd1: {  	(tm) =	ssettm $0x7FFFFFFF  }
tec
execute0_lowered:
.L_overlay_start_1:
0x0: {  	(tag) =	ssettag $0x1  }
0x1: {  	s1 =	srdreg.scid;
	s2 =	rddreg [dreg:$0x0]  }
0x2: {  	s0 =	stileid.u32;
	s5 =	rddreg [dreg:$0x1];
	s6 =	simm.s32 $0x1  }
0x3: {  	s9 =	simm.s32 $0x1;
	s10 =	simm.s32 $0x3;
	s1 =	sshll.u32 s1, $0x8  }
0x4: {  	s13 =	simm.s32 $0x0;
	s3 =	sshll.u32 s0, $0x9;
	s4 =	sand.u32 $0x100, s1  }
0x5: {  	s12 =	simm.s32 $0x0;
	s1 =	rddreg [dreg:$0x2];
	s3 =	sor.u32 s3, s4  }
0x6: {  	_ =	strace $0x8000004A;
	s4 =	sadd.s32 $0x200, s5;
	s8 =	ssub.s32 $0x4000, s3  }
.Ltmp0:
0x7: {  	s5 =	sadd.s32 $0x1200, s5;
	s7 =	sand.u32 $0x1F00, s8;
	(pc) =	sbr.rel .LBB2_1-.Ltmp0, $4  }
0x8: {  	[sflag:s6] =	ssyncpa.u1 $0x0;
	s11 =	smov.u32 s3;
	p0 =	sne.s32 s7, $0x0  }
0x9: {  	s8 =	sshrl.u32 s8, $0xD;
	s7 =	simm.s32 $0x2;
	s9 =	simm.s32 @!p0 $0x0  }
0xa: {  	[sflag:s7] =	ssyncpa.u1 $0x0;
	p0 =	por $0x0, $0x0;
	s8 =	sadd.s32 s9, s8  }
0xb: {  	vm0 =	vmmov $0xffff;
	[sflag:s10] =	ssyncpa.u1 $0x0;
	s10 =	simm.s32 $0x0;
	s9 =	sadd.s32 $0x1, s8  }
.LBB2_4:
0xc: {  	v2 =	vnsel vm1, $0x0, v2  }
0xd: {  	vm1 =	vgt.s32 v0, $0x0;
	v2 =	vmin.u32 v2, $0x3FFF  }
0xe: {  	v0 =	vnsel vm1, $0x0, v0  }
0xf: {  	v0 =	vmin.u32 v0, $0x3FFF  }
0x10: {  	[tilespmem:s15], [sflag:$0x1] =	stream.indirect_vreg.gather [hbm4b:s2+s10], $0x1, v1, vm0, $0x4038;
	[tilespmem:$0x400] =	vst v63  }
0x11: {  	(ifvalue) =	ssetifvalue $0x7FFFFFFF  }
0x12: {  	[tilespmem:s16], [sflag:$0x1] =	stream.indirect_vreg.gather [hbm4b:s2+s10], $0x1, v2, vm0, $0x4038;
	[tilespmem:$0x400] =	vst v63  }
0x13: {  	s29 =	sadd.s32 $0x10, s16;
	(ifvalue) =	ssetifvalue $0x7FFFFFFF  }
0x14: {  	[tilespmem:s29], [sflag:$0x1] =	stream.indirect_vreg.gather [hbm4b:s2+s10], $0x1, v0, vm0, $0x4038;
	[tilespmem:$0x400] =	vst v63  }
0x15: {  	_ =	swait.ge [sflag:s6], $0x100  }
0x16: {  	s30 =	sshrl.u32 s13, $0x3;
	[sflag:s6] =	ssyncset.done $0x0  }
0x17: {  	s31 =	sand.u32 $0x7, s13;
	s15 =	sadd.s32 s5, s30;
	[sflag:s6] =	ssyncadd.s32 $0xFFFFFF00  }
0x18: {  	[hbm4b:s15+s31] =	stream.linear.scatter [tilespmem:s14], [sflag:$0x3], $0x100, $0x38;
	[tilespmem:$0x400] =	vst v63  }
.LBB2_5:
0x19: {  	s15 =	sadd.s32 $0x2000, s11  }
0x1a: {  	p2 =	sgt.s32 s15, $0x3FFF  }
0x1b: {  	s15 =	smov.u32 @p2 s3;
	p2 =	sne.s32 s12, s9  }
.Ltmp1:
0x1c: {  	p1 =	slt.u32 s12, $0x2;
	(pc) =	sbr.rel @!p2 .LBB2_6-.Ltmp1, $4  }
0x1d: {  	s14 =	simm.s32 @!p1 $0x3  }
0x1e: {  	s16 =	sadd.s32 $0x1, s12;
	_ =	swait.ge @!p1 [sflag:s14], $0x100  }
0x1f: {  	s13 =	smov.u32 s11;
	p0 =	por !p0, !p0;
	[sflag:s14] =	ssyncset.done @!p1 $0x0  }
0x20: {  	s12 =	smov.u32 s16;
	s11 =	smov.u32 s15;
	[sflag:s14] =	ssyncadd.s32 @!p1 $0xFFFFFF00  }
.LBB2_1:
0x21: {  	p1 =	sge.u32 s12, s8  }
0x22: {  	s14 =	sxor.u32 @!p1 $0xFFFFFFFF, s12  }
0x23: {  	s31 =	sadd.s32 $0xFFFFFFFF, s12;
	s15 =	sshrl.u32 @!p1 s11, $0x3;
	s14 =	sshll.u32 @!p1 s14, $0x8  }
0x24: {  	s16 =	sand.u32 @!p1 $0x7, s11;
	s15 =	sadd.s32 @!p1 s4, s15;
	s14 =	sand.u32 @!p1 $0x100, s14  }
0x25: {  	[tilespmem:s14], [sflag:$0x2] =	stream.linear.gather @!p1 [hbm4b:s15+s16], $0x100, $0x38;
	[tilespmem:$0x400] =	vst v63  }
0x26: {  	p1 =	sge.u32 s31, s8  }
.Ltmp2:
0x27: {  	_ = 	snop;
	(pc) =	sbr.rel @p1 .LBB2_5-.Ltmp2, $1  }
0x28: {  	_ =	sdelay $0x3  }
0x29: {  	s14 =	simm.s32 $0x1  }
0x2a: {  	_ =	swait.ge [sflag:s7], $0x100;
	s14 =	simm.s32 @!p0 $0x0  }
0x2b: {  	[sflag:s7] =	ssyncset.done $0x0;
	s14 =	sshll.u32 s14, $0x8  }
0x2c: {  	[sflag:s7] =	ssyncadd.s32 $0xFFFFFF00;
	(ifvalue) =	ssetifvalue $0x7FFFFFFF;
	v0 =	vld.msk [tilespmem:s14+$0x0 ss:$0x1], $0xffff;
	_ =	sdelay $0x4  }
0x2d: {  	s15 =	sadd.s32 $0x10, s14;
	vm1 =	vgt.s32 v0, $0x0  }
0x2e: {  	v2 =	vld.msk [tilespmem:s15+$0x0 ss:$0x1], $0xffff;
	v1 =	vnsel vm1, $0x0, v0  }
0x2f: {  	v1 =	vmin.u32 v1, $0x3FFF;
	_ =	sdelay $0x1  }
0x30: {  	s16 =	sshll.u32 s12, $0x8;
	s18 =	simm.s32 $0x20  }
0x31: {  	s16 =	sand.u32 $0x100, s16;
	s17 =	sadd.s32 $0x10, s15;
	s15 =	sor.u32 $0x200, s14  }
0x32: {  	s14 =	sor.u32 $0x200, s16;
	s16 =	sadd.s32 $0x10, s15;
	v0 =	vld.msk [tilespmem:s17+$0x0 ss:$0x1], $0xffff;
	vm1 =	vgt.s32 v2, $0x0;
	(ifvalue) =	ssetifvalue $0x7FFFFFFF  }
.LBB2_3:
0x33: {  	[tilespmem:s15], [sflag:$0x1] =	stream.indirect_vreg.gather [hbm4b:s2+s10], $0x1, v1, vm0, $0x4038;
	[tilespmem:$0x400] =	vst v63  }
0x34: {  	s18 =	sadd.s32 $0x10, s18  }
0x35: {  	v2 =	vnsel vm1, $0x0, v2;
	p1 =	slt.u32 s18, $0xF0  }
.Ltmp3:
0x36: {  	s15 =	smov.u32 s16;
	v1 =	vmin.u32 v2, $0x3FFF;
	(pc) =	sbr.rel @p1 .LBB2_3-.Ltmp3, $3  }
0x37: {  	_ =	sdelay $0x1  }
0x38: {  	s17 =	sadd.s32 $0x10, s17  }
0x39: {  	vm1 =	vgt.s32 v0, $0x0;
	s16 =	sadd.s32 $0x10, s16;
	v2 =	vmov v0;
	(ifvalue) =	ssetifvalue $0x7FFFFFFF;
	v0 =	vld.msk [tilespmem:s17+$0x0 ss:$0x1], $0xffff  }
.Ltmp4:
0x3a: {  	_ = 	snop;
	(pc) =	sbr.rel .LBB2_4-.Ltmp4, $1  }
0x3b: {  	_ =	sdelay $0x3  }
.LBB2_6:
0x3c: {  	_ =	sfence.sel $0x180000  }
0x3d: {  	s2 =	simm.s32 $0x2;
	[bflag:$0x0] =	sbarrier.arrive $0xFFFF  }
0x3e: {  	s30 =	simm.s32 $0x3;
	[sflag:s2] =	ssyncpa.u1 $0x1  }
0x3f: {  	s31 =	simm.s32 $0x1;
	[sflag:s30] =	ssyncpa.u1 $0x1  }
0x40: {  	[sflag:s31] =	ssyncpa.u1 $0x1  }
0x41: {  	p0 =	sne.s32 s0, $0x0;
	_ =	strace $0x9000004A  }
0x42: {  	s0 =	sadd.s32 @!p0 $0x100000, s1;
	[bflag:$0x2] =	sbarrier.arrive $0xFFFF  }
0x43: {  	[sflag:s0] =	ssyncadd.tile.s32 @!p0 $0x1;
	_ =	shalt  }
.Lfunc_end2:
_tile_overlayer_lowered:
.L_overlay_start_2:
0x44: {  	(tag) =	ssettag $0x2  }
0x45: {  	s0 =	rddreg [dreg:$0x0];
	s2 =	stileid.u32  }
0x46: {  	s1 =	rddreg [dreg:$0x1];
	p0 =	sne.s32 s2, $0x0  }
0x47: {  	s3 =	rddreg [dreg:$0x2];
	[bflag:$0x3] =	sbarrier.arrive $0xFFFF;
	s2 =	simm.s32 @!p0 $0x1C01  }
0x48: {  	[timem:s3], [sflag:s2] =	dma.local @!p0 [hbm:s0], s1  }
0x49: {  	s0 =	simm.s32 @!p0 $0x1  }
0x4a: {  	_ =	swait.ge @!p0 [sflag:s0], s1  }
0x4b: {  	s1 =	ssub.s32 @!p0 $0x0, s1;
	[sflag:s0] =	ssyncset.done @!p0 $0x0  }
0x4c: {  	[sflag:s0] =	ssyncadd.s32 @!p0 s1  }
0x4d: {  	[bflag:$0x3] =	sbarrier.arrive $0xFFFF  }
0x4e: {  	_ =	shalt  }

// kernel: gather_offload_async_start.2
scs
__scs_entry_jumppad:
0x0: {  	(pc) =	sbr.rel $0x88, $3  }
0x1: {  	(tag) =	ssettag $0x0;
	lr =	simm.s32 $0x1  }
0x2: {  	[smem:$0x3F9D] =	sst lr;
	_ =	strace $0xD0000000  }
0x3: {  	_ = 	snop  }
0x4: {  	_ = 	snop  }
0x5: {  	_ = 	snop  }
0x6: {  	_ = 	snop  }
0x7: {  	_ = 	snop  }
__scs_overlays_trampoline_lowered:
0x8: {  	[smem:$0x3FAC] =	sst s0  }
0x9: {  	[smem:$0x3FAD] =	sst s1  }
0xa: {  	[smem:$0x3FAE] =	sst s2  }
0xb: {  	[smem:$0x3FAF] =	sst s3  }
0xc: {  	[smem:$0x3FB0] =	sst s4  }
0xd: {  	[smem:$0x3FB1] =	sst s5  }
0xe: {  	[smem:$0x3FB2] =	sst s6  }
0xf: {  	[smem:$0x3FB3] =	sst s7  }
0x10: {  	[smem:$0x3FB4] =	sst s8  }
0x11: {  	[smem:$0x3FB5] =	sst s9;
	s0 =	simm.s32 @!p0 $0x0  }
0x12: {  	s1 =	sld [smem:$0x3F9B];
	s0 =	simm.s32 @p0 $0x1  }
0x13: {  	[smem:$0x3FB6] =	sst s0;
	s0 =	simm.s32 @!p1 $0x0  }
0x14: {  	s2 =	sld [smem:$0x3F9A];
	s0 =	simm.s32 @p1 $0x1  }
0x15: {  	[smem:$0x3FB7] =	sst s0;
	s0 =	simm.s32 @!p2 $0x0  }
0x16: {  	s3 =	sld [smem:$0x3FDB];
	s0 =	simm.s32 @p2 $0x1  }
0x17: {  	s4 =	simm.s32 $0x1BF5;
	[smem:$0x3FB9] =	sst s0  }
0x18: {  	s0 =	sld [smem:$0x3F9C];
	_ =	swait.ge [sflag:s4], $0x0  }
0x19: {  	s7 =	sld [smem:$0x3F9D]  }
0x1a: {  	s8 =	sadd.s32 $0xFFFFE003, lr  }
0x1b: {  	s9 =	sadd.s32 $0xFFFFFEF7, lr;
	s5 =	simm.s32 $0xFFFFFFFF;
	p2 =	slt.u32 s8, $0xFFFFF086  }
0x1c: {  	p1 =	slt.u32 s9, $0xF7A;
	s5 =	simm.s32 @!p2 $0x0  }
0x1d: {  	s5 =	simm.s32 @p1 $0x1;
	p0 =	seq.s32 s7, s2  }
0x1e: {  	s7 =	smul.u32 @!p0 $0xF7A, s2;
	p2 =	seq.s32 @!p0 s5, $0x0  }
0x1f: {  	s9 =	smul.u32 $0xF7A, s1;
	s8 =	simm.s32 @!p0 $0x1BF5;
	p2 =	por !p2, p0  }
0x20: {  	[sflag:s8] =	ssyncset.s32 @!p0 $0xFFFFF086;
	s6 =	sadd.s32 @!p0 s3, s7;
	s7 =	simm.s32 @!p0 $0x108  }
0x21: {  	s3 =	sadd.s32 s3, s9;
	s6 =	sadd.s32 @!p0 $0x88, s6;
	s7 =	simm.s32 @p2 $0x1082  }
0x22: {  	[simem:s7], [sflag:s8] =	dma.local @!p0 [hbm:s6], $0xF7A  }
0x23: {  	s9 =	sor.u32 $0xD0000000, s2;
	s6 =	simm.s32 $0x108;
	_ =	swait.ge @!p0 [sflag:s8], $0x0  }
0x24: {  	s3 =	sadd.s32 $0x88, s3;
	s6 =	simm.s32 @!p1 $0x1082;
	[sflag:s4] =	ssyncset.s32 $0xFFFFF086  }
0x25: {  	[simem:s6], [sflag:s4] =	dma.local [hbm:s3], $0xF7A  }
0x26: {  	[smem:$0x3F9D] =	sst s1;
	(tag) =	ssettag s2;
	_ =	strace s9  }
0x27: {  	s1 =	sld [smem:$0x3FAD]  }
0x28: {  	s2 =	sld [smem:$0x3FAE]  }
0x29: {  	s4 =	sld [smem:$0x3FB0]  }
0x2a: {  	p0 =	seq.s32 s5, $0x0;
	s5 =	sld [smem:$0x3FB1]  }
0x2b: {  	s6 =	sld [smem:$0x3FB2]  }
0x2c: {  	s7 =	sld [smem:$0x3FB3]  }
0x2d: {  	s3 =	simm.s32 $0x108;
	s8 =	sld [smem:$0x3FB4]  }
0x2e: {  	s3 =	simm.s32 @!p0 $0x1082;
	s9 =	sld [smem:$0x3FB5]  }
0x2f: {  	lr =	sadd.s32 s0, s3;
	s0 =	sld [smem:$0x3FAC]  }
0x30: {  	s3 =	sld [smem:$0x3FAF]  }
0x31: {  	[smem:$0x3FB8] =	sst s10  }
0x32: {  	s10 =	sld [smem:$0x3FB6];
	_ =	sdelay $0x3  }
0x33: {  	p0 =	seq.s32 s10, $0x1;
	s10 =	sld [smem:$0x3FB8];
	_ =	sdelay $0x3  }
0x34: {  	[smem:$0x3FB8] =	sst s10  }
0x35: {  	s10 =	sld [smem:$0x3FB7];
	_ =	sdelay $0x3  }
0x36: {  	p1 =	seq.s32 s10, $0x1;
	s10 =	sld [smem:$0x3FB8];
	_ =	sdelay $0x3  }
0x37: {  	[smem:$0x3FB8] =	sst s10  }
0x38: {  	s10 =	sld [smem:$0x3FB9]  }
0x39: {  	_ = 	snop;
	(pc) =	sbr.ind lr, $3  }
0x3a: {  	_ = 	snop  }
0x3b: {  	_ = 	snop  }
0x3c: {  	p2 =	seq.s32 s10, $0x1;
	s10 =	sld [smem:$0x3FB8]  }
0x3d: {  	_ =	shalt  }
0x3e: {  	_ =	shalt  }
0x3f: {  	_ =	shalt  }
0x40: {  	_ =	shalt  }
0x41: {  	_ =	shalt  }
0x42: {  	_ =	shalt  }
0x43: {  	_ =	shalt  }
0x44: {  	_ =	shalt  }
0x45: {  	_ =	shalt  }
0x46: {  	_ =	shalt  }
0x47: {  	_ =	shalt  }
0x48: {  	_ =	shalt  }
0x49: {  	_ =	shalt  }
0x4a: {  	_ =	shalt  }
0x4b: {  	_ =	shalt  }
0x4c: {  	_ =	shalt  }
0x4d: {  	_ =	shalt  }
0x4e: {  	_ =	shalt  }
0x4f: {  	_ =	shalt  }
0x50: {  	_ =	shalt  }
0x51: {  	_ =	shalt  }
0x52: {  	_ =	shalt  }
0x53: {  	_ =	shalt  }
0x54: {  	_ =	shalt  }
0x55: {  	_ =	shalt  }
0x56: {  	_ =	shalt  }
0x57: {  	_ =	shalt  }
0x58: {  	_ =	shalt  }
0x59: {  	_ =	shalt  }
0x5a: {  	_ =	shalt  }
0x5b: {  	_ =	shalt  }
0x5c: {  	_ =	shalt  }
0x5d: {  	_ =	shalt  }
0x5e: {  	_ =	shalt  }
0x5f: {  	_ =	shalt  }
0x60: {  	_ =	shalt  }
0x61: {  	_ =	shalt  }
0x62: {  	_ =	shalt  }
0x63: {  	_ =	shalt  }
0x64: {  	_ =	shalt  }
0x65: {  	_ =	shalt  }
0x66: {  	_ =	shalt  }
0x67: {  	_ =	shalt  }
0x68: {  	_ =	shalt  }
0x69: {  	_ =	shalt  }
0x6a: {  	_ =	shalt  }
0x6b: {  	_ =	shalt  }
0x6c: {  	_ =	shalt  }
0x6d: {  	_ =	shalt  }
0x6e: {  	_ =	shalt  }
0x6f: {  	_ =	shalt  }
0x70: {  	_ =	shalt  }
0x71: {  	_ =	shalt  }
0x72: {  	_ =	shalt  }
0x73: {  	_ =	shalt  }
0x74: {  	_ =	shalt  }
0x75: {  	_ =	shalt  }
0x76: {  	_ =	shalt  }
0x77: {  	_ =	shalt  }
0x78: {  	_ =	shalt  }
0x79: {  	_ =	shalt  }
0x7a: {  	_ =	shalt  }
0x7b: {  	_ =	shalt  }
0x7c: {  	_ =	shalt  }
0x7d: {  	_ =	shalt  }
0x7e: {  	_ =	shalt  }
0x7f: {  	_ =	shalt  }
0x80: {  	_ =	shalt  }
0x81: {  	_ =	shalt  }
0x82: {  	_ =	shalt  }
0x83: {  	_ =	shalt  }
0x84: {  	_ =	shalt  }
0x85: {  	_ =	shalt  }
0x86: {  	_ =	shalt  }
0x87: {  	_ =	shalt  }
.Lfunc_end0:
.L_simem_size_0:
called_computation.2_lowered:
.L_overlay_start_0:
0x88: {  	s2 =	sld [smem:$0x3FD9]  }
0x89: {  	s3 =	sld [smem:$0x3FFE];
	_ =	sdelay $0x1  }
0x8a: {  	s1 =	srdreg.scid  }
0x8b: {  	s0 =	sand.u32 $0x1, s1  }
0x8c: {  	s17 =	sshll.u32 s0, $0xA;
	s2 =	sadd.s32 s3, s2  }
0x8d: {  	s2 =	sadd.s32 s2, s17  }
0x8e: {  	[smem:$0x3FC4] =	sst s2  }
0x8f: {  	_ = 	snop  }
0x90: {  	s2 =	sld [smem:$0x3FC8];
	(tm) =	ssettm $0x1  }
0x91: {  	s18 =	sld [smem:$0x3FFB];
	_ =	sdelay $0x3  }
0x92: {  	_ =	strace s18  }
0x93: {  	s3 =	sld [smem:$0x3FFC];
	_ =	sdelay $0x3  }
0x94: {  	_ =	strace s3  }
0x95: {  	s3 =	sld [smem:$0x3FFD];
	_ =	sdelay $0x3  }
0x96: {  	_ =	strace s3  }
0x97: {  	_ =	strace $0x8FFFFFFF  }
0x98: {  	s19 =	sld [smem:$0x3FDB];
	_ =	sdelay $0x1  }
0x99: {  	s4 =	simm.s32 $_scs_section_size  }
0x9a: {  	s5 =	simm.s32 $_size__tile_overlayer_lowered;
	s6 =	simm.s32 $_tile_overlayer_lowered  }
0x9b: {  	s22 =	simm.s32 $0x1BFF;
	s21 =	sshll.u32 s6, $0x1;
	s3 =	sadd.s32 s4, s19  }
0x9c: {  	s7 =	simm.s32 $0x0;
	s20 =	sshll.u32 s5, $0x1;
	s5 =	sadd.s32 s21, s3  }
0x9d: {  	[timem:s7], [sflag:s22] =	dma.local [hbm:s5], s20  }
0x9e: {  	_ =	swait.ge [sflag:s22], s20  }
0x9f: {  	s4 =	ssub.s32 $0x0, s20;
	[sflag:s22] =	ssyncset.done $0x0  }
0xa0: {  	[sflag:s22] =	ssyncadd.s32 s4;
	_ =	sdelay $0x1  }
0xa1: {  	s23 =	simm.s32 $0x1B8B  }
0xa2: {  	_ =	swait.ge [sflag:s23], $0x1  }
0xa3: {  	[sflag:s23] =	ssyncset.done $0x0  }
0xa4: {  	s25 =	simm.s32 $0x1B8E;
	s24 =	sld [smem:$0x3FFE];
	[sflag:s23] =	ssyncadd.s32 $0xFFFFFFFF  }
0xa5: {  	s26 =	simm.s32 $execute0_lowered;
	[smem:$0x3FD2] =	sst s25  }
0xa6: {  	s5 =	sshll.u32 s26, $0x1;
	_ =	strace $0x80000046;
	[dreg:$0x1] =	wrdreg $0xFFFFFFFF  }
0xa7: {  	s28 =	simm.s32 $_size_execute0_lowered;
	s3 =	sadd.s32 s3, s5;
	[dreg:$0x0] =	wrdreg $0x0  }
0xa8: {  	s5 =	sshll.u32 s28, $0x1;
	[dreg:$0x2] =	wrdreg s3  }
0xa9: {  	[dreg:$0x3] =	wrdreg s5  }
0xaa: {  	[dreg:$0x4] =	wrdreg $0xC0  }
0xab: {  	_ =	task [dreg:s7], $0x5FFFF  }
0xac: {  	[dreg:$0x1] =	wrdreg $0xFFFFFFFF  }
0xad: {  	[dreg:$0x0] =	wrdreg $0x60  }
0xae: {  	[dreg:$0x2] =	wrdreg s2  }
0xaf: {  	[dreg:$0x3] =	wrdreg s24  }
0xb0: {  	[dreg:$0x4] =	wrdreg $0xA  }
0xb1: {  	_ =	task.clear_ibuf [dreg:s7], $0x5FFFF;
	_ =	strace $0x90000046  }
0xb2: {  	s29 =	simm.s32 $0xA;
	_ =	strace $0x80000048  }
0xb3: {  	_ =	swait.ge [sflag:s29], $0x1  }
0xb4: {  	[sflag:s29] =	ssyncadd.s32 $0xFFFFFFFF  }
0xb5: {  	_ =	strace $0x90000048  }
0xb6: {  	_ =	sfence  }
0xb7: {  	s30 =	sld [smem:$0x0];
	_ =	sdelay $0x2  }
0xb8: {  	s31 =	sshll.u32 s1, $0xD;
	s1 =	sshrl.u32 s1, $0x2  }
0xb9: {  	s3 =	sand.u32 $0x4000, s31;
	s1 =	sadd.s32 s1, s30  }
0xba: {  	s0 =	sor.u32 s3, s0;
	s1 =	sshll.u32 s1, $0x11  }
0xbb: {  	s0 =	sor.u32 s1, s0  }
0xbc: {  	s0 =	sadd.s32 $0x8F2B, s0  }
0xbd: {  	[sflag:s0] =	ssyncadd.remote.s32 $0x1  }
0xbe: {  	_ =	sfence.sel $0xFFFF  }
0xbf: {  	[dreg:$0x0] =	wrdreg $0xFFFFFFFF;
	(pc) =	sbr.abs _section_cstart, $3  }
0xc0: {  	[dreg:$0x1] =	wrdreg $0xFFFFFFFF  }
0xc1: {  	_ =	task.clear_ibuf [dreg:s7], $0x2FFFF;
	_ =	strace $0x9FFFFFFF  }
0xc2: {  	(tm) =	ssettm $0x7FFFFFFF  }
0xc3: {  	_ =	shalt  }
tec
execute0_lowered:
.L_overlay_start_1:
0x0: {  	(tag) =	ssettag $0x1  }
0x1: {  	s1 =	srdreg.scid;
	s2 =	rddreg [dreg:$0x0]  }
0x2: {  	s0 =	stileid.u32;
	s5 =	rddreg [dreg:$0x1];
	s6 =	simm.s32 $0x1  }
0x3: {  	s9 =	simm.s32 $0x1;
	s10 =	simm.s32 $0x3;
	s1 =	sshll.u32 s1, $0x8  }
0x4: {  	s13 =	simm.s32 $0x0;
	s3 =	sshll.u32 s0, $0x9;
	s4 =	sand.u32 $0x100, s1  }
0x5: {  	s12 =	simm.s32 $0x0;
	s1 =	rddreg [dreg:$0x2];
	s3 =	sor.u32 s3, s4  }
0x6: {  	_ =	strace $0x80000047;
	s4 =	sadd.s32 $0x200, s5;
	s8 =	ssub.s32 $0x4000, s3  }
.Ltmp0:
0x7: {  	s5 =	sadd.s32 $0xA00, s5;
	s7 =	sand.u32 $0x1F00, s8;
	(pc) =	sbr.rel .LBB2_1-.Ltmp0, $4  }
0x8: {  	[sflag:s6] =	ssyncpa.u1 $0x0;
	s11 =	smov.u32 s3;
	p0 =	sne.s32 s7, $0x0  }
0x9: {  	s8 =	sshrl.u32 s8, $0xD;
	s7 =	simm.s32 $0x2;
	s9 =	simm.s32 @!p0 $0x0  }
0xa: {  	[sflag:s7] =	ssyncpa.u1 $0x0;
	p0 =	por $0x0, $0x0;
	s8 =	sadd.s32 s9, s8  }
0xb: {  	vm0 =	vmmov $0xffff;
	[sflag:s10] =	ssyncpa.u1 $0x0;
	s10 =	simm.s32 $0x0;
	s9 =	sadd.s32 $0x1, s8  }
.LBB2_4:
0xc: {  	v2 =	vnsel vm1, $0x0, v2  }
0xd: {  	vm1 =	vgt.s32 v0, $0x0;
	v2 =	vmin.u32 v2, $0x3FFF  }
0xe: {  	v0 =	vnsel vm1, $0x0, v0  }
0xf: {  	v0 =	vmin.u32 v0, $0x3FFF  }
0x10: {  	[tilespmem:s15], [sflag:$0x1] =	stream.indirect_vreg.gather [hbm4b:s2+s10], $0x1, v1, vm0, $0x4038;
	[tilespmem:$0x400] =	vst v63  }
0x11: {  	(ifvalue) =	ssetifvalue $0x7FFFFFFF  }
0x12: {  	[tilespmem:s16], [sflag:$0x1] =	stream.indirect_vreg.gather [hbm4b:s2+s10], $0x1, v2, vm0, $0x4038;
	[tilespmem:$0x400] =	vst v63  }
0x13: {  	s29 =	sadd.s32 $0x10, s16;
	(ifvalue) =	ssetifvalue $0x7FFFFFFF  }
0x14: {  	[tilespmem:s29], [sflag:$0x1] =	stream.indirect_vreg.gather [hbm4b:s2+s10], $0x1, v0, vm0, $0x4038;
	[tilespmem:$0x400] =	vst v63  }
0x15: {  	_ =	swait.ge [sflag:s6], $0x100  }
0x16: {  	s30 =	sshrl.u32 s13, $0x3;
	[sflag:s6] =	ssyncset.done $0x0  }
0x17: {  	s31 =	sand.u32 $0x7, s13;
	s15 =	sadd.s32 s5, s30;
	[sflag:s6] =	ssyncadd.s32 $0xFFFFFF00  }
0x18: {  	[hbm4b:s15+s31] =	stream.linear.scatter [tilespmem:s14], [sflag:$0x3], $0x100, $0x38;
	[tilespmem:$0x400] =	vst v63  }
.LBB2_5:
0x19: {  	s15 =	sadd.s32 $0x2000, s11  }
0x1a: {  	p2 =	sgt.s32 s15, $0x3FFF  }
0x1b: {  	s15 =	smov.u32 @p2 s3;
	p2 =	sne.s32 s12, s9  }
.Ltmp1:
0x1c: {  	p1 =	slt.u32 s12, $0x2;
	(pc) =	sbr.rel @!p2 .LBB2_6-.Ltmp1, $4  }
0x1d: {  	s14 =	simm.s32 @!p1 $0x3  }
0x1e: {  	s16 =	sadd.s32 $0x1, s12;
	_ =	swait.ge @!p1 [sflag:s14], $0x100  }
0x1f: {  	s13 =	smov.u32 s11;
	p0 =	por !p0, !p0;
	[sflag:s14] =	ssyncset.done @!p1 $0x0  }
0x20: {  	s12 =	smov.u32 s16;
	s11 =	smov.u32 s15;
	[sflag:s14] =	ssyncadd.s32 @!p1 $0xFFFFFF00  }
.LBB2_1:
0x21: {  	p1 =	sge.u32 s12, s8  }
0x22: {  	s14 =	sxor.u32 @!p1 $0xFFFFFFFF, s12  }
0x23: {  	s31 =	sadd.s32 $0xFFFFFFFF, s12;
	s15 =	sshrl.u32 @!p1 s11, $0x3;
	s14 =	sshll.u32 @!p1 s14, $0x8  }
0x24: {  	s16 =	sand.u32 @!p1 $0x7, s11;
	s15 =	sadd.s32 @!p1 s4, s15;
	s14 =	sand.u32 @!p1 $0x100, s14  }
0x25: {  	[tilespmem:s14], [sflag:$0x2] =	stream.linear.gather @!p1 [hbm4b:s15+s16], $0x100, $0x38;
	[tilespmem:$0x400] =	vst v63  }
0x26: {  	p1 =	sge.u32 s31, s8  }
.Ltmp2:
0x27: {  	_ = 	snop;
	(pc) =	sbr.rel @p1 .LBB2_5-.Ltmp2, $1  }
0x28: {  	_ =	sdelay $0x3  }
0x29: {  	s14 =	simm.s32 $0x1  }
0x2a: {  	_ =	swait.ge [sflag:s7], $0x100;
	s14 =	simm.s32 @!p0 $0x0  }
0x2b: {  	[sflag:s7] =	ssyncset.done $0x0;
	s14 =	sshll.u32 s14, $0x8  }
0x2c: {  	[sflag:s7] =	ssyncadd.s32 $0xFFFFFF00;
	(ifvalue) =	ssetifvalue $0x7FFFFFFF;
	v0 =	vld.msk [tilespmem:s14+$0x0 ss:$0x1], $0xffff;
	_ =	sdelay $0x4  }
0x2d: {  	s15 =	sadd.s32 $0x10, s14;
	vm1 =	vgt.s32 v0, $0x0  }
0x2e: {  	v2 =	vld.msk [tilespmem:s15+$0x0 ss:$0x1], $0xffff;
	v1 =	vnsel vm1, $0x0, v0  }
0x2f: {  	v1 =	vmin.u32 v1, $0x3FFF;
	_ =	sdelay $0x1  }
0x30: {  	s16 =	sshll.u32 s12, $0x8;
	s18 =	simm.s32 $0x20  }
0x31: {  	s16 =	sand.u32 $0x100, s16;
	s17 =	sadd.s32 $0x10, s15;
	s15 =	sor.u32 $0x200, s14  }
0x32: {  	s14 =	sor.u32 $0x200, s16;
	s16 =	sadd.s32 $0x10, s15;
	v0 =	vld.msk [tilespmem:s17+$0x0 ss:$0x1], $0xffff;
	vm1 =	vgt.s32 v2, $0x0;
	(ifvalue) =	ssetifvalue $0x7FFFFFFF  }
.LBB2_3:
0x33: {  	[tilespmem:s15], [sflag:$0x1] =	stream.indirect_vreg.gather [hbm4b:s2+s10], $0x1, v1, vm0, $0x4038;
	[tilespmem:$0x400] =	vst v63  }
0x34: {  	s18 =	sadd.s32 $0x10, s18  }
0x35: {  	v2 =	vnsel vm1, $0x0, v2;
	p1 =	slt.u32 s18, $0xF0  }
.Ltmp3:
0x36: {  	s15 =	smov.u32 s16;
	v1 =	vmin.u32 v2, $0x3FFF;
	(pc) =	sbr.rel @p1 .LBB2_3-.Ltmp3, $3  }
0x37: {  	_ =	sdelay $0x1  }
0x38: {  	s17 =	sadd.s32 $0x10, s17  }
0x39: {  	vm1 =	vgt.s32 v0, $0x0;
	s16 =	sadd.s32 $0x10, s16;
	v2 =	vmov v0;
	(ifvalue) =	ssetifvalue $0x7FFFFFFF;
	v0 =	vld.msk [tilespmem:s17+$0x0 ss:$0x1], $0xffff  }
.Ltmp4:
0x3a: {  	_ = 	snop;
	(pc) =	sbr.rel .LBB2_4-.Ltmp4, $1  }
0x3b: {  	_ =	sdelay $0x3  }
.LBB2_6:
0x3c: {  	_ =	sfence.sel $0x180000  }
0x3d: {  	s2 =	simm.s32 $0x2;
	[bflag:$0x0] =	sbarrier.arrive $0xFFFF  }
0x3e: {  	s30 =	simm.s32 $0x3;
	[sflag:s2] =	ssyncpa.u1 $0x1  }
0x3f: {  	s31 =	simm.s32 $0x1;
	[sflag:s30] =	ssyncpa.u1 $0x1  }
0x40: {  	[sflag:s31] =	ssyncpa.u1 $0x1  }
0x41: {  	p0 =	sne.s32 s0, $0x0;
	_ =	strace $0x90000047  }
0x42: {  	s0 =	sadd.s32 @!p0 $0x100000, s1;
	[bflag:$0x2] =	sbarrier.arrive $0xFFFF  }
0x43: {  	[sflag:s0] =	ssyncadd.tile.s32 @!p0 $0x1;
	_ =	shalt  }
.Lfunc_end2:
_tile_overlayer_lowered:
.L_overlay_start_2:
0x44: {  	(tag) =	ssettag $0x2  }
0x45: {  	s0 =	rddreg [dreg:$0x0];
	s2 =	stileid.u32  }
0x46: {  	s1 =	rddreg [dreg:$0x1];
	p0 =	sne.s32 s2, $0x0  }
0x47: {  	s3 =	rddreg [dreg:$0x2];
	[bflag:$0x3] =	sbarrier.arrive $0xFFFF;
	s2 =	simm.s32 @!p0 $0x1C01  }
0x48: {  	[timem:s3], [sflag:s2] =	dma.local @!p0 [hbm:s0], s1  }
0x49: {  	s0 =	simm.s32 @!p0 $0x1  }
0x4a: {  	_ =	swait.ge @!p0 [sflag:s0], s1  }
0x4b: {  	s1 =	ssub.s32 @!p0 $0x0, s1;
	[sflag:s0] =	ssyncset.done @!p0 $0x0  }
0x4c: {  	[sflag:s0] =	ssyncadd.s32 @!p0 s1  }
0x4d: {  	[bflag:$0x3] =	sbarrier.arrive $0xFFFF  }
0x4e: {  	_ =	shalt  }

// kernel: gather_offload_async_start
scs
__scs_entry_jumppad:
0x0: {  	(pc) =	sbr.rel $0x88, $3  }
0x1: {  	(tag) =	ssettag $0x0;
	lr =	simm.s32 $0x1  }
0x2: {  	[smem:$0x3F9D] =	sst lr;
	_ =	strace $0xD0000000  }
0x3: {  	_ = 	snop  }
0x4: {  	_ = 	snop  }
0x5: {  	_ = 	snop  }
0x6: {  	_ = 	snop  }
0x7: {  	_ = 	snop  }
__scs_overlays_trampoline_lowered:
0x8: {  	[smem:$0x3FAC] =	sst s0  }
0x9: {  	[smem:$0x3FAD] =	sst s1  }
0xa: {  	[smem:$0x3FAE] =	sst s2  }
0xb: {  	[smem:$0x3FAF] =	sst s3  }
0xc: {  	[smem:$0x3FB0] =	sst s4  }
0xd: {  	[smem:$0x3FB1] =	sst s5  }
0xe: {  	[smem:$0x3FB2] =	sst s6  }
0xf: {  	[smem:$0x3FB3] =	sst s7  }
0x10: {  	[smem:$0x3FB4] =	sst s8  }
0x11: {  	[smem:$0x3FB5] =	sst s9;
	s0 =	simm.s32 @!p0 $0x0  }
0x12: {  	s1 =	sld [smem:$0x3F9B];
	s0 =	simm.s32 @p0 $0x1  }
0x13: {  	[smem:$0x3FB6] =	sst s0;
	s0 =	simm.s32 @!p1 $0x0  }
0x14: {  	s2 =	sld [smem:$0x3F9A];
	s0 =	simm.s32 @p1 $0x1  }
0x15: {  	[smem:$0x3FB7] =	sst s0;
	s0 =	simm.s32 @!p2 $0x0  }
0x16: {  	s3 =	sld [smem:$0x3FDB];
	s0 =	simm.s32 @p2 $0x1  }
0x17: {  	s4 =	simm.s32 $0x1BF5;
	[smem:$0x3FB9] =	sst s0  }
0x18: {  	s0 =	sld [smem:$0x3F9C];
	_ =	swait.ge [sflag:s4], $0x0  }
0x19: {  	s7 =	sld [smem:$0x3F9D]  }
0x1a: {  	s8 =	sadd.s32 $0xFFFFE003, lr  }
0x1b: {  	s9 =	sadd.s32 $0xFFFFFEF7, lr;
	s5 =	simm.s32 $0xFFFFFFFF;
	p2 =	slt.u32 s8, $0xFFFFF086  }
0x1c: {  	p1 =	slt.u32 s9, $0xF7A;
	s5 =	simm.s32 @!p2 $0x0  }
0x1d: {  	s5 =	simm.s32 @p1 $0x1;
	p0 =	seq.s32 s7, s2  }
0x1e: {  	s7 =	smul.u32 @!p0 $0xF7A, s2;
	p2 =	seq.s32 @!p0 s5, $0x0  }
0x1f: {  	s9 =	smul.u32 $0xF7A, s1;
	s8 =	simm.s32 @!p0 $0x1BF5;
	p2 =	por !p2, p0  }
0x20: {  	[sflag:s8] =	ssyncset.s32 @!p0 $0xFFFFF086;
	s6 =	sadd.s32 @!p0 s3, s7;
	s7 =	simm.s32 @!p0 $0x108  }
0x21: {  	s3 =	sadd.s32 s3, s9;
	s6 =	sadd.s32 @!p0 $0x88, s6;
	s7 =	simm.s32 @p2 $0x1082  }
0x22: {  	[simem:s7], [sflag:s8] =	dma.local @!p0 [hbm:s6], $0xF7A  }
0x23: {  	s9 =	sor.u32 $0xD0000000, s2;
	s6 =	simm.s32 $0x108;
	_ =	swait.ge @!p0 [sflag:s8], $0x0  }
0x24: {  	s3 =	sadd.s32 $0x88, s3;
	s6 =	simm.s32 @!p1 $0x1082;
	[sflag:s4] =	ssyncset.s32 $0xFFFFF086  }
0x25: {  	[simem:s6], [sflag:s4] =	dma.local [hbm:s3], $0xF7A  }
0x26: {  	[smem:$0x3F9D] =	sst s1;
	(tag) =	ssettag s2;
	_ =	strace s9  }
0x27: {  	s1 =	sld [smem:$0x3FAD]  }
0x28: {  	s2 =	sld [smem:$0x3FAE]  }
0x29: {  	s4 =	sld [smem:$0x3FB0]  }
0x2a: {  	p0 =	seq.s32 s5, $0x0;
	s5 =	sld [smem:$0x3FB1]  }
0x2b: {  	s6 =	sld [smem:$0x3FB2]  }
0x2c: {  	s7 =	sld [smem:$0x3FB3]  }
0x2d: {  	s3 =	simm.s32 $0x108;
	s8 =	sld [smem:$0x3FB4]  }
0x2e: {  	s3 =	simm.s32 @!p0 $0x1082;
	s9 =	sld [smem:$0x3FB5]  }
0x2f: {  	lr =	sadd.s32 s0, s3;
	s0 =	sld [smem:$0x3FAC]  }
0x30: {  	s3 =	sld [smem:$0x3FAF]  }
0x31: {  	[smem:$0x3FB8] =	sst s10  }
0x32: {  	s10 =	sld [smem:$0x3FB6];
	_ =	sdelay $0x3  }
0x33: {  	p0 =	seq.s32 s10, $0x1;
	s10 =	sld [smem:$0x3FB8];
	_ =	sdelay $0x3  }
0x34: {  	[smem:$0x3FB8] =	sst s10  }
0x35: {  	s10 =	sld [smem:$0x3FB7];
	_ =	sdelay $0x3  }
0x36: {  	p1 =	seq.s32 s10, $0x1;
	s10 =	sld [smem:$0x3FB8];
	_ =	sdelay $0x3  }
0x37: {  	[smem:$0x3FB8] =	sst s10  }
0x38: {  	s10 =	sld [smem:$0x3FB9]  }
0x39: {  	_ = 	snop;
	(pc) =	sbr.ind lr, $3  }
0x3a: {  	_ = 	snop  }
0x3b: {  	_ = 	snop  }
0x3c: {  	p2 =	seq.s32 s10, $0x1;
	s10 =	sld [smem:$0x3FB8]  }
0x3d: {  	_ =	shalt  }
0x3e: {  	_ =	shalt  }
0x3f: {  	_ =	shalt  }
0x40: {  	_ =	shalt  }
0x41: {  	_ =	shalt  }
0x42: {  	_ =	shalt  }
0x43: {  	_ =	shalt  }
0x44: {  	_ =	shalt  }
0x45: {  	_ =	shalt  }
0x46: {  	_ =	shalt  }
0x47: {  	_ =	shalt  }
0x48: {  	_ =	shalt  }
0x49: {  	_ =	shalt  }
0x4a: {  	_ =	shalt  }
0x4b: {  	_ =	shalt  }
0x4c: {  	_ =	shalt  }
0x4d: {  	_ =	shalt  }
0x4e: {  	_ =	shalt  }
0x4f: {  	_ =	shalt  }
0x50: {  	_ =	shalt  }
0x51: {  	_ =	shalt  }
0x52: {  	_ =	shalt  }
0x53: {  	_ =	shalt  }
0x54: {  	_ =	shalt  }
0x55: {  	_ =	shalt  }
0x56: {  	_ =	shalt  }
0x57: {  	_ =	shalt  }
0x58: {  	_ =	shalt  }
0x59: {  	_ =	shalt  }
0x5a: {  	_ =	shalt  }
0x5b: {  	_ =	shalt  }
0x5c: {  	_ =	shalt  }
0x5d: {  	_ =	shalt  }
0x5e: {  	_ =	shalt  }
0x5f: {  	_ =	shalt  }
0x60: {  	_ =	shalt  }
0x61: {  	_ =	shalt  }
0x62: {  	_ =	shalt  }
0x63: {  	_ =	shalt  }
0x64: {  	_ =	shalt  }
0x65: {  	_ =	shalt  }
0x66: {  	_ =	shalt  }
0x67: {  	_ =	shalt  }
0x68: {  	_ =	shalt  }
0x69: {  	_ =	shalt  }
0x6a: {  	_ =	shalt  }
0x6b: {  	_ =	shalt  }
0x6c: {  	_ =	shalt  }
0x6d: {  	_ =	shalt  }
0x6e: {  	_ =	shalt  }
0x6f: {  	_ =	shalt  }
0x70: {  	_ =	shalt  }
0x71: {  	_ =	shalt  }
0x72: {  	_ =	shalt  }
0x73: {  	_ =	shalt  }
0x74: {  	_ =	shalt  }
0x75: {  	_ =	shalt  }
0x76: {  	_ =	shalt  }
0x77: {  	_ =	shalt  }
0x78: {  	_ =	shalt  }
0x79: {  	_ =	shalt  }
0x7a: {  	_ =	shalt  }
0x7b: {  	_ =	shalt  }
0x7c: {  	_ =	shalt  }
0x7d: {  	_ =	shalt  }
0x7e: {  	_ =	shalt  }
0x7f: {  	_ =	shalt  }
0x80: {  	_ =	shalt  }
0x81: {  	_ =	shalt  }
0x82: {  	_ =	shalt  }
0x83: {  	_ =	shalt  }
0x84: {  	_ =	shalt  }
0x85: {  	_ =	shalt  }
0x86: {  	_ =	shalt  }
0x87: {  	_ =	shalt  }
.Lfunc_end0:
.L_simem_size_0:
called_computation_lowered:
.L_overlay_start_0:
0x88: {  	s2 =	sld [smem:$0x3FD9]  }
0x89: {  	s3 =	sld [smem:$0x3FFE];
	_ =	sdelay $0x1  }
0x8a: {  	s1 =	srdreg.scid  }
0x8b: {  	s0 =	sand.u32 $0x1, s1  }
0x8c: {  	s17 =	sshll.u32 s0, $0xA;
	s2 =	sadd.s32 s3, s2  }
0x8d: {  	s2 =	sadd.s32 s2, s17  }
0x8e: {  	[smem:$0x3FC4] =	sst s2  }
0x8f: {  	_ = 	snop  }
0x90: {  	s2 =	sld [smem:$0x3FD0];
	(tm) =	ssettm $0x1  }
0x91: {  	s18 =	sld [smem:$0x3FFB];
	_ =	sdelay $0x3  }
0x92: {  	_ =	strace s18  }
0x93: {  	s3 =	sld [smem:$0x3FFC];
	_ =	sdelay $0x3  }
0x94: {  	_ =	strace s3  }
0x95: {  	s3 =	sld [smem:$0x3FFD];
	_ =	sdelay $0x3  }
0x96: {  	_ =	strace s3  }
0x97: {  	_ =	strace $0x8FFFFFFF  }
0x98: {  	s19 =	sld [smem:$0x3FDB];
	_ =	sdelay $0x1  }
0x99: {  	s4 =	simm.s32 $_scs_section_size  }
0x9a: {  	s5 =	simm.s32 $_size__tile_overlayer_lowered;
	s6 =	simm.s32 $_tile_overlayer_lowered  }
0x9b: {  	s22 =	simm.s32 $0x1BFF;
	s21 =	sshll.u32 s6, $0x1;
	s3 =	sadd.s32 s4, s19  }
0x9c: {  	s7 =	simm.s32 $0x0;
	s20 =	sshll.u32 s5, $0x1;
	s5 =	sadd.s32 s21, s3  }
0x9d: {  	[timem:s7], [sflag:s22] =	dma.local [hbm:s5], s20  }
0x9e: {  	_ =	swait.ge [sflag:s22], s20  }
0x9f: {  	s4 =	ssub.s32 $0x0, s20;
	[sflag:s22] =	ssyncset.done $0x0  }
0xa0: {  	[sflag:s22] =	ssyncadd.s32 s4;
	_ =	sdelay $0x1  }
0xa1: {  	s23 =	simm.s32 $0x1B8B  }
0xa2: {  	_ =	swait.ge [sflag:s23], $0x1  }
0xa3: {  	[sflag:s23] =	ssyncset.done $0x0  }
0xa4: {  	s25 =	simm.s32 $0x1B8E;
	s24 =	sld [smem:$0x3FFE];
	[sflag:s23] =	ssyncadd.s32 $0xFFFFFFFF  }
0xa5: {  	s26 =	simm.s32 $execute0_lowered;
	[smem:$0x3FD2] =	sst s25  }
0xa6: {  	s5 =	sshll.u32 s26, $0x1;
	_ =	strace $0x8000004F;
	[dreg:$0x1] =	wrdreg $0xFFFFFFFF  }
0xa7: {  	s28 =	simm.s32 $_size_execute0_lowered;
	s3 =	sadd.s32 s3, s5;
	[dreg:$0x0] =	wrdreg $0x0  }
0xa8: {  	s5 =	sshll.u32 s28, $0x1;
	[dreg:$0x2] =	wrdreg s3  }
0xa9: {  	[dreg:$0x3] =	wrdreg s5  }
0xaa: {  	[dreg:$0x4] =	wrdreg $0xC0  }
0xab: {  	_ =	task [dreg:s7], $0x5FFFF  }
0xac: {  	[dreg:$0x1] =	wrdreg $0xFFFFFFFF  }
0xad: {  	[dreg:$0x0] =	wrdreg $0x60  }
0xae: {  	[dreg:$0x2] =	wrdreg s24  }
0xaf: {  	[dreg:$0x3] =	wrdreg s2  }
0xb0: {  	[dreg:$0x4] =	wrdreg $0x9  }
0xb1: {  	_ =	task.clear_ibuf [dreg:s7], $0x5FFFF;
	_ =	strace $0x9000004F  }
0xb2: {  	s29 =	simm.s32 $0x9;
	_ =	strace $0x80000051  }
0xb3: {  	_ =	swait.ge [sflag:s29], $0x1  }
0xb4: {  	[sflag:s29] =	ssyncadd.s32 $0xFFFFFFFF  }
0xb5: {  	_ =	strace $0x90000051  }
0xb6: {  	_ =	sfence  }
0xb7: {  	s30 =	sld [smem:$0x0];
	_ =	sdelay $0x2  }
0xb8: {  	s31 =	sshll.u32 s1, $0xD;
	s1 =	sshrl.u32 s1, $0x2  }
0xb9: {  	s3 =	sand.u32 $0x4000, s31;
	s1 =	sadd.s32 s1, s30  }
0xba: {  	s0 =	sor.u32 s3, s0;
	s1 =	sshll.u32 s1, $0x11  }
0xbb: {  	s0 =	sor.u32 s1, s0  }
0xbc: {  	s0 =	sadd.s32 $0x8F2B, s0  }
0xbd: {  	[sflag:s0] =	ssyncadd.remote.s32 $0x1  }
0xbe: {  	_ =	sfence.sel $0xFFFF  }
0xbf: {  	[dreg:$0x0] =	wrdreg $0xFFFFFFFF;
	(pc) =	sbr.abs _section_cstart, $3  }
0xc0: {  	[dreg:$0x1] =	wrdreg $0xFFFFFFFF  }
0xc1: {  	_ =	task.clear_ibuf [dreg:s7], $0x2FFFF;
	_ =	strace $0x9FFFFFFF  }
0xc2: {  	(tm) =	ssettm $0x7FFFFFFF  }
0xc3: {  	_ =	shalt  }
tec
execute0_lowered:
.L_overlay_start_1:
0x0: {  	(tag) =	ssettag $0x1  }
0x1: {  	s1 =	srdreg.scid;
	s5 =	rddreg [dreg:$0x0]  }
0x2: {  	s0 =	stileid.u32;
	s2 =	rddreg [dreg:$0x1];
	s6 =	simm.s32 $0x1  }
0x3: {  	s9 =	simm.s32 $0x1;
	s10 =	simm.s32 $0x3;
	s1 =	sshll.u32 s1, $0x8  }
0x4: {  	s13 =	simm.s32 $0x0;
	s3 =	sshll.u32 s0, $0x9;
	s4 =	sand.u32 $0x100, s1  }
0x5: {  	s12 =	simm.s32 $0x0;
	s1 =	rddreg [dreg:$0x2];
	s3 =	sor.u32 s3, s4  }
0x6: {  	_ =	strace $0x80000050;
	s4 =	sadd.s32 $0xA00, s5;
	s8 =	ssub.s32 $0x4000, s3  }
.Ltmp0:
0x7: {  	s5 =	sadd.s32 $0x200, s5;
	s7 =	sand.u32 $0x1F00, s8;
	(pc) =	sbr.rel .LBB2_1-.Ltmp0, $4  }
0x8: {  	[sflag:s6] =	ssyncpa.u1 $0x0;
	s11 =	smov.u32 s3;
	p0 =	sne.s32 s7, $0x0  }
0x9: {  	s8 =	sshrl.u32 s8, $0xD;
	s7 =	simm.s32 $0x2;
	s9 =	simm.s32 @!p0 $0x0  }
0xa: {  	[sflag:s7] =	ssyncpa.u1 $0x0;
	p0 =	por $0x0, $0x0;
	s8 =	sadd.s32 s9, s8  }
0xb: {  	vm0 =	vmmov $0xffff;
	[sflag:s10] =	ssyncpa.u1 $0x0;
	s10 =	simm.s32 $0x0;
	s9 =	sadd.s32 $0x1, s8  }
.LBB2_4:
0xc: {  	v2 =	vnsel vm1, $0x0, v2  }
0xd: {  	vm1 =	vgt.s32 v0, $0x0;
	v2 =	vmin.u32 v2, $0x3FFF  }
0xe: {  	v0 =	vnsel vm1, $0x0, v0  }
0xf: {  	v0 =	vmin.u32 v0, $0x3FFF  }
0x10: {  	[tilespmem:s15], [sflag:$0x1] =	stream.indirect_vreg.gather [hbm4b:s4+s10], $0x1, v1, vm0, $0x4038;
	[tilespmem:$0x400] =	vst v63  }
0x11: {  	(ifvalue) =	ssetifvalue $0x7FFFFFFF  }
0x12: {  	[tilespmem:s16], [sflag:$0x1] =	stream.indirect_vreg.gather [hbm4b:s4+s10], $0x1, v2, vm0, $0x4038;
	[tilespmem:$0x400] =	vst v63  }
0x13: {  	s29 =	sadd.s32 $0x10, s16;
	(ifvalue) =	ssetifvalue $0x7FFFFFFF  }
0x14: {  	[tilespmem:s29], [sflag:$0x1] =	stream.indirect_vreg.gather [hbm4b:s4+s10], $0x1, v0, vm0, $0x4038;
	[tilespmem:$0x400] =	vst v63  }
0x15: {  	_ =	swait.ge [sflag:s6], $0x100  }
0x16: {  	s30 =	sshrl.u32 s13, $0x3;
	[sflag:s6] =	ssyncset.done $0x0  }
0x17: {  	s31 =	sand.u32 $0x7, s13;
	s15 =	sadd.s32 s5, s30;
	[sflag:s6] =	ssyncadd.s32 $0xFFFFFF00  }
0x18: {  	[hbm4b:s15+s31] =	stream.linear.scatter [tilespmem:s14], [sflag:$0x3], $0x100, $0x38;
	[tilespmem:$0x400] =	vst v63  }
.LBB2_5:
0x19: {  	s15 =	sadd.s32 $0x2000, s11  }
0x1a: {  	p2 =	sgt.s32 s15, $0x3FFF  }
0x1b: {  	s15 =	smov.u32 @p2 s3;
	p2 =	sne.s32 s12, s9  }
.Ltmp1:
0x1c: {  	p1 =	slt.u32 s12, $0x2;
	(pc) =	sbr.rel @!p2 .LBB2_6-.Ltmp1, $4  }
0x1d: {  	s14 =	simm.s32 @!p1 $0x3  }
0x1e: {  	s16 =	sadd.s32 $0x1, s12;
	_ =	swait.ge @!p1 [sflag:s14], $0x100  }
0x1f: {  	s13 =	smov.u32 s11;
	p0 =	por !p0, !p0;
	[sflag:s14] =	ssyncset.done @!p1 $0x0  }
0x20: {  	s12 =	smov.u32 s16;
	s11 =	smov.u32 s15;
	[sflag:s14] =	ssyncadd.s32 @!p1 $0xFFFFFF00  }
.LBB2_1:
0x21: {  	p1 =	sge.u32 s12, s8  }
0x22: {  	s14 =	sxor.u32 @!p1 $0xFFFFFFFF, s12  }
0x23: {  	s31 =	sadd.s32 $0xFFFFFFFF, s12;
	s15 =	sshrl.u32 @!p1 s11, $0x3;
	s14 =	sshll.u32 @!p1 s14, $0x8  }
0x24: {  	s16 =	sand.u32 @!p1 $0x7, s11;
	s15 =	sadd.s32 @!p1 s2, s15;
	s14 =	sand.u32 @!p1 $0x100, s14  }
0x25: {  	[tilespmem:s14], [sflag:$0x2] =	stream.linear.gather @!p1 [hbm4b:s15+s16], $0x100, $0x38;
	[tilespmem:$0x400] =	vst v63  }
0x26: {  	p1 =	sge.u32 s31, s8  }
.Ltmp2:
0x27: {  	_ = 	snop;
	(pc) =	sbr.rel @p1 .LBB2_5-.Ltmp2, $1  }
0x28: {  	_ =	sdelay $0x3  }
0x29: {  	s14 =	simm.s32 $0x1  }
0x2a: {  	_ =	swait.ge [sflag:s7], $0x100;
	s14 =	simm.s32 @!p0 $0x0  }
0x2b: {  	[sflag:s7] =	ssyncset.done $0x0;
	s14 =	sshll.u32 s14, $0x8  }
0x2c: {  	[sflag:s7] =	ssyncadd.s32 $0xFFFFFF00;
	(ifvalue) =	ssetifvalue $0x7FFFFFFF;
	v0 =	vld.msk [tilespmem:s14+$0x0 ss:$0x1], $0xffff;
	_ =	sdelay $0x4  }
0x2d: {  	s15 =	sadd.s32 $0x10, s14;
	vm1 =	vgt.s32 v0, $0x0  }
0x2e: {  	v2 =	vld.msk [tilespmem:s15+$0x0 ss:$0x1], $0xffff;
	v1 =	vnsel vm1, $0x0, v0  }
0x2f: {  	v1 =	vmin.u32 v1, $0x3FFF;
	_ =	sdelay $0x1  }
0x30: {  	s16 =	sshll.u32 s12, $0x8;
	s18 =	simm.s32 $0x20  }
0x31: {  	s16 =	sand.u32 $0x100, s16;
	s17 =	sadd.s32 $0x10, s15;
	s15 =	sor.u32 $0x200, s14  }
0x32: {  	s14 =	sor.u32 $0x200, s16;
	s16 =	sadd.s32 $0x10, s15;
	v0 =	vld.msk [tilespmem:s17+$0x0 ss:$0x1], $0xffff;
	vm1 =	vgt.s32 v2, $0x0;
	(ifvalue) =	ssetifvalue $0x7FFFFFFF  }
.LBB2_3:
0x33: {  	[tilespmem:s15], [sflag:$0x1] =	stream.indirect_vreg.gather [hbm4b:s4+s10], $0x1, v1, vm0, $0x4038;
	[tilespmem:$0x400] =	vst v63  }
0x34: {  	s18 =	sadd.s32 $0x10, s18  }
0x35: {  	v2 =	vnsel vm1, $0x0, v2;
	p1 =	slt.u32 s18, $0xF0  }
.Ltmp3:
0x36: {  	s15 =	smov.u32 s16;
	v1 =	vmin.u32 v2, $0x3FFF;
	(pc) =	sbr.rel @p1 .LBB2_3-.Ltmp3, $3  }
0x37: {  	_ =	sdelay $0x1  }
0x38: {  	s17 =	sadd.s32 $0x10, s17  }
0x39: {  	vm1 =	vgt.s32 v0, $0x0;
	s16 =	sadd.s32 $0x10, s16;
	v2 =	vmov v0;
	(ifvalue) =	ssetifvalue $0x7FFFFFFF;
	v0 =	vld.msk [tilespmem:s17+$0x0 ss:$0x1], $0xffff  }
.Ltmp4:
0x3a: {  	_ = 	snop;
	(pc) =	sbr.rel .LBB2_4-.Ltmp4, $1  }
0x3b: {  	_ =	sdelay $0x3  }
.LBB2_6:
0x3c: {  	_ =	sfence.sel $0x180000  }
0x3d: {  	s2 =	simm.s32 $0x2;
	[bflag:$0x0] =	sbarrier.arrive $0xFFFF  }
0x3e: {  	s30 =	simm.s32 $0x3;
	[sflag:s2] =	ssyncpa.u1 $0x1  }
0x3f: {  	s31 =	simm.s32 $0x1;
	[sflag:s30] =	ssyncpa.u1 $0x1  }
0x40: {  	[sflag:s31] =	ssyncpa.u1 $0x1  }
0x41: {  	p0 =	sne.s32 s0, $0x0;
	_ =	strace $0x90000050  }
0x42: {  	s0 =	sadd.s32 @!p0 $0x100000, s1;
	[bflag:$0x2] =	sbarrier.arrive $0xFFFF  }
0x43: {  	[sflag:s0] =	ssyncadd.tile.s32 @!p0 $0x1;
	_ =	shalt  }
.Lfunc_end2:
_tile_overlayer_lowered:
.L_overlay_start_2:
0x44: {  	(tag) =	ssettag $0x2  }
0x45: {  	s0 =	rddreg [dreg:$0x0];
	s2 =	stileid.u32  }
0x46: {  	s1 =	rddreg [dreg:$0x1];
	p0 =	sne.s32 s2, $0x0  }
0x47: {  	s3 =	rddreg [dreg:$0x2];
	[bflag:$0x3] =	sbarrier.arrive $0xFFFF;
	s2 =	simm.s32 @!p0 $0x1C01  }
0x48: {  	[timem:s3], [sflag:s2] =	dma.local @!p0 [hbm:s0], s1  }
0x49: {  	s0 =	simm.s32 @!p0 $0x1  }
0x4a: {  	_ =	swait.ge @!p0 [sflag:s0], s1  }
0x4b: {  	s1 =	ssub.s32 @!p0 $0x0, s1;
	[sflag:s0] =	ssyncset.done @!p0 $0x0  }
0x4c: {  	[sflag:s0] =	ssyncadd.s32 @!p0 s1  }
0x4d: {  	[bflag:$0x3] =	sbarrier.arrive $0xFFFF  }
0x4e: {  	_ =	shalt  }

// kernel: kernel.3.cloned.1.call-start
scs
__scs_entry_jumppad:
0x0: {  	(pc) =	sbr.rel $0x88, $3  }
0x1: {  	(tag) =	ssettag $0x0;
	lr =	simm.s32 $0x1  }
0x2: {  	[smem:$0x3F9D] =	sst lr;
	_ =	strace $0xD0000000  }
0x3: {  	_ = 	snop  }
0x4: {  	_ = 	snop  }
0x5: {  	_ = 	snop  }
0x6: {  	_ = 	snop  }
0x7: {  	_ = 	snop  }
__scs_overlays_trampoline_lowered:
0x8: {  	[smem:$0x3FAC] =	sst s0  }
0x9: {  	[smem:$0x3FAD] =	sst s1  }
0xa: {  	[smem:$0x3FAE] =	sst s2  }
0xb: {  	[smem:$0x3FAF] =	sst s3  }
0xc: {  	[smem:$0x3FB0] =	sst s4  }
0xd: {  	[smem:$0x3FB1] =	sst s5  }
0xe: {  	[smem:$0x3FB2] =	sst s6  }
0xf: {  	[smem:$0x3FB3] =	sst s7  }
0x10: {  	[smem:$0x3FB4] =	sst s8  }
0x11: {  	[smem:$0x3FB5] =	sst s9;
	s0 =	simm.s32 @!p0 $0x0  }
0x12: {  	s1 =	sld [smem:$0x3F9B];
	s0 =	simm.s32 @p0 $0x1  }
0x13: {  	[smem:$0x3FB6] =	sst s0;
	s0 =	simm.s32 @!p1 $0x0  }
0x14: {  	s2 =	sld [smem:$0x3F9A];
	s0 =	simm.s32 @p1 $0x1  }
0x15: {  	[smem:$0x3FB7] =	sst s0;
	s0 =	simm.s32 @!p2 $0x0  }
0x16: {  	s3 =	sld [smem:$0x3FDB];
	s0 =	simm.s32 @p2 $0x1  }
0x17: {  	s4 =	simm.s32 $0x1BF5;
	[smem:$0x3FB9] =	sst s0  }
0x18: {  	s0 =	sld [smem:$0x3F9C];
	_ =	swait.ge [sflag:s4], $0x0  }
0x19: {  	s7 =	sld [smem:$0x3F9D]  }
0x1a: {  	s8 =	sadd.s32 $0xFFFFE003, lr  }
0x1b: {  	s9 =	sadd.s32 $0xFFFFFEF7, lr;
	s5 =	simm.s32 $0xFFFFFFFF;
	p2 =	slt.u32 s8, $0xFFFFF086  }
0x1c: {  	p1 =	slt.u32 s9, $0xF7A;
	s5 =	simm.s32 @!p2 $0x0  }
0x1d: {  	s5 =	simm.s32 @p1 $0x1;
	p0 =	seq.s32 s7, s2  }
0x1e: {  	s7 =	smul.u32 @!p0 $0xF7A, s2;
	p2 =	seq.s32 @!p0 s5, $0x0  }
0x1f: {  	s9 =	smul.u32 $0xF7A, s1;
	s8 =	simm.s32 @!p0 $0x1BF5;
	p2 =	por !p2, p0  }
0x20: {  	[sflag:s8] =	ssyncset.s32 @!p0 $0xFFFFF086;
	s6 =	sadd.s32 @!p0 s3, s7;
	s7 =	simm.s32 @!p0 $0x108  }
0x21: {  	s3 =	sadd.s32 s3, s9;
	s6 =	sadd.s32 @!p0 $0x88, s6;
	s7 =	simm.s32 @p2 $0x1082  }
0x22: {  	[simem:s7], [sflag:s8] =	dma.local @!p0 [hbm:s6], $0xF7A  }
0x23: {  	s9 =	sor.u32 $0xD0000000, s2;
	s6 =	simm.s32 $0x108;
	_ =	swait.ge @!p0 [sflag:s8], $0x0  }
0x24: {  	s3 =	sadd.s32 $0x88, s3;
	s6 =	simm.s32 @!p1 $0x1082;
	[sflag:s4] =	ssyncset.s32 $0xFFFFF086  }
0x25: {  	[simem:s6], [sflag:s4] =	dma.local [hbm:s3], $0xF7A  }
0x26: {  	[smem:$0x3F9D] =	sst s1;
	(tag) =	ssettag s2;
	_ =	strace s9  }
0x27: {  	s1 =	sld [smem:$0x3FAD]  }
0x28: {  	s2 =	sld [smem:$0x3FAE]  }
0x29: {  	s4 =	sld [smem:$0x3FB0]  }
0x2a: {  	p0 =	seq.s32 s5, $0x0;
	s5 =	sld [smem:$0x3FB1]  }
0x2b: {  	s6 =	sld [smem:$0x3FB2]  }
0x2c: {  	s7 =	sld [smem:$0x3FB3]  }
0x2d: {  	s3 =	simm.s32 $0x108;
	s8 =	sld [smem:$0x3FB4]  }
0x2e: {  	s3 =	simm.s32 @!p0 $0x1082;
	s9 =	sld [smem:$0x3FB5]  }
0x2f: {  	lr =	sadd.s32 s0, s3;
	s0 =	sld [smem:$0x3FAC]  }
0x30: {  	s3 =	sld [smem:$0x3FAF]  }
0x31: {  	[smem:$0x3FB8] =	sst s10  }
0x32: {  	s10 =	sld [smem:$0x3FB6];
	_ =	sdelay $0x3  }
0x33: {  	p0 =	seq.s32 s10, $0x1;
	s10 =	sld [smem:$0x3FB8];
	_ =	sdelay $0x3  }
0x34: {  	[smem:$0x3FB8] =	sst s10  }
0x35: {  	s10 =	sld [smem:$0x3FB7];
	_ =	sdelay $0x3  }
0x36: {  	p1 =	seq.s32 s10, $0x1;
	s10 =	sld [smem:$0x3FB8];
	_ =	sdelay $0x3  }
0x37: {  	[smem:$0x3FB8] =	sst s10  }
0x38: {  	s10 =	sld [smem:$0x3FB9]  }
0x39: {  	_ = 	snop;
	(pc) =	sbr.ind lr, $3  }
0x3a: {  	_ = 	snop  }
0x3b: {  	_ = 	snop  }
0x3c: {  	p2 =	seq.s32 s10, $0x1;
	s10 =	sld [smem:$0x3FB8]  }
0x3d: {  	_ =	shalt  }
0x3e: {  	_ =	shalt  }
0x3f: {  	_ =	shalt  }
0x40: {  	_ =	shalt  }
0x41: {  	_ =	shalt  }
0x42: {  	_ =	shalt  }
0x43: {  	_ =	shalt  }
0x44: {  	_ =	shalt  }
0x45: {  	_ =	shalt  }
0x46: {  	_ =	shalt  }
0x47: {  	_ =	shalt  }
0x48: {  	_ =	shalt  }
0x49: {  	_ =	shalt  }
0x4a: {  	_ =	shalt  }
0x4b: {  	_ =	shalt  }
0x4c: {  	_ =	shalt  }
0x4d: {  	_ =	shalt  }
0x4e: {  	_ =	shalt  }
0x4f: {  	_ =	shalt  }
0x50: {  	_ =	shalt  }
0x51: {  	_ =	shalt  }
0x52: {  	_ =	shalt  }
0x53: {  	_ =	shalt  }
0x54: {  	_ =	shalt  }
0x55: {  	_ =	shalt  }
0x56: {  	_ =	shalt  }
0x57: {  	_ =	shalt  }
0x58: {  	_ =	shalt  }
0x59: {  	_ =	shalt  }
0x5a: {  	_ =	shalt  }
0x5b: {  	_ =	shalt  }
0x5c: {  	_ =	shalt  }
0x5d: {  	_ =	shalt  }
0x5e: {  	_ =	shalt  }
0x5f: {  	_ =	shalt  }
0x60: {  	_ =	shalt  }
0x61: {  	_ =	shalt  }
0x62: {  	_ =	shalt  }
0x63: {  	_ =	shalt  }
0x64: {  	_ =	shalt  }
0x65: {  	_ =	shalt  }
0x66: {  	_ =	shalt  }
0x67: {  	_ =	shalt  }
0x68: {  	_ =	shalt  }
0x69: {  	_ =	shalt  }
0x6a: {  	_ =	shalt  }
0x6b: {  	_ =	shalt  }
0x6c: {  	_ =	shalt  }
0x6d: {  	_ =	shalt  }
0x6e: {  	_ =	shalt  }
0x6f: {  	_ =	shalt  }
0x70: {  	_ =	shalt  }
0x71: {  	_ =	shalt  }
0x72: {  	_ =	shalt  }
0x73: {  	_ =	shalt  }
0x74: {  	_ =	shalt  }
0x75: {  	_ =	shalt  }
0x76: {  	_ =	shalt  }
0x77: {  	_ =	shalt  }
0x78: {  	_ =	shalt  }
0x79: {  	_ =	shalt  }
0x7a: {  	_ =	shalt  }
0x7b: {  	_ =	shalt  }
0x7c: {  	_ =	shalt  }
0x7d: {  	_ =	shalt  }
0x7e: {  	_ =	shalt  }
0x7f: {  	_ =	shalt  }
0x80: {  	_ =	shalt  }
0x81: {  	_ =	shalt  }
0x82: {  	_ =	shalt  }
0x83: {  	_ =	shalt  }
0x84: {  	_ =	shalt  }
0x85: {  	_ =	shalt  }
0x86: {  	_ =	shalt  }
0x87: {  	_ =	shalt  }
.Lfunc_end0:
.L_simem_size_0:
called_computation.3_lowered:
.L_overlay_start_0:
0x88: {  	s2 =	sld [smem:$0x3FD9]  }
0x89: {  	s3 =	sld [smem:$0x3FFE];
	_ =	sdelay $0x1  }
0x8a: {  	s1 =	srdreg.scid  }
0x8b: {  	s0 =	sand.u32 $0x1, s1  }
0x8c: {  	s17 =	sshll.u32 s0, $0xA;
	s2 =	sadd.s32 s3, s2  }
0x8d: {  	s2 =	sadd.s32 s2, s17  }
0x8e: {  	[smem:$0x3FC4] =	sst s2  }
0x8f: {  	_ = 	snop  }
0x90: {  	s2 =	sld [smem:$0x3FC7]  }
0x91: {  	s18 =	sld [smem:$0x3FC6];
	(tm) =	ssettm $0x1  }
0x92: {  	s4 =	sld [smem:$0x3FFB];
	_ =	sdelay $0x3  }
0x93: {  	_ =	strace s4  }
0x94: {  	s4 =	sld [smem:$0x3FFC];
	_ =	sdelay $0x3  }
0x95: {  	_ =	strace s4  }
0x96: {  	s4 =	sld [smem:$0x3FFD];
	_ =	sdelay $0x3  }
0x97: {  	_ =	strace s4  }
0x98: {  	_ =	strace $0x8FFFFFFF  }
0x99: {  	s19 =	sld [smem:$0x3FDB];
	_ =	sdelay $0x1  }
0x9a: {  	s5 =	simm.s32 $_scs_section_size  }
0x9b: {  	s6 =	simm.s32 $_size__tile_overlayer_lowered;
	s7 =	simm.s32 $_tile_overlayer_lowered  }
0x9c: {  	s22 =	simm.s32 $0x1BFF;
	s21 =	sshll.u32 s7, $0x1;
	s4 =	sadd.s32 s5, s19  }
0x9d: {  	s8 =	simm.s32 $0x0;
	s20 =	sshll.u32 s6, $0x1;
	s6 =	sadd.s32 s21, s4  }
0x9e: {  	[timem:s8], [sflag:s22] =	dma.local [hbm:s6], s20  }
0x9f: {  	_ =	swait.ge [sflag:s22], s20  }
0xa0: {  	s5 =	ssub.s32 $0x0, s20;
	[sflag:s22] =	ssyncset.done $0x0  }
0xa1: {  	[sflag:s22] =	ssyncadd.s32 s5;
	_ =	sdelay $0x1  }
0xa2: {  	s23 =	simm.s32 $0x1B8B  }
0xa3: {  	_ =	swait.ge [sflag:s23], $0x1  }
0xa4: {  	[sflag:s23] =	ssyncset.done $0x0  }
0xa5: {  	s25 =	simm.s32 $0x1B8E;
	s24 =	sld [smem:$0x3FFE];
	[sflag:s23] =	ssyncadd.s32 $0xFFFFFFFF  }
0xa6: {  	s26 =	simm.s32 $execute0_lowered;
	[smem:$0x3FD2] =	sst s25  }
0xa7: {  	s6 =	sshll.u32 s26, $0x1;
	_ =	strace $0x8000004C;
	[dreg:$0x1] =	wrdreg $0xFFFFFFFF  }
0xa8: {  	s28 =	simm.s32 $_size_execute0_lowered;
	s4 =	sadd.s32 s4, s6;
	[dreg:$0x0] =	wrdreg $0x0  }
0xa9: {  	s6 =	sshll.u32 s28, $0x1;
	[dreg:$0x2] =	wrdreg s4  }
0xaa: {  	[dreg:$0x3] =	wrdreg s6  }
0xab: {  	[dreg:$0x4] =	wrdreg $0xC0  }
0xac: {  	_ =	task [dreg:s8], $0x5FFFF  }
0xad: {  	[dreg:$0x1] =	wrdreg $0xFFFFFFFF  }
0xae: {  	[dreg:$0x0] =	wrdreg $0x60  }
0xaf: {  	[dreg:$0x2] =	wrdreg s24  }
0xb0: {  	[dreg:$0x3] =	wrdreg s2  }
0xb1: {  	[dreg:$0x4] =	wrdreg s18  }
0xb2: {  	[dreg:$0x5] =	wrdreg $0x9  }
0xb3: {  	_ =	task.clear_ibuf [dreg:s8], $0x6FFFF;
	_ =	strace $0x9000004C  }
0xb4: {  	s29 =	simm.s32 $0x9;
	_ =	strace $0x8000004E  }
0xb5: {  	_ =	swait.ge [sflag:s29], $0x1  }
0xb6: {  	[sflag:s29] =	ssyncadd.s32 $0xFFFFFFFF  }
0xb7: {  	_ =	strace $0x9000004E  }
0xb8: {  	_ =	sfence  }
0xb9: {  	s30 =	sld [smem:$0x0];
	_ =	sdelay $0x2  }
0xba: {  	s31 =	sshll.u32 s1, $0xD;
	s1 =	sshrl.u32 s1, $0x2  }
0xbb: {  	s3 =	sand.u32 $0x4000, s31;
	s1 =	sadd.s32 s1, s30  }
0xbc: {  	s0 =	sor.u32 s3, s0;
	s1 =	sshll.u32 s1, $0x11  }
0xbd: {  	s0 =	sor.u32 s1, s0  }
0xbe: {  	s0 =	sadd.s32 $0x8F2B, s0  }
0xbf: {  	[sflag:s0] =	ssyncadd.remote.s32 $0x1  }
0xc0: {  	_ =	sfence.sel $0xFFFF  }
0xc1: {  	[dreg:$0x0] =	wrdreg $0xFFFFFFFF;
	(pc) =	sbr.abs _section_cstart, $3  }
0xc2: {  	[dreg:$0x1] =	wrdreg $0xFFFFFFFF  }
0xc3: {  	_ =	task.clear_ibuf [dreg:s8], $0x2FFFF;
	_ =	strace $0x9FFFFFFF  }
0xc4: {  	(tm) =	ssettm $0x7FFFFFFF  }
0xc5: {  	_ =	shalt  }
tec
execute0_lowered:
.L_overlay_start_1:
0x0: {  	(tag) =	ssettag $0x1  }
0x1: {  	s5 =	rddreg [dreg:$0x0]  }
0x2: {  	s2 =	rddreg [dreg:$0x1];
	s0 =	srdreg.scid  }
0x3: {  	s3 =	rddreg [dreg:$0x2];
	s1 =	stileid.u32  }
0x4: {  	s4 =	simm.s32 $0x0;
	s9 =	simm.s32 $0x7;
	s11 =	simm.s32 $0x7A1400  }
0x5: {  	s12 =	simm.s32 $0x400;
	s16 =	simm.s32 $0xF400;
	s17 =	simm.s32 $0x4400  }
0x6: {  	s18 =	simm.s32 $0x10400;
	s19 =	simm.s32 $0x11400;
	s20 =	simm.s32 $0x12400  }
0x7: {  	s21 =	simm.s32 $0x13400;
	s22 =	simm.s32 $0x18400;
	s6 =	sand.u32 $0x1, s0  }
.Ltmp0:
0x8: {  	s7 =	sshll.u32 s1, $0x7;
	s8 =	sshll.u32 s6, $0x6;
	(pc) =	sbr.rel .LBB2_1-.Ltmp0, $4  }
0x9: {  	vm0 =	vmmov $0x1;
	v0 =	vlaneseq.u32;
	s23 =	simm.s32 $0x0;
	s6 =	ssub.s32 $0x2, s6;
	s7 =	sor.u32 s8, s7  }
0xa: {  	vm1 =	vcmask $0x308;
	vm2 =	vcmask $0x70C;
	[smem:$0x7FF] =	sst s4;
	v1 =	vmul.u32 $0x80, v0;
	s30 =	sshrl.u32 s6, $0x1;
	s7 =	sadd.s32 s7, s5  }
0xb: {  	vm3 =	vcmask $0xB10;
	vm4 =	vcmask $0xF14;
	vm5 =	vcmask $0x1318;
	_ =	strace $0x8000004D;
	s31 =	ssub.s32 s6, s30;
	s5 =	sadd.s32 $0x200, s7  }
0xc: {  	vm6 =	vcmask $0x171C;
	vm7 =	vcmask $0x1B20;
	v2 =	vor.u32 $0x800, v1;
	s6 =	sadd.s32 $0x1A00, s7;
	s7 =	sadd.s32 $0xA00, s7;
	s8 =	smax.u32 s31, $0x1  }
.LBB2_5:
0xd: {  	s23 =	sadd.s32 $0x1, s23  }
0xe: {  	p0 =	sne.s32 s23, s8  }
.Ltmp1:
0xf: {  	_ = 	snop;
	(pc) =	sbr.rel @!p0 .LBB2_6-.Ltmp1, $4  }
0x10: {  	[hbm4b:s7+s4] =	stream.linear.scatter [tilespmem:s22], [sflag:$0x7], $0x200, $0x38;
	[tilespmem:$0x18600] =	vst v63  }
0x11: {  	_ =	swait.ge [sflag:s9], $0x200  }
0x12: {  	[sflag:s9] =	ssyncset.done $0x0  }
0x13: {  	[sflag:s9] =	ssyncadd.s32 $0xFFFFFE00  }
.LBB2_1:
0x14: {  	[tilespmem:s4], [sflag:$0x7] =	stream.linear.gather [hbm4b:s5+s4], $0x200, $0x38;
	[tilespmem:$0x18600] =	vst v63  }
0x15: {  	_ =	swait.ge [sflag:s9], $0x200  }
0x16: {  	[sflag:s9] =	ssyncset.done $0x0  }
0x17: {  	s0 =	simm.s32 $0x200;
	[sflag:s9] =	ssyncadd.s32 $0xFFFFFE00  }
0x18: {  	[tilespmem:s0], [sflag:$0x7] =	stream.linear.gather [hbm4b:s6+s4], $0x200, $0x38;
	[tilespmem:$0x18600] =	vst v63  }
0x19: {  	_ =	swait.ge [sflag:s9], $0x200  }
0x1a: {  	[sflag:s9] =	ssyncset.done $0x0  }
0x1b: {  	[sflag:s9] =	ssyncadd.s32 $0xFFFFFE00  }
0x1c: {  	v3 =	vld [tilespmem:$0x0];
	_ =	sdelay $0x3  }
0x1d: {  	v4 =	vld [tilespmem:$0x200]  }
0x1e: {  	v5 =	vnsel vm0, $0x0, v3  }
0x1f: {  	(xrf0) =	vadd.scan.msk.s32 $0xffff, v5;
	v5 =	vsel vm1, $0x0, v3  }
0x20: {  	(xrf0) =	vadd.scan.msk.s32 $0xffff, v5;
	v5 =	vsel vm2, $0x0, v3  }
0x21: {  	v3 =	vsel vm3, $0x0, v3;
	(xrf0) =	vadd.scan.msk.s32 $0xffff, v5  }
0x22: {  	(xrf0) =	vadd.scan.msk.s32 $0xffff, v3;
	v3 =	vnsel vm0, $0x0, v4  }
0x23: {  	(xrf0) =	vadd.scan.msk.s32 $0xffff, v3;
	_ =	sdelay $0x1  }
0x24: {  	v3, _, _ =	vpop (xrf0)  }
0x25: {  	(v2sf) =	vpush v3, $0xF;
	v3, _, _ =	vpop (xrf0)  }
0x26: {  	(v2sf) =	vpush v3, $0xF;
	v3, _, _ =	vpop (xrf0)  }
0x27: {  	(v2sf) =	vpush v3, $0xF;
	v3, _, _ =	vpop (xrf0)  }
0x28: {  	(v2sf) =	vpush v3, $0xF;
	v3, _, _ =	vpop (xrf0)  }
0x29: {  	(v2sf) =	vpush v3, $0xF;
	v3 =	vsel vm1, $0x0, v4  }
0x2a: {  	(xrf0) =	vadd.scan.msk.s32 $0xffff, v3;
	_ =	sdelay $0x2  }
0x2b: {  	v3 =	vsel vm2, $0x0, v4;
	_ =	sdelay $0x2  }
0x2c: {  	(xrf0) =	vadd.scan.msk.s32 $0xffff, v3;
	v3, _, _ =	vpop (xrf0)  }
0x2d: {  	(v2sf) =	vpush v3, $0xF  }
0x2e: {  	v4 =	vsel vm3, $0x0, v4  }
0x2f: {  	(xrf0) =	vadd.scan.msk.s32 $0xffff, v4;
	_ =	sdelay $0x1  }
0x30: {  	s24 =	spop (v2sf)  }
0x31: {  	s25 =	spop (v2sf)  }
0x32: {  	v3, _, _ =	vpop (xrf0);
	s28 =	sand.u32 $0xFFFFF80, s24;
	s26 =	spop (v2sf)  }
0x33: {  	s28 =	sadd.s32 s2, s28;
	s29 =	spop (v2sf);
	(v2sf) =	vpush v3, $0xF  }
0x34: {  	[tilespmem:s12], [sflag:$0x1] =	stream.strided.gather [hbm4b:s28+s12], $0x1000, s11, s12, $0x38;
	v3, _, _ =	vpop (xrf0);
	[tilespmem:$0x18600] =	vst v63  }
0x35: {  	s24 =	sshrl.u32 s24, $0x7;
	s30 =	sshrl.u32 s25, $0x7;
	s1 =	spop (v2sf);
	(v2sf) =	vpush v3, $0xF  }
0x36: {  	s13 =	simm.s32 $0xC400;
	p0 =	seq.s32 s30, s24;
	s28 =	sand.u32 $0xFFFFF80, s1  }
0x37: {  	s24 =	sand.u32 @!p0 $0xFFFFF80, s25;
	s25 =	simm.s32 @!p0 $0x400;
	s10 =	sadd.s32 s3, s28  }
0x38: {  	[tilespmem:s13], [sflag:$0x4] =	stream.strided.gather [hbm4b:s10+s12], $0x1000, s11, s12, $0x38;
	[tilespmem:$0x18600] =	vst v63  }
0x39: {  	s31 =	simm.s32 @!p0 $0x1400;
	s24 =	sadd.s32 @!p0 s2, s24;
	s28 =	simm.s32 @!p0 $0x7A1400  }
0x3a: {  	[tilespmem:s31], [sflag:$0x1] =	stream.strided.gather @!p0 [hbm4b:s24+s25], $0x1000, s28, s25, $0x38;
	[tilespmem:$0x18600] =	vst v63  }
0x3b: {  	s14 =	spop (v2sf)  }
0x3c: {  	s15 =	sshrl.u32 s26, $0x7;
	s24 =	sand.u32 $0xFFFFF80, s14  }
0x3d: {  	p0 =	seq.s32 s15, s30;
	s31 =	simm.s32 $0xD400;
	s24 =	sadd.s32 s3, s24  }
0x3e: {  	[tilespmem:s31], [sflag:$0x4] =	stream.strided.gather [hbm4b:s24+s12], $0x1000, s11, s12, $0x38;
	[tilespmem:$0x18600] =	vst v63  }
0x3f: {  	s10 =	sshrl.u32 s29, $0x7;
	s28 =	simm.s32 @!p0 $0x400;
	s24 =	sand.u32 @!p0 $0xFFFFF80, s26  }
0x40: {  	s30 =	simm.s32 @!p0 $0x7A1400;
	s31 =	simm.s32 @!p0 $0x2400;
	s24 =	sadd.s32 @!p0 s2, s24  }
0x41: {  	[tilespmem:s31], [sflag:$0x1] =	stream.strided.gather @!p0 [hbm4b:s24+s28], $0x1000, s30, s28, $0x38;
	[tilespmem:$0x18600] =	vst v63  }
0x42: {  	s14 =	simm.s32 $0xE400;
	p0 =	seq.s32 s10, s15;
	s1 =	spop (v2sf)  }
0x43: {  	s24 =	sand.u32 @!p0 $0xFFFFF80, s29;
	s28 =	simm.s32 @!p0 $0x7A1400;
	s26 =	sand.u32 $0xFFFFF80, s1  }
0x44: {  	s29 =	simm.s32 @!p0 $0x3400;
	s15 =	spop (v2sf);
	s13 =	sadd.s32 s3, s26  }
0x45: {  	[tilespmem:s14], [sflag:$0x4] =	stream.strided.gather [hbm4b:s13+s12], $0x1000, s11, s12, $0x38;
	[tilespmem:$0x18600] =	vst v63  }
0x46: {  	s24 =	sadd.s32 @!p0 s2, s24;
	s26 =	simm.s32 @!p0 $0x400;
	s30 =	sand.u32 $0xFFFFF80, s15  }
0x47: {  	[tilespmem:s29], [sflag:$0x1] =	stream.strided.gather @!p0 [hbm4b:s24+s26], $0x1000, s28, s26, $0x38;
	[tilespmem:$0x18600] =	vst v63  }
0x48: {  	s24 =	sadd.s32 s3, s30  }
0x49: {  	[tilespmem:s16], [sflag:$0x4] =	stream.strided.gather [hbm4b:s24+s12], $0x1000, s11, s12, $0x38;
	[tilespmem:$0x18600] =	vst v63  }
0x4a: {  	v3 =	vld [tilespmem:$0x0];
	_ =	sdelay $0x3  }
0x4b: {  	v4 =	vld [tilespmem:$0x200]  }
0x4c: {  	v5 =	vsel vm4, $0x0, v3  }
0x4d: {  	(xrf0) =	vadd.scan.msk.s32 $0xffff, v5;
	v5 =	vsel vm5, $0x0, v3  }
0x4e: {  	(xrf0) =	vadd.scan.msk.s32 $0xffff, v5;
	v5 =	vsel vm6, $0x0, v3  }
0x4f: {  	v3 =	vsel vm7, $0x0, v3;
	(xrf0) =	vadd.scan.msk.s32 $0xffff, v5  }
0x50: {  	(xrf0) =	vadd.scan.msk.s32 $0xffff, v3;
	v3 =	vsel vm4, $0x0, v4  }
0x51: {  	(xrf0) =	vadd.scan.msk.s32 $0xffff, v3;
	_ =	sdelay $0x1  }
0x52: {  	v3, _, _ =	vpop (xrf0)  }
0x53: {  	v5, _, _ =	vpop (xrf0);
	(v2sf) =	vpush v3, $0xF  }
0x54: {  	v3, _, _ =	vpop (xrf0);
	(v2sf) =	vpush v5, $0xF  }
0x55: {  	v5, _, _ =	vpop (xrf0);
	(v2sf) =	vpush v3, $0xF  }
0x56: {  	(v2sf) =	vpush v5, $0xF;
	v3, _, _ =	vpop (xrf0)  }
0x57: {  	(v2sf) =	vpush v3, $0xF;
	v3 =	vsel vm5, $0x0, v4  }
0x58: {  	(xrf0) =	vadd.scan.msk.s32 $0xffff, v3;
	_ =	sdelay $0x5  }
0x59: {  	v3, _, _ =	vpop (xrf0)  }
0x5a: {  	(v2sf) =	vpush v3, $0xF;
	v3 =	vsel vm6, $0x0, v4  }
0x5b: {  	(xrf0) =	vadd.scan.msk.s32 $0xffff, v3;
	_ =	sdelay $0x4  }
0x5c: {  	s31 =	spop (v2sf)  }
0x5d: {  	s25 =	spop (v2sf);
	v3, _, _ =	vpop (xrf0)  }
0x5e: {  	s0 =	sand.u32 $0xFFFFF80, s31;
	s26 =	spop (v2sf);
	(v2sf) =	vpush v3, $0xF;
	v3 =	vsel vm7, $0x0, v4  }
0x5f: {  	s28 =	sadd.s32 s2, s0;
	s29 =	spop (v2sf);
	(xrf0) =	vadd.scan.msk.s32 $0xffff, v3  }
0x60: {  	[tilespmem:s17], [sflag:$0x2] =	stream.strided.gather [hbm4b:s28+s12], $0x1000, s11, s12, $0x38;
	[tilespmem:$0x18600] =	vst v63  }
0x61: {  	s24 =	sshrl.u32 s31, $0x7;
	s10 =	sshrl.u32 s25, $0x7;
	s1 =	spop (v2sf)  }
0x62: {  	p0 =	seq.s32 s10, s24;
	s28 =	sand.u32 $0xFFFFF80, s1  }
0x63: {  	s24 =	sand.u32 @!p0 $0xFFFFF80, s25;
	s25 =	simm.s32 @!p0 $0x400;
	s13 =	sadd.s32 s3, s28  }
0x64: {  	[tilespmem:s18], [sflag:$0x5] =	stream.strided.gather [hbm4b:s13+s12], $0x1000, s11, s12, $0x38;
	[tilespmem:$0x18600] =	vst v63  }
0x65: {  	s31 =	simm.s32 @!p0 $0x5400;
	s24 =	sadd.s32 @!p0 s2, s24;
	s28 =	simm.s32 @!p0 $0x7A1400;
	v3, _, _ =	vpop (xrf0)  }
0x66: {  	[tilespmem:s31], [sflag:$0x2] =	stream.strided.gather @!p0 [hbm4b:s24+s25], $0x1000, s28, s25, $0x38;
	(v2sf) =	vpush v3, $0xF;
	[tilespmem:$0x18600] =	vst v63  }
0x67: {  	s14 =	spop (v2sf)  }
0x68: {  	s15 =	sshrl.u32 s26, $0x7;
	s24 =	sand.u32 $0xFFFFF80, s14  }
0x69: {  	p0 =	seq.s32 s15, s10;
	s24 =	sadd.s32 s3, s24  }
0x6a: {  	[tilespmem:s19], [sflag:$0x5] =	stream.strided.gather [hbm4b:s24+s12], $0x1000, s11, s12, $0x38;
	[tilespmem:$0x18600] =	vst v63  }
0x6b: {  	s28 =	simm.s32 @!p0 $0x7A1400;
	s24 =	sand.u32 @!p0 $0xFFFFF80, s26  }
0x6c: {  	s30 =	simm.s32 @!p0 $0x6400;
	s26 =	simm.s32 @!p0 $0x400;
	s24 =	sadd.s32 @!p0 s2, s24  }
0x6d: {  	[tilespmem:s30], [sflag:$0x2] =	stream.strided.gather @!p0 [hbm4b:s24+s26], $0x1000, s28, s26, $0x38;
	[tilespmem:$0x18600] =	vst v63  }
0x6e: {  	s28 =	spop (v2sf)  }
0x6f: {  	s30 =	sshrl.u32 s29, $0x7;
	s24 =	sand.u32 $0xFFFFF80, s28  }
0x70: {  	p0 =	seq.s32 s30, s15;
	s24 =	sadd.s32 s3, s24  }
0x71: {  	[tilespmem:s20], [sflag:$0x5] =	stream.strided.gather [hbm4b:s24+s12], $0x1000, s11, s12, $0x38;
	[tilespmem:$0x18600] =	vst v63  }
0x72: {  	s25 =	simm.s32 @!p0 $0x400;
	s24 =	sand.u32 @!p0 $0xFFFFF80, s29  }
0x73: {  	s26 =	simm.s32 @!p0 $0x7A1400;
	s28 =	simm.s32 @!p0 $0x7400;
	s24 =	sadd.s32 @!p0 s2, s24  }
0x74: {  	[tilespmem:s28], [sflag:$0x2] =	stream.strided.gather @!p0 [hbm4b:s24+s25], $0x1000, s26, s25, $0x38;
	[tilespmem:$0x18600] =	vst v63  }
.Ltmp2:
0x75: {  	s31 =	spop (v2sf);
	(pc) =	sbr.rel .LBB2_2-.Ltmp2, $4  }
0x76: {  	s24 =	sand.u32 $0xFFFFF80, s31  }
0x77: {  	s24 =	sadd.s32 s3, s24  }
0x78: {  	[tilespmem:s21], [sflag:$0x5] =	stream.strided.gather [hbm4b:s24+s12], $0x1000, s11, s12, $0x38;
	[tilespmem:$0x18600] =	vst v63  }
0x79: {  	v3 =	vimm.f32 $0.0e+00;
	s25 =	simm.s32 $0x0;
	s24 =	simm.s32 $0x8  }
.LBB2_4:
0x7a: {  	s0 =	sadd.s32 $0xFFFFFFF8, s24  }
0x7b: {  	s26 =	sand.u32 $0x1F0, s0  }
0x7c: {  	v4 =	vld [tilespmem:s26+$0x0];
	_ =	sdelay $0x1  }
0x7d: {  	s0 =	sand.u32 $0xC, s0  }
0x7e: {  	v5 =	vmov s0;
	s1 =	sor.u32 $0x1, s0  }
0x7f: {  	s28 =	sor.u32 $0x2, s0;
	vm8 =	veq.s32 v5, v0;
	v5 =	vmov s1  }
0x80: {  	s0 =	sor.u32 $0x3, s0;
	vm9 =	veq.s32 v5, v0;
	v5 =	vmov s28;
	v6 =	vnsel vm8, $0x0, v4  }
0x81: {  	vm10 =	veq.s32 v5, v0;
	v5 =	vmov s0;
	v54 =	vnsel vm9, $0x0, v4;
	(xrf0) =	vadd.scan.msk.s32 $0xffff, v6  }
0x82: {  	vm11 =	veq.s32 v5, v0;
	v55 =	vnsel vm10, $0x0, v4;
	(xrf0) =	vadd.scan.msk.s32 $0xffff, v54  }
0x83: {  	v4 =	vnsel vm11, $0x0, v4;
	(xrf0) =	vadd.scan.msk.s32 $0xffff, v55  }
0x84: {  	(xrf0) =	vadd.scan.msk.s32 $0xffff, v4;
	_ =	sdelay $0x2  }
0x85: {  	v4, _, _ =	vpop (xrf0)  }
0x86: {  	v5, _, _ =	vpop (xrf0);
	(v2sf) =	vpush v4, $0xF  }
0x87: {  	(v2sf) =	vpush v5, $0xF;
	v4, _, _ =	vpop (xrf0)  }
0x88: {  	(v2sf) =	vpush v4, $0xF;
	v4, _, _ =	vpop (xrf0)  }
0x89: {  	(v2sf) =	vpush v4, $0xF;
	_ =	sdelay $0x6  }
0x8a: {  	s29 =	smul.u32 $0xAB, s25;
	_ =	sdelay $0x1  }
0x8b: {  	s0 =	sshrl.u32 s29, $0x9  }
0x8c: {  	s0 =	sand.u32 $0x7F, s0  }
0x8d: {  	s0 =	smul.u32 $0x3, s0  }
0x8e: {  	s1 =	spop (v2sf)  }
0x8f: {  	s0 =	ssub.s32 s25, s0;
	s10 =	spop (v2sf)  }
0x90: {  	s0 =	sand.u32 $0xFF, s0;
	s29 =	spop (v2sf)  }
0x91: {  	s13 =	sadd.s32 $0x1, s0;
	s28 =	spop (v2sf)  }
0x92: {  	_ =	swait.ge [sflag:s13], $0x1000  }
0x93: {  	s14 =	sshrl.u32 s1, $0x7;
	s15 =	sshrl.u32 s10, $0x7;
	[sflag:s13] =	ssyncset.done $0x0  }
0x94: {  	p0 =	seq.s32 s15, s14;
	[sflag:s13] =	ssyncadd.s32 $0xFFFFF000  }
0x95: {  	_ =	swait.ge @!p0 [sflag:s13], $0x1000  }
0x96: {  	s30 =	sshrl.u32 s29, $0x7;
	[sflag:s13] =	ssyncset.done @!p0 $0x0  }
0x97: {  	p1 =	seq.s32 s30, s15;
	[sflag:s13] =	ssyncadd.s32 @!p0 $0xFFFFF000  }
0x98: {  	_ =	swait.ge @!p1 [sflag:s13], $0x1000  }
0x99: {  	s31 =	sshrl.u32 s28, $0x7;
	[sflag:s13] =	ssyncset.done @!p1 $0x0  }
0x9a: {  	p0 =	seq.s32 s31, s30;
	[sflag:s13] =	ssyncadd.s32 @!p1 $0xFFFFF000  }
0x9b: {  	_ =	swait.ge @!p0 [sflag:s13], $0x1000  }
0x9c: {  	[sflag:s13] =	ssyncset.done @!p0 $0x0  }
0x9d: {  	s30 =	sadd.s32 $0x4, s0;
	[sflag:s13] =	ssyncadd.s32 @!p0 $0xFFFFF000  }
0x9e: {  	_ =	swait.ge [sflag:s30], $0x4000  }
0x9f: {  	[sflag:s30] =	ssyncset.done $0x0  }
0xa0: {  	[sflag:s30] =	ssyncadd.s32 $0xFFFFC000  }
0xa1: {  	v4 =	vld [tilespmem:s26+$0x200];
	_ =	sdelay $0x4  }
0xa2: {  	v5 =	vnsel vm8, $0x0, v4  }
0xa3: {  	(xrf0) =	vadd.scan.msk.s32 $0xffff, v5;
	_ =	sdelay $0x2  }
0xa4: {  	v5 =	vnsel vm9, $0x0, v4  }
0xa5: {  	(xrf0) =	vadd.scan.msk.s32 $0xffff, v5;
	_ =	sdelay $0x1  }
0xa6: {  	v5, _, _ =	vpop (xrf0)  }
0xa7: {  	(v2sf) =	vpush v5, $0xF;
	v5 =	vnsel vm10, $0x0, v4  }
0xa8: {  	(xrf0) =	vadd.scan.msk.s32 $0xffff, v5  }
0xa9: {  	v4 =	vnsel vm11, $0x0, v4  }
0xaa: {  	v5, _, _ =	vpop (xrf0);
	(xrf0) =	vadd.scan.msk.s32 $0xffff, v4;
	_ =	sdelay $0x2  }
0xab: {  	(v2sf) =	vpush v5, $0xF  }
0xac: {  	v4, _, _ =	vpop (xrf0)  }
0xad: {  	(v2sf) =	vpush v4, $0xF  }
0xae: {  	v4, _, _ =	vpop (xrf0)  }
0xaf: {  	(v2sf) =	vpush v4, $0xF;
	_ =	sdelay $0x1  }
0xb0: {  	s1 =	sand.u32 $0x7F, s1  }
0xb1: {  	s30 =	sand.u32 $0x7F, s10;
	v4 =	vor.u32 s1, v1  }
0xb2: {  	v8 =	vor.u32 s30, v1  }
0xb3: {  	p2 =	sne.s32 s15, s14;
	s0 =	sshll.u32 s0, $0xE;
	v9 =	vor.u32 s30, v2;
	s31 =	spop (v2sf)  }
0xb4: {  	s30 =	sand.u32 $0x7F, s29;
	v5 =	vor.u32 s1, v2;
	s1 =	simm.s32 $0x1000;
	s13 =	sand.u32 $0x7F, s31  }
0xb5: {  	s15 =	simm.s32 $0x1;
	v12 =	vor.u32 s30, v1;
	s1 =	simm.s32 @!p2 $0x0;
	v56 =	vor.u32 s13, v1;
	v7 =	vor.u32 s13, v2;
	s13 =	sor.u32 $0x400, s0  }
0xb6: {  	s15 =	simm.s32 @!p2 $0x0;
	v13 =	vor.u32 s30, v2;
	v4 =	vld.idx.msk [tilespmem:v4+s13+$0x0], $0xffff;
	s1 =	sadd.s32 s1, s13  }
0xb7: {  	s15 =	simm.s32 @!p1 $0x2;
	v8 =	vld.idx.msk [tilespmem:v8+s1+$0x0], $0xffff  }
0xb8: {  	s28 =	sand.u32 $0x7F, s28;
	v9 =	vld.idx.msk [tilespmem:v9+s1+$0x0], $0xffff;
	s1 =	sshll.u32 s15, $0xC  }
0xb9: {  	v16 =	vor.u32 s28, v1;
	v5 =	vld.idx.msk [tilespmem:v5+s13+$0x0], $0xffff;
	s31 =	spop (v2sf);
	s29 =	sadd.s32 s1, s13  }
0xba: {  	v17 =	vor.u32 s28, v2;
	s10 =	sand.u32 $0x7F, s31;
	v12 =	vld.idx.msk [tilespmem:v12+s29+$0x0], $0xffff  }
0xbb: {  	v10 =	vor.u32 s10, v1;
	v13 =	vld.idx.msk [tilespmem:v13+s29+$0x0], $0xffff;
	s31 =	spop (v2sf)  }
0xbc: {  	s1 =	simm.s32 @!p0 $0x3000;
	v11 =	vor.u32 s10, v2;
	v6 =	vld.idx.msk [tilespmem:v56+s0+$0xC400], $0xffff;
	s14 =	sand.u32 $0x7F, s31  }
0xbd: {  	s1 =	sadd.s32 s1, s13;
	v7 =	vld.idx.msk [tilespmem:v7+s0+$0xC400], $0xffff;
	v14 =	vor.u32 s14, v1;
	s30 =	spop (v2sf)  }
0xbe: {  	v16 =	vld.idx.msk [tilespmem:v16+s1+$0x0], $0xffff;
	v15 =	vor.u32 s14, v2;
	s15 =	sand.u32 $0x7F, s30  }
0xbf: {  	v17 =	vld.idx.msk [tilespmem:v17+s1+$0x0], $0xffff;
	v18 =	vor.u32 s15, v1  }
0xc0: {  	v10 =	vld.idx.msk [tilespmem:v10+s0+$0xD400], $0xffff;
	v19 =	vor.u32 s15, v2  }
0xc1: {  	v11 =	vld.idx.msk [tilespmem:v11+s0+$0xD400], $0xffff  }
0xc2: {  	v14 =	vld.idx.msk [tilespmem:v14+s0+$0xE400], $0xffff  }
0xc3: {  	v15 =	vld.idx.msk [tilespmem:v15+s0+$0xE400], $0xffff  }
0xc4: {  	v18 =	vld.idx.msk [tilespmem:v18+s0+$0xF400], $0xffff  }
0xc5: {  	v19 =	vld.idx.msk [tilespmem:v19+s0+$0xF400], $0xffff;
	_ =	sdelay $0x1  }
0xc6: {  	v4 =	vmul.f32 v6, v4;
	v5 =	vmul.f32 v7, v5  }
0xc7: {  	v57 =	vmul.f32 v10, v8;
	v58 =	vmul.f32 v11, v9  }
0xc8: {  	v4 =	vadd.f32 v5, v4;
	v5 =	vmul.f32 v14, v12;
	v59 =	vmul.f32 v15, v13  }
0xc9: {  	v6 =	vadd.f32 v58, v57;
	v60 =	vmul.f32 v18, v16;
	v61 =	vmul.f32 v19, v17  }
0xca: {  	(xrf2) =	vadd.scan.msk.f32 $0xffff, v4;
	v4 =	vadd.f32 v59, v5  }
0xcb: {  	(xrf2) =	vadd.scan.msk.f32 $0xffff, v6;
	v5 =	vadd.f32 v61, v60  }
0xcc: {  	(xrf2) =	vadd.scan.msk.f32 $0xffff, v4  }
0xcd: {  	(xrf2) =	vadd.scan.msk.f32 $0xffff, v5;
	_ =	sdelay $0x6  }
0xce: {  	v4, _, _ =	vpop (xrf2)  }
0xcf: {  	s31 =	sand.u32 $0x3, s25;
	s25 =	sadd.s32 $0x1, s25;
	v4 =	vbroadcast v4, $0xF;
	v5, _, _ =	vpop (xrf2)  }
0xd0: {  	p1 =	sne.s32 s25, $0x80;
	v5 =	vbroadcast v5, $0xF;
	v62, _, _ =	vpop (xrf2)  }
.Ltmp3:
0xd1: {  	v3 =	vsel vm8, v4, v3;
	v4 =	vbroadcast v62, $0xF;
	v63, _, _ =	vpop (xrf2);
	(pc) =	sbr.rel @!p1 .LBB2_5-.Ltmp3, $4  }
0xd2: {  	v3 =	vsel vm9, v5, v3;
	v5 =	vbroadcast v63, $0xF  }
0xd3: {  	v3 =	vsel vm10, v4, v3  }
0xd4: {  	p0 =	sne.s32 s31, $0x3;
	v3 =	vsel vm11, v5, v3  }
0xd5: {  	s24 =	sadd.s32 $0x4, s24;
	[tilespmem:s26+$0x18400] =	vst @!p0 v3  }
.LBB2_2:
0xd6: {  	p0 =	sgt.u32 s25, $0x7D  }
.Ltmp4:
0xd7: {  	_ = 	snop;
	(pc) =	sbr.rel @p0 .LBB2_4-.Ltmp4, $1  }
0xd8: {  	_ =	sdelay $0x3  }
0xd9: {  	s26 =	sand.u32 $0x3F0, s24  }
0xda: {  	v4 =	vld [tilespmem:s26+$0x0];
	_ =	sdelay $0x1  }
0xdb: {  	s28 =	sand.u32 $0xC, s24  }
0xdc: {  	v5 =	vmov s28;
	s29 =	sor.u32 $0x1, s28  }
0xdd: {  	s1 =	sor.u32 $0x2, s28;
	vm8 =	veq.s32 v5, v0;
	v5 =	vmov s29  }
0xde: {  	s28 =	sor.u32 $0x3, s28;
	v7 =	vld [tilespmem:s26+$0x200];
	vm9 =	veq.s32 v5, v0;
	v5 =	vmov s1;
	v6 =	vnsel vm8, $0x0, v4  }
0xdf: {  	vm10 =	veq.s32 v5, v0;
	v5 =	vmov s28;
	v63 =	vnsel vm9, $0x0, v4;
	(xrf0) =	vadd.scan.msk.s32 $0xffff, v6  }
0xe0: {  	vm11 =	veq.s32 v5, v0;
	v5 =	vnsel vm10, $0x0, v4;
	(xrf0) =	vadd.scan.msk.s32 $0xffff, v63  }
0xe1: {  	(xrf0) =	vadd.scan.msk.s32 $0xffff, v5  }
0xe2: {  	v4 =	vnsel vm11, $0x0, v4  }
0xe3: {  	(xrf0) =	vadd.scan.msk.s32 $0xffff, v4;
	v4 =	vnsel vm8, $0x0, v7;
	_ =	sdelay $0x1  }
0xe4: {  	v5, _, _ =	vpop (xrf0);
	(xrf0) =	vadd.scan.msk.s32 $0xffff, v4  }
0xe5: {  	v4, _, _ =	vpop (xrf0);
	(v2sf) =	vpush v5, $0xF  }
0xe6: {  	v5, _, _ =	vpop (xrf0);
	(v2sf) =	vpush v4, $0xF  }
0xe7: {  	(v2sf) =	vpush v5, $0xF;
	v5 =	vnsel vm9, $0x0, v7  }
0xe8: {  	(xrf0) =	vadd.scan.msk.s32 $0xffff, v5  }
0xe9: {  	v4, _, _ =	vpop (xrf0)  }
0xea: {  	(v2sf) =	vpush v4, $0xF;
	v4, _, _ =	vpop (xrf0)  }
0xeb: {  	(v2sf) =	vpush v4, $0xF  }
0xec: {  	s10 =	sadd.s32 $0x2, s25  }
0xed: {  	s13 =	smul.u32 $0xAB, s10  }
0xee: {  	v4 =	vnsel vm10, $0x0, v7;
	v5, _, _ =	vpop (xrf0)  }
0xef: {  	s28 =	sshrl.u32 s13, $0x9;
	(xrf0) =	vadd.scan.msk.s32 $0xffff, v4;
	(v2sf) =	vpush v5, $0xF  }
0xf0: {  	s28 =	sand.u32 $0x7F, s28  }
0xf1: {  	s28 =	smul.u32 $0x3, s28;
	_ =	sdelay $0x1  }
0xf2: {  	s26 =	ssub.s32 s10, s28  }
0xf3: {  	s26 =	sand.u32 $0xFF, s26;
	v4 =	vnsel vm11, $0x0, v7  }
0xf4: {  	s0 =	sshll.u32 s26, $0xE;
	v5, _, _ =	vpop (xrf0);
	(xrf0) =	vadd.scan.msk.s32 $0xffff, v4;
	s14 =	spop (v2sf)  }
0xf5: {  	s10 =	sadd.s32 $0x1, s26;
	s28 =	spop (v2sf);
	s1 =	sand.u32 $0xFFFFF80, s14  }
0xf6: {  	s13 =	sor.u32 $0x400, s0;
	(v2sf) =	vpush v5, $0xF;
	s30 =	spop (v2sf);
	s1 =	sadd.s32 s2, s1  }
0xf7: {  	[tilespmem:s13], [sflag:s10] =	stream.strided.gather [hbm4b:s1+s12], $0x1000, s11, s12, $0x38;
	[tilespmem:$0x18600] =	vst v63  }
0xf8: {  	s15 =	sshrl.u32 s14, $0x7;
	s31 =	spop (v2sf);
	s13 =	sshrl.u32 s28, $0x7  }
0xf9: {  	s26 =	sor.u32 $0x4, s26;
	p0 =	seq.s32 s13, s15;
	s14 =	spop (v2sf)  }
0xfa: {  	v4, _, _ =	vpop (xrf0);
	s28 =	sand.u32 @!p0 $0xFFFFF80, s28;
	s29 =	sadd.s32 @!p0 $0x1400, s0;
	s15 =	sand.u32 $0xFFFFF80, s14  }
0xfb: {  	(v2sf) =	vpush v4, $0xF;
	s28 =	sadd.s32 @!p0 s2, s28;
	s14 =	sadd.s32 $0xC400, s0;
	s1 =	sadd.s32 s3, s15  }
0xfc: {  	[tilespmem:s14], [sflag:s26] =	stream.strided.gather [hbm4b:s1+s12], $0x1000, s11, s12, $0x38;
	[tilespmem:$0x18600] =	vst v63  }
0xfd: {  	s15 =	simm.s32 @!p0 $0x7A1400;
	s14 =	simm.s32 @!p0 $0x400;
	s1 =	spop (v2sf)  }
0xfe: {  	[tilespmem:s29], [sflag:s10] =	stream.strided.gather @!p0 [hbm4b:s28+s14], $0x1000, s15, s14, $0x38;
	[tilespmem:$0x18600] =	vst v63  }
0xff: {  	s14 =	sshrl.u32 s30, $0x7;
	s1 =	sand.u32 $0xFFFFF80, s1  }
0x100: {  	s15 =	sadd.s32 $0xD400, s0;
	p0 =	seq.s32 s14, s13;
	s1 =	sadd.s32 s3, s1  }
0x101: {  	[tilespmem:s15], [sflag:s26] =	stream.strided.gather [hbm4b:s1+s12], $0x1000, s11, s12, $0x38;
	[tilespmem:$0x18600] =	vst v63  }
0x102: {  	s13 =	sand.u32 @!p0 $0xFFFFF80, s30;
	s15 =	sadd.s32 @!p0 $0x2400, s0  }
0x103: {  	s28 =	simm.s32 @!p0 $0x400;
	s29 =	simm.s32 @!p0 $0x7A1400;
	s13 =	sadd.s32 @!p0 s2, s13  }
0x104: {  	[tilespmem:s15], [sflag:s10] =	stream.strided.gather @!p0 [hbm4b:s13+s28], $0x1000, s29, s28, $0x38;
	[tilespmem:$0x18600] =	vst v63  }
0x105: {  	s1 =	spop (v2sf);
	s28 =	sshrl.u32 s31, $0x7  }
0x106: {  	s1 =	sand.u32 $0xFFFFF80, s1;
	p0 =	seq.s32 s28, s14  }
0x107: {  	s29 =	sadd.s32 $0xE400, s0;
	s1 =	sadd.s32 s3, s1;
	s13 =	sand.u32 @!p0 $0xFFFFF80, s31  }
0x108: {  	s14 =	sadd.s32 @!p0 $0x3400, s0;
	s15 =	simm.s32 @!p0 $0x400;
	s28 =	simm.s32 @!p0 $0x7A1400  }
0x109: {  	[tilespmem:s29], [sflag:s26] =	stream.strided.gather [hbm4b:s1+s12], $0x1000, s11, s12, $0x38;
	[tilespmem:$0x18600] =	vst v63  }
.Ltmp5:
0x10a: {  	s13 =	sadd.s32 @!p0 s2, s13;
	s30 =	spop (v2sf);
	(pc) =	sbr.rel .LBB2_4-.Ltmp5, $4  }
0x10b: {  	[tilespmem:s14], [sflag:s10] =	stream.strided.gather @!p0 [hbm4b:s13+s15], $0x1000, s28, s15, $0x38;
	[tilespmem:$0x18600] =	vst v63  }
0x10c: {  	s1 =	sand.u32 $0xFFFFF80, s30  }
0x10d: {  	s0 =	sadd.s32 $0xF400, s0;
	s1 =	sadd.s32 s3, s1  }
0x10e: {  	[tilespmem:s0], [sflag:s26] =	stream.strided.gather [hbm4b:s1+s12], $0x1000, s11, s12, $0x38;
	[tilespmem:$0x18600] =	vst v63  }
.LBB2_6:
0x10f: {  	_ =	sfence.sel $0x180000  }
0x110: {  	[bflag:$0x0] =	sbarrier.arrive $0xFFFF  }
0x111: {  	_ =	strace $0x9000004D  }
0x112: {  	s0 =	stileid.u32;
	[bflag:$0x2] =	sbarrier.arrive $0xFFFF  }
0x113: {  	p0 =	sne.s32 s0, $0x0;
	s0 =	rddreg [dreg:$0x3]  }
0x114: {  	s0 =	sadd.s32 @!p0 $0x100000, s0  }
0x115: {  	[sflag:s0] =	ssyncadd.tile.s32 @!p0 $0x1;
	_ =	shalt  }
.Lfunc_end2:
_tile_overlayer_lowered:
.L_overlay_start_2:
0x116: {  	(tag) =	ssettag $0x2  }
0x117: {  	s0 =	rddreg [dreg:$0x0];
	s2 =	stileid.u32  }
0x118: {  	s1 =	rddreg [dreg:$0x1];
	p0 =	sne.s32 s2, $0x0  }
0x119: {  	s3 =	rddreg [dreg:$0x2];
	[bflag:$0x3] =	sbarrier.arrive $0xFFFF;
	s2 =	simm.s32 @!p0 $0x1C07  }
0x11a: {  	[timem:s3], [sflag:s2] =	dma.local @!p0 [hbm:s0], s1  }
0x11b: {  	s0 =	simm.s32 @!p0 $0x7  }
0x11c: {  	_ =	swait.ge @!p0 [sflag:s0], s1  }
0x11d: {  	s1 =	ssub.s32 @!p0 $0x0, s1;
	[sflag:s0] =	ssyncset.done @!p0 $0x0  }
0x11e: {  	[sflag:s0] =	ssyncadd.s32 @!p0 s1  }
0x11f: {  	[bflag:$0x3] =	sbarrier.arrive $0xFFFF  }
0x120: {  	_ =	shalt  }

</sc_bundles>
